<compile_context>
chip_gen: v7x
topology: tpu7x:2x2x1
jax: 0.10.2.dev20260603
libtpu: 0.0.44.dev20260713+nightly
codegen_flags: <defaults>
</compile_context>

<pallas_src>
import functools

import jax
import jax.numpy as jnp
from jax import lax
from jax.experimental import pallas as pl
from jax.experimental.pallas import tpu as pltpu
from jax.experimental.pallas import tpu_sc as plsc

N = 10000
E = 160000
D = 256
H = 128
NC = 2
NS = 16
CB = 128
GC = 8
G = 10
NB = G * GC
EPT = NB * CB
EP = NS * EPT
ROWS_PT = 632
NR = NS * ROWS_PT
SUB = 4
SB = CB // SUB


def _sc_aggregate(x2, idx_all, dst_all, z128, o128):
    mesh = plsc.VectorSubcoreMesh(core_axis_name="c", subcore_axis_name="s")

    @functools.partial(
        pl.kernel,
        mesh=mesh,
        out_type=[
            jax.ShapeDtypeStruct((NC, NR, H), jnp.float32),
            jax.ShapeDtypeStruct((NC, NR, H), jnp.float32),
        ],
        scratch_types=[
            pltpu.VMEM_SHARED((NR, H), jnp.float32),
            pltpu.VMEM((2, GC, CB), jnp.int32),
            pltpu.VMEM((2, GC, CB), jnp.int32),
            pltpu.VMEM((2, CB, H), jnp.float32),
            pltpu.SemaphoreType.DMA,
            pltpu.SemaphoreType.DMA,
            pltpu.SemaphoreType.DMA,
        ],
    )
    def sc_kernel(x2_hbm, idx_hbm, dst_hbm, z128_hbm, o128_hbm,
                  agg_hbm, deg_hbm,
                  agg_sh, idx_v, dst_v, rows_v, gsem, ssem, isem):
        c = lax.axis_index("c")
        s = lax.axis_index("s")
        row0 = s * ROWS_PT

        def zero_table():
            pltpu.sync_copy(z128_hbm, rows_v.at[0])
            for q in range(5):
                n = CB if q < 4 else ROWS_PT - 4 * CB
                pltpu.sync_copy(rows_v.at[0, pl.ds(0, n)],
                                agg_sh.at[pl.ds(row0 + CB * q, n)])

        def copy_table_out(out_hbm):
            for q in range(5):
                n = CB if q < 4 else ROWS_PT - 4 * CB
                pltpu.sync_copy(agg_sh.at[pl.ds(row0 + CB * q, n)],
                                rows_v.at[0, pl.ds(0, n)])
                pltpu.sync_copy(rows_v.at[0, pl.ds(0, n)],
                                out_hbm.at[c, pl.ds(row0 + CB * q, n)])

        zero_table()
        plsc.subcore_barrier()

        def issue_gather(gb_, kk_, b_):
            for q in range(SUB):
                pltpu.async_copy(
                    x2_hbm.at[idx_v.at[gb_, kk_, pl.ds(q * SB, SB)]],
                    rows_v.at[b_, pl.ds(q * SB, SB)], gsem)

        pltpu.sync_copy(idx_hbm.at[c, s, pl.ds(0, GC)], idx_v.at[0])
        pltpu.sync_copy(dst_hbm.at[s, pl.ds(0, GC)], dst_v.at[0])
        issue_gather(0, 0, 0)

        def chunk(j, _):
            b = lax.rem(j, 2)
            g = j // GC
            gb = lax.rem(g, 2)
            kk = lax.rem(j, GC)

            @pl.when((kk == 0) & (j + GC < NB))
            def _():
                nb = 1 - gb
                pltpu.async_copy(
                    idx_hbm.at[c, s, pl.ds((g + 1) * GC, GC)],
                    idx_v.at[nb], isem)
                pltpu.async_copy(
                    dst_hbm.at[s, pl.ds((g + 1) * GC, GC)],
                    dst_v.at[nb], isem)

            @pl.when(j >= 1)
            def _():
                pltpu.make_async_copy(
                    rows_v.at[1 - b], agg_sh.at[dst_v.at[gb, kk]],
                    ssem).wait()
            pltpu.make_async_copy(
                x2_hbm.at[idx_v.at[gb, kk]], rows_v.at[b], gsem).wait()
            pltpu.async_copy(
                rows_v.at[b], agg_sh.at[dst_v.at[gb, kk]], ssem, add=True)

            @pl.when(j + 1 < NB)
            def _():
                j1 = j + 1
                gb1 = lax.rem(j1 // GC, 2)
                kk1 = lax.rem(j1, GC)

                @pl.when(kk1 == 0)
                def _():
                    pltpu.make_async_copy(
                        idx_hbm.at[c, s, pl.ds(0, GC)], idx_v.at[gb1],
                        isem).wait()
                    pltpu.make_async_copy(
                        dst_hbm.at[s, pl.ds(0, GC)], dst_v.at[gb1],
                        isem).wait()

                issue_gather(gb1, kk1, 1 - b)
            return 0

        lax.fori_loop(0, NB, chunk, 0, unroll=False)
        pltpu.make_async_copy(
            rows_v.at[0], agg_sh.at[dst_v.at[0, 0]], ssem).wait()
        plsc.subcore_barrier()
        copy_table_out(agg_hbm)
        plsc.subcore_barrier()

        zero_table()
        plsc.subcore_barrier()
        pltpu.sync_copy(o128_hbm, rows_v.at[0])

        def group2(g, _):
            g2 = c * (G // 2) + g
            pltpu.sync_copy(dst_hbm.at[s, pl.ds(g2 * GC, GC)], dst_v.at[0])

            def fire(k, _):
                pltpu.async_copy(
                    rows_v.at[0], agg_sh.at[dst_v.at[0, k]], ssem, add=True)
                return 0

            lax.fori_loop(0, GC, fire, 0, unroll=False)

            def drain(k, _):
                pltpu.make_async_copy(
                    rows_v.at[0], agg_sh.at[dst_v.at[0, k]], ssem).wait()
                return 0

            lax.fori_loop(0, GC, drain, 0, unroll=False)
            return 0

        lax.fori_loop(0, G // 2, group2, 0, unroll=False)
        plsc.subcore_barrier()
        copy_table_out(deg_hbm)

    return sc_kernel(x2, idx_all, dst_all, z128, o128)


BLK = 1000


def _tc_body(a0_ref, a1_ref, d0_ref, d1_ref, x_ref, w1a_ref, w1b_ref, w2_ref,
             o_ref):
    deg = jnp.maximum(d0_ref[:, :1] + d1_ref[:, :1], 1.0)
    inv = 1.0 / deg
    m = jnp.dot(a0_ref[...] * inv, w1a_ref[...],
                preferred_element_type=jnp.float32)
    m += jnp.dot(a1_ref[...] * inv, w1b_ref[...],
                 preferred_element_type=jnp.float32)
    o_ref[...] = m + jnp.dot(x_ref[...], w2_ref[...],
                             preferred_element_type=jnp.float32)


def _tc_combine(a0, a1, d0, d1, x, w1aT, w1bT, w2T):
    grid = (N // BLK,)
    return pl.pallas_call(
        _tc_body,
        grid=grid,
        in_specs=[
            pl.BlockSpec((BLK, H), lambda i: (i, 0)),
            pl.BlockSpec((BLK, H), lambda i: (i, 0)),
            pl.BlockSpec((BLK, 1), lambda i: (i, 0)),
            pl.BlockSpec((BLK, 1), lambda i: (i, 0)),
            pl.BlockSpec((BLK, D), lambda i: (i, 0)),
            pl.BlockSpec((H, D), lambda i: (0, 0)),
            pl.BlockSpec((H, D), lambda i: (0, 0)),
            pl.BlockSpec((D, D), lambda i: (0, 0)),
        ],
        out_specs=pl.BlockSpec((BLK, D), lambda i: (i, 0)),
        out_shape=jax.ShapeDtypeStruct((N, D), jnp.float32),
    )(a0, a1, d0, d1, x, w1aT, w1bT, w2T)


@jax.jit
def kernel(in_features, edge_index, W1, W2):
    src = edge_index[0]
    dst = edge_index[1]

    x2 = jnp.concatenate(
        [in_features.reshape(2 * N, H), jnp.zeros((8, H), jnp.float32)])
    srcp = jnp.concatenate([src, jnp.full((EP - E,), N, jnp.int32)])
    dstp = jnp.concatenate([dst, jnp.full((EP - E,), N, jnp.int32)])
    idx2 = srcp * 2
    idx_all = jnp.stack([idx2, idx2 + 1]).reshape(NC, NS, NB, CB)
    dst_all = dstp.reshape(NS, NB, CB)
    z128 = jnp.zeros((CB, H), jnp.float32)
    o128 = jnp.ones((CB, H), jnp.float32)

    agg, deg = _sc_aggregate(x2, idx_all, dst_all, z128, o128)

    w1aT = W1[:, :H].T
    w1bT = W1[:, H:].T
    w2T = W2.T
    return _tc_combine(agg[0, :N], agg[1, :N],
                       deg[0, :N, :1], deg[1, :N, :1],
                       in_features, w1aT, w1bT, w2T)

# --- scband reference (transcript-rebuilt; emitter-appended) ---
"""Pipeline reference for scband-dist-sage-conv-22050362098335 (READ-ONLY COPY).

The authoritative reference and input builder live on the scoring server;
editing this copy changes nothing except your own understanding.
"""

import jax, jax.numpy as jnp
import numpy as np

N = 10000      # n_nodes
E = 160000     # n_edges
D_IN = 256
D_OUT = 256


def setup_inputs(seed: int = 0) -> dict:
    key = jax.random.key(seed)
    k1, k2, k3, k4 = jax.random.split(key, 4)
    x = jax.random.normal(k1, (N, D_IN), dtype=jnp.float32)
    edge_index = jax.random.randint(k2, (2, E), 0, N, dtype=jnp.int32)
    # xavier_uniform with gain=calculate_gain('relu')=sqrt(2)
    gain = float(np.sqrt(2.0))
    bound = gain * float(np.sqrt(6.0 / (D_IN + D_OUT)))
    W1 = jax.random.uniform(k3, (D_OUT, D_IN), minval=-bound, maxval=bound, dtype=jnp.float32)  # fc1 (neighbor)
    W2 = jax.random.uniform(k4, (D_OUT, D_IN), minval=-bound, maxval=bound, dtype=jnp.float32)  # fc2 (self)
    return {"in_features": x, "edge_index": edge_index, "W1": W1, "W2": W2}


def reference(in_features, edge_index, W1, W2):
    # DistSageConv forward with 'sum' aggregation, single-chip equivalent of the
    # 4-GPU gather_local/gather_remote + Shuffle merge: a full scatter-add over edges.
    src = edge_index[0]
    dst = edge_index[1]
    # in_feats (256) is NOT > out_feats (256), so fc1 is applied AFTER aggregation
    out = in_features
    # gather source-node features along edges (SparseCore gather)
    msgs = jnp.take(out, src, axis=0)
    # merged local+remote aggregation == scatter-add into dst nodes
    agg = jax.ops.segment_sum(msgs, dst, num_segments=N)
    # out_degrees of the bipartite graph destinations (asserted nonzero in torch; clamp for safety)
    deg = jax.ops.segment_sum(jnp.ones((E,), dtype=jnp.float32), dst, num_segments=N)
    deg = jnp.maximum(deg, 1.0)
    out4 = agg / deg[:, None]
    out4 = out4 @ W1.T           # fc1 applied post-aggregation
    out5 = in_features           # self_gather of destination features
    out6 = out5 @ W2.T           # fc2
    final = out4 + out6
    return final

if __name__ == "__main__":
    import jax
    _d = setup_inputs()
    print(jax.jit(kernel)(*tuple(_d.values())))

</pallas_src>

<mosaic_0001>
#map = affine_map<(d0, d1) -> (0, 0)>
#map1 = affine_map<(d0, d1) -> (0, 0, 0, 0)>
#map2 = affine_map<(d0, d1) -> (0, 0, 0)>
module attributes {stable_mosaic.version = 14 : i64} {
  func.func @sc_kernel(%arg0: i32, %arg1: i32, %arg2: memref<20008x128xf32, #tpu.memory_space<hbm>>, %arg3: memref<2x16x80x128xi32, #tpu.memory_space<hbm>>, %arg4: memref<16x80x128xi32, #tpu.memory_space<hbm>>, %arg5: memref<128x128xf32, #tpu.memory_space<hbm>>, %arg6: memref<128x128xf32, #tpu.memory_space<hbm>>, %arg7: memref<2x10112x128xf32, #tpu.memory_space<hbm>>, %arg8: memref<2x10112x128xf32, #tpu.memory_space<hbm>>, %arg9: memref<10112x128xf32, #tpu.memory_space<vmem_shared>>, %arg10: memref<2x8x128xi32, #tpu.memory_space<vmem>>, %arg11: memref<2x8x128xi32, #tpu.memory_space<vmem>>, %arg12: memref<2x128x128xf32, #tpu.memory_space<vmem>>, %arg13: memref<!tpu.dma_semaphore, #tpu.memory_space<semaphore_mem>>, %arg14: memref<!tpu.dma_semaphore, #tpu.memory_space<semaphore_mem>>, %arg15: memref<!tpu.dma_semaphore, #tpu.memory_space<semaphore_mem>>) attributes {dimension_semantics = [#tpu.dimension_semantics<core_parallel>, #tpu.dimension_semantics<subcore_parallel>], iteration_bounds = array<i64: 2, 16>, scalar_prefetch = 0 : i64, scratch_operands = 7 : i64, tpu.core_type = #tpu.core_type<sc_vector_subcore>, window_params = [{transform_indices = #map}, {transform_indices = #map1}, {transform_indices = #map2}, {transform_indices = #map}, {transform_indices = #map}, {transform_indices = #map2}, {transform_indices = #map2}]} {
    %mul3A = arith.constant 632 : i32
    %mul3A_0 = arith.muli %arg1, %mul3A : i32
    %run_scoped3A = arith.constant 0 : i32
    "tpu.region"() ({
      %run_scoped3A_174 = tpu.sem_alloc : memref<!tpu.dma_semaphore, #tpu.memory_space<semaphore_mem>>
      %dma_start3A_175 = arith.constant 0 : i32
      %dma_start3A_176 = arith.constant 0 : i32
      %dma_start3A_177 = tpu.memref_slice %arg12[%run_scoped3A, %dma_start3A_175, %dma_start3A_176] : memref<2x128x128xf32, #tpu.memory_space<vmem>> -> memref<1x128x128xf32, #tpu.memory_space<vmem>>
      %dma_start3A_178 = tpu.memref_squeeze %dma_start3A_177 : memref<1x128x128xf32, #tpu.memory_space<vmem>> -> memref<128x128xf32, #tpu.memory_space<vmem>>
      %dma_start3A_179 = arith.constant 0 : i32
      %dma_start3A_180 = arith.constant 0 : i32
      %dma_start3A_181 = tpu.memref_slice %arg12[%run_scoped3A, %dma_start3A_179, %dma_start3A_180] : memref<2x128x128xf32, #tpu.memory_space<vmem>> -> memref<1x128x128xf32, #tpu.memory_space<vmem>>
      %dma_start3A_182 = tpu.memref_squeeze %dma_start3A_181 : memref<1x128x128xf32, #tpu.memory_space<vmem>> -> memref<128x128xf32, #tpu.memory_space<vmem>>
      tpu.enqueue_dma source(%arg5 : memref<128x128xf32, #tpu.memory_space<hbm>>) target(%dma_start3A_182 : memref<128x128xf32, #tpu.memory_space<vmem>>) target_semaphore(%run_scoped3A_174 : memref<!tpu.dma_semaphore, #tpu.memory_space<semaphore_mem>>)
      %dma_wait3A_183 = arith.constant 0 : i32
      %dma_wait3A_184 = arith.constant 0 : i32
      %dma_wait3A_185 = tpu.memref_slice %arg12[%run_scoped3A, %dma_wait3A_183, %dma_wait3A_184] : memref<2x128x128xf32, #tpu.memory_space<vmem>> -> memref<1x128x128xf32, #tpu.memory_space<vmem>>
      %dma_wait3A_186 = tpu.memref_squeeze %dma_wait3A_185 : memref<1x128x128xf32, #tpu.memory_space<vmem>> -> memref<128x128xf32, #tpu.memory_space<vmem>>
      %dma_wait3A_187 = arith.constant 0 : i32
      %dma_wait3A_188 = arith.constant 0 : i32
      %dma_wait3A_189 = tpu.memref_slice %arg12[%run_scoped3A, %dma_wait3A_187, %dma_wait3A_188] : memref<2x128x128xf32, #tpu.memory_space<vmem>> -> memref<1x128x128xf32, #tpu.memory_space<vmem>>
      %dma_wait3A_190 = tpu.memref_squeeze %dma_wait3A_189 : memref<1x128x128xf32, #tpu.memory_space<vmem>> -> memref<128x128xf32, #tpu.memory_space<vmem>>
      tpu.wait_dma2 semaphore(%run_scoped3A_174 : memref<!tpu.dma_semaphore, #tpu.memory_space<semaphore_mem>>) src(%arg5 : memref<128x128xf32, #tpu.memory_space<hbm>>) dst(%dma_wait3A_190 : memref<128x128xf32, #tpu.memory_space<vmem>>)
      tpu.yield
    }) : () -> ()
    %add3A = arith.constant 0 : i32
    %add3A_1 = arith.addi %mul3A_0, %add3A : i32
    %run_scoped3A_2 = arith.constant 0 : i32
    "tpu.region"() ({
      %run_scoped3A_174 = tpu.sem_alloc : memref<!tpu.dma_semaphore, #tpu.memory_space<semaphore_mem>>
      %dma_start3A_175 = arith.constant 0 : i32
      %dma_start3A_176 = arith.constant 0 : i32
      %dma_start3A_177 = tpu.memref_slice %arg12[%run_scoped3A_2, %dma_start3A_175, %dma_start3A_176] : memref<2x128x128xf32, #tpu.memory_space<vmem>> -> memref<1x128x128xf32, #tpu.memory_space<vmem>>
      %dma_start3A_178 = tpu.memref_squeeze %dma_start3A_177 : memref<1x128x128xf32, #tpu.memory_space<vmem>> -> memref<128x128xf32, #tpu.memory_space<vmem>>
      %dma_start3A_179 = arith.constant 0 : i32
      %dma_start3A_180 = tpu.memref_slice %arg9[%add3A_1, %dma_start3A_179] : memref<10112x128xf32, #tpu.memory_space<vmem_shared>> -> memref<128x128xf32, #tpu.memory_space<vmem_shared>>
      %dma_start3A_181 = arith.constant 0 : i32
      %dma_start3A_182 = tpu.memref_slice %arg9[%add3A_1, %dma_start3A_181] : memref<10112x128xf32, #tpu.memory_space<vmem_shared>> -> memref<128x128xf32, #tpu.memory_space<vmem_shared>>
      %dma_start3A_183 = arith.constant 0 : i32
      %dma_start3A_184 = arith.constant 0 : i32
      %dma_start3A_185 = tpu.memref_slice %arg12[%run_scoped3A_2, %dma_start3A_183, %dma_start3A_184] : memref<2x128x128xf32, #tpu.memory_space<vmem>> -> memref<1x128x128xf32, #tpu.memory_space<vmem>>
      %dma_start3A_186 = tpu.memref_squeeze %dma_start3A_185 : memref<1x128x128xf32, #tpu.memory_space<vmem>> -> memref<128x128xf32, #tpu.memory_space<vmem>>
      tpu.enqueue_dma source(%dma_start3A_186 : memref<128x128xf32, #tpu.memory_space<vmem>>) target(%dma_start3A_182 : memref<128x128xf32, #tpu.memory_space<vmem_shared>>) target_semaphore(%run_scoped3A_174 : memref<!tpu.dma_semaphore, #tpu.memory_space<semaphore_mem>>)
      %dma_wait3A_187 = arith.constant 0 : i32
      %dma_wait3A_188 = arith.constant 0 : i32
      %dma_wait3A_189 = tpu.memref_slice %arg12[%run_scoped3A_2, %dma_wait3A_187, %dma_wait3A_188] : memref<2x128x128xf32, #tpu.memory_space<vmem>> -> memref<1x128x128xf32, #tpu.memory_space<vmem>>
      %dma_wait3A_190 = tpu.memref_squeeze %dma_wait3A_189 : memref<1x128x128xf32, #tpu.memory_space<vmem>> -> memref<128x128xf32, #tpu.memory_space<vmem>>
      %dma_wait3A_191 = arith.constant 0 : i32
      %dma_wait3A_192 = tpu.memref_slice %arg9[%add3A_1, %dma_wait3A_191] : memref<10112x128xf32, #tpu.memory_space<vmem_shared>> -> memref<128x128xf32, #tpu.memory_space<vmem_shared>>
      %dma_wait3A_193 = arith.constant 0 : i32
      %dma_wait3A_194 = tpu.memref_slice %arg9[%add3A_1, %dma_wait3A_193] : memref<10112x128xf32, #tpu.memory_space<vmem_shared>> -> memref<128x128xf32, #tpu.memory_space<vmem_shared>>
      %dma_wait3A_195 = arith.constant 0 : i32
      %dma_wait3A_196 = arith.constant 0 : i32
      %dma_wait3A_197 = tpu.memref_slice %arg12[%run_scoped3A_2, %dma_wait3A_195, %dma_wait3A_196] : memref<2x128x128xf32, #tpu.memory_space<vmem>> -> memref<1x128x128xf32, #tpu.memory_space<vmem>>
      %dma_wait3A_198 = tpu.memref_squeeze %dma_wait3A_197 : memref<1x128x128xf32, #tpu.memory_space<vmem>> -> memref<128x128xf32, #tpu.memory_space<vmem>>
      tpu.wait_dma2 semaphore(%run_scoped3A_174 : memref<!tpu.dma_semaphore, #tpu.memory_space<semaphore_mem>>) src(%dma_wait3A_198 : memref<128x128xf32, #tpu.memory_space<vmem>>) dst(%dma_wait3A_194 : memref<128x128xf32, #tpu.memory_space<vmem_shared>>)
      tpu.yield
    }) : () -> ()
    %add3A_3 = arith.constant 128 : i32
    %add3A_4 = arith.addi %mul3A_0, %add3A_3 : i32
    %run_scoped3A_5 = arith.constant 0 : i32
    "tpu.region"() ({
      %run_scoped3A_174 = tpu.sem_alloc : memref<!tpu.dma_semaphore, #tpu.memory_space<semaphore_mem>>
      %dma_start3A_175 = arith.constant 0 : i32
      %dma_start3A_176 = arith.constant 0 : i32
      %dma_start3A_177 = tpu.memref_slice %arg12[%run_scoped3A_5, %dma_start3A_175, %dma_start3A_176] : memref<2x128x128xf32, #tpu.memory_space<vmem>> -> memref<1x128x128xf32, #tpu.memory_space<vmem>>
      %dma_start3A_178 = tpu.memref_squeeze %dma_start3A_177 : memref<1x128x128xf32, #tpu.memory_space<vmem>> -> memref<128x128xf32, #tpu.memory_space<vmem>>
      %dma_start3A_179 = arith.constant 0 : i32
      %dma_start3A_180 = tpu.memref_slice %arg9[%add3A_4, %dma_start3A_179] : memref<10112x128xf32, #tpu.memory_space<vmem_shared>> -> memref<128x128xf32, #tpu.memory_space<vmem_shared>>
      %dma_start3A_181 = arith.constant 0 : i32
      %dma_start3A_182 = tpu.memref_slice %arg9[%add3A_4, %dma_start3A_181] : memref<10112x128xf32, #tpu.memory_space<vmem_shared>> -> memref<128x128xf32, #tpu.memory_space<vmem_shared>>
      %dma_start3A_183 = arith.constant 0 : i32
      %dma_start3A_184 = arith.constant 0 : i32
      %dma_start3A_185 = tpu.memref_slice %arg12[%run_scoped3A_5, %dma_start3A_183, %dma_start3A_184] : memref<2x128x128xf32, #tpu.memory_space<vmem>> -> memref<1x128x128xf32, #tpu.memory_space<vmem>>
      %dma_start3A_186 = tpu.memref_squeeze %dma_start3A_185 : memref<1x128x128xf32, #tpu.memory_space<vmem>> -> memref<128x128xf32, #tpu.memory_space<vmem>>
      tpu.enqueue_dma source(%dma_start3A_186 : memref<128x128xf32, #tpu.memory_space<vmem>>) target(%dma_start3A_182 : memref<128x128xf32, #tpu.memory_space<vmem_shared>>) target_semaphore(%run_scoped3A_174 : memref<!tpu.dma_semaphore, #tpu.memory_space<semaphore_mem>>)
      %dma_wait3A_187 = arith.constant 0 : i32
      %dma_wait3A_188 = arith.constant 0 : i32
      %dma_wait3A_189 = tpu.memref_slice %arg12[%run_scoped3A_5, %dma_wait3A_187, %dma_wait3A_188] : memref<2x128x128xf32, #tpu.memory_space<vmem>> -> memref<1x128x128xf32, #tpu.memory_space<vmem>>
      %dma_wait3A_190 = tpu.memref_squeeze %dma_wait3A_189 : memref<1x128x128xf32, #tpu.memory_space<vmem>> -> memref<128x128xf32, #tpu.memory_space<vmem>>
      %dma_wait3A_191 = arith.constant 0 : i32
      %dma_wait3A_192 = tpu.memref_slice %arg9[%add3A_4, %dma_wait3A_191] : memref<10112x128xf32, #tpu.memory_space<vmem_shared>> -> memref<128x128xf32, #tpu.memory_space<vmem_shared>>
      %dma_wait3A_193 = arith.constant 0 : i32
      %dma_wait3A_194 = tpu.memref_slice %arg9[%add3A_4, %dma_wait3A_193] : memref<10112x128xf32, #tpu.memory_space<vmem_shared>> -> memref<128x128xf32, #tpu.memory_space<vmem_shared>>
      %dma_wait3A_195 = arith.constant 0 : i32
      %dma_wait3A_196 = arith.constant 0 : i32
      %dma_wait3A_197 = tpu.memref_slice %arg12[%run_scoped3A_5, %dma_wait3A_195, %dma_wait3A_196] : memref<2x128x128xf32, #tpu.memory_space<vmem>> -> memref<1x128x128xf32, #tpu.memory_space<vmem>>
      %dma_wait3A_198 = tpu.memref_squeeze %dma_wait3A_197 : memref<1x128x128xf32, #tpu.memory_space<vmem>> -> memref<128x128xf32, #tpu.memory_space<vmem>>
      tpu.wait_dma2 semaphore(%run_scoped3A_174 : memref<!tpu.dma_semaphore, #tpu.memory_space<semaphore_mem>>) src(%dma_wait3A_198 : memref<128x128xf32, #tpu.memory_space<vmem>>) dst(%dma_wait3A_194 : memref<128x128xf32, #tpu.memory_space<vmem_shared>>)
      tpu.yield
    }) : () -> ()
    %add3A_6 = arith.constant 256 : i32
    %add3A_7 = arith.addi %mul3A_0, %add3A_6 : i32
    %run_scoped3A_8 = arith.constant 0 : i32
    "tpu.region"() ({
      %run_scoped3A_174 = tpu.sem_alloc : memref<!tpu.dma_semaphore, #tpu.memory_space<semaphore_mem>>
      %dma_start3A_175 = arith.constant 0 : i32
      %dma_start3A_176 = arith.constant 0 : i32
      %dma_start3A_177 = tpu.memref_slice %arg12[%run_scoped3A_8, %dma_start3A_175, %dma_start3A_176] : memref<2x128x128xf32, #tpu.memory_space<vmem>> -> memref<1x128x128xf32, #tpu.memory_space<vmem>>
      %dma_start3A_178 = tpu.memref_squeeze %dma_start3A_177 : memref<1x128x128xf32, #tpu.memory_space<vmem>> -> memref<128x128xf32, #tpu.memory_space<vmem>>
      %dma_start3A_179 = arith.constant 0 : i32
      %dma_start3A_180 = tpu.memref_slice %arg9[%add3A_7, %dma_start3A_179] : memref<10112x128xf32, #tpu.memory_space<vmem_shared>> -> memref<128x128xf32, #tpu.memory_space<vmem_shared>>
      %dma_start3A_181 = arith.constant 0 : i32
      %dma_start3A_182 = tpu.memref_slice %arg9[%add3A_7, %dma_start3A_181] : memref<10112x128xf32, #tpu.memory_space<vmem_shared>> -> memref<128x128xf32, #tpu.memory_space<vmem_shared>>
      %dma_start3A_183 = arith.constant 0 : i32
      %dma_start3A_184 = arith.constant 0 : i32
      %dma_start3A_185 = tpu.memref_slice %arg12[%run_scoped3A_8, %dma_start3A_183, %dma_start3A_184] : memref<2x128x128xf32, #tpu.memory_space<vmem>> -> memref<1x128x128xf32, #tpu.memory_space<vmem>>
      %dma_start3A_186 = tpu.memref_squeeze %dma_start3A_185 : memref<1x128x128xf32, #tpu.memory_space<vmem>> -> memref<128x128xf32, #tpu.memory_space<vmem>>
      tpu.enqueue_dma source(%dma_start3A_186 : memref<128x128xf32, #tpu.memory_space<vmem>>) target(%dma_start3A_182 : memref<128x128xf32, #tpu.memory_space<vmem_shared>>) target_semaphore(%run_scoped3A_174 : memref<!tpu.dma_semaphore, #tpu.memory_space<semaphore_mem>>)
      %dma_wait3A_187 = arith.constant 0 : i32
      %dma_wait3A_188 = arith.constant 0 : i32
      %dma_wait3A_189 = tpu.memref_slice %arg12[%run_scoped3A_8, %dma_wait3A_187, %dma_wait3A_188] : memref<2x128x128xf32, #tpu.memory_space<vmem>> -> memref<1x128x128xf32, #tpu.memory_space<vmem>>
      %dma_wait3A_190 = tpu.memref_squeeze %dma_wait3A_189 : memref<1x128x128xf32, #tpu.memory_space<vmem>> -> memref<128x128xf32, #tpu.memory_space<vmem>>
      %dma_wait3A_191 = arith.constant 0 : i32
      %dma_wait3A_192 = tpu.memref_slice %arg9[%add3A_7, %dma_wait3A_191] : memref<10112x128xf32, #tpu.memory_space<vmem_shared>> -> memref<128x128xf32, #tpu.memory_space<vmem_shared>>
      %dma_wait3A_193 = arith.constant 0 : i32
      %dma_wait3A_194 = tpu.memref_slice %arg9[%add3A_7, %dma_wait3A_193] : memref<10112x128xf32, #tpu.memory_space<vmem_shared>> -> memref<128x128xf32, #tpu.memory_space<vmem_shared>>
      %dma_wait3A_195 = arith.constant 0 : i32
      %dma_wait3A_196 = arith.constant 0 : i32
      %dma_wait3A_197 = tpu.memref_slice %arg12[%run_scoped3A_8, %dma_wait3A_195, %dma_wait3A_196] : memref<2x128x128xf32, #tpu.memory_space<vmem>> -> memref<1x128x128xf32, #tpu.memory_space<vmem>>
      %dma_wait3A_198 = tpu.memref_squeeze %dma_wait3A_197 : memref<1x128x128xf32, #tpu.memory_space<vmem>> -> memref<128x128xf32, #tpu.memory_space<vmem>>
      tpu.wait_dma2 semaphore(%run_scoped3A_174 : memref<!tpu.dma_semaphore, #tpu.memory_space<semaphore_mem>>) src(%dma_wait3A_198 : memref<128x128xf32, #tpu.memory_space<vmem>>) dst(%dma_wait3A_194 : memref<128x128xf32, #tpu.memory_space<vmem_shared>>)
      tpu.yield
    }) : () -> ()
    %add3A_9 = arith.constant 384 : i32
    %add3A_10 = arith.addi %mul3A_0, %add3A_9 : i32
    %run_scoped3A_11 = arith.constant 0 : i32
    "tpu.region"() ({
      %run_scoped3A_174 = tpu.sem_alloc : memref<!tpu.dma_semaphore, #tpu.memory_space<semaphore_mem>>
      %dma_start3A_175 = arith.constant 0 : i32
      %dma_start3A_176 = arith.constant 0 : i32
      %dma_start3A_177 = tpu.memref_slice %arg12[%run_scoped3A_11, %dma_start3A_175, %dma_start3A_176] : memref<2x128x128xf32, #tpu.memory_space<vmem>> -> memref<1x128x128xf32, #tpu.memory_space<vmem>>
      %dma_start3A_178 = tpu.memref_squeeze %dma_start3A_177 : memref<1x128x128xf32, #tpu.memory_space<vmem>> -> memref<128x128xf32, #tpu.memory_space<vmem>>
      %dma_start3A_179 = arith.constant 0 : i32
      %dma_start3A_180 = tpu.memref_slice %arg9[%add3A_10, %dma_start3A_179] : memref<10112x128xf32, #tpu.memory_space<vmem_shared>> -> memref<128x128xf32, #tpu.memory_space<vmem_shared>>
      %dma_start3A_181 = arith.constant 0 : i32
      %dma_start3A_182 = tpu.memref_slice %arg9[%add3A_10, %dma_start3A_181] : memref<10112x128xf32, #tpu.memory_space<vmem_shared>> -> memref<128x128xf32, #tpu.memory_space<vmem_shared>>
      %dma_start3A_183 = arith.constant 0 : i32
      %dma_start3A_184 = arith.constant 0 : i32
      %dma_start3A_185 = tpu.memref_slice %arg12[%run_scoped3A_11, %dma_start3A_183, %dma_start3A_184] : memref<2x128x128xf32, #tpu.memory_space<vmem>> -> memref<1x128x128xf32, #tpu.memory_space<vmem>>
      %dma_start3A_186 = tpu.memref_squeeze %dma_start3A_185 : memref<1x128x128xf32, #tpu.memory_space<vmem>> -> memref<128x128xf32, #tpu.memory_space<vmem>>
      tpu.enqueue_dma source(%dma_start3A_186 : memref<128x128xf32, #tpu.memory_space<vmem>>) target(%dma_start3A_182 : memref<128x128xf32, #tpu.memory_space<vmem_shared>>) target_semaphore(%run_scoped3A_174 : memref<!tpu.dma_semaphore, #tpu.memory_space<semaphore_mem>>)
      %dma_wait3A_187 = arith.constant 0 : i32
      %dma_wait3A_188 = arith.constant 0 : i32
      %dma_wait3A_189 = tpu.memref_slice %arg12[%run_scoped3A_11, %dma_wait3A_187, %dma_wait3A_188] : memref<2x128x128xf32, #tpu.memory_space<vmem>> -> memref<1x128x128xf32, #tpu.memory_space<vmem>>
      %dma_wait3A_190 = tpu.memref_squeeze %dma_wait3A_189 : memref<1x128x128xf32, #tpu.memory_space<vmem>> -> memref<128x128xf32, #tpu.memory_space<vmem>>
      %dma_wait3A_191 = arith.constant 0 : i32
      %dma_wait3A_192 = tpu.memref_slice %arg9[%add3A_10, %dma_wait3A_191] : memref<10112x128xf32, #tpu.memory_space<vmem_shared>> -> memref<128x128xf32, #tpu.memory_space<vmem_shared>>
      %dma_wait3A_193 = arith.constant 0 : i32
      %dma_wait3A_194 = tpu.memref_slice %arg9[%add3A_10, %dma_wait3A_193] : memref<10112x128xf32, #tpu.memory_space<vmem_shared>> -> memref<128x128xf32, #tpu.memory_space<vmem_shared>>
      %dma_wait3A_195 = arith.constant 0 : i32
      %dma_wait3A_196 = arith.constant 0 : i32
      %dma_wait3A_197 = tpu.memref_slice %arg12[%run_scoped3A_11, %dma_wait3A_195, %dma_wait3A_196] : memref<2x128x128xf32, #tpu.memory_space<vmem>> -> memref<1x128x128xf32, #tpu.memory_space<vmem>>
      %dma_wait3A_198 = tpu.memref_squeeze %dma_wait3A_197 : memref<1x128x128xf32, #tpu.memory_space<vmem>> -> memref<128x128xf32, #tpu.memory_space<vmem>>
      tpu.wait_dma2 semaphore(%run_scoped3A_174 : memref<!tpu.dma_semaphore, #tpu.memory_space<semaphore_mem>>) src(%dma_wait3A_198 : memref<128x128xf32, #tpu.memory_space<vmem>>) dst(%dma_wait3A_194 : memref<128x128xf32, #tpu.memory_space<vmem_shared>>)
      tpu.yield
    }) : () -> ()
    %add3A_12 = arith.constant 512 : i32
    %add3A_13 = arith.addi %mul3A_0, %add3A_12 : i32
    %run_scoped3A_14 = arith.constant 0 : i32
    "tpu.region"() ({
      %run_scoped3A_174 = tpu.sem_alloc : memref<!tpu.dma_semaphore, #tpu.memory_space<semaphore_mem>>
      %dma_start3A_175 = arith.constant 0 : i32
      %dma_start3A_176 = arith.constant 0 : i32
      %dma_start3A_177 = tpu.memref_slice %arg12[%run_scoped3A_14, %dma_start3A_175, %dma_start3A_176] : memref<2x128x128xf32, #tpu.memory_space<vmem>> -> memref<1x120x128xf32, #tpu.memory_space<vmem>>
      %dma_start3A_178 = tpu.memref_squeeze %dma_start3A_177 : memref<1x120x128xf32, #tpu.memory_space<vmem>> -> memref<120x128xf32, #tpu.memory_space<vmem>>
      %dma_start3A_179 = arith.constant 0 : i32
      %dma_start3A_180 = tpu.memref_slice %arg9[%add3A_13, %dma_start3A_179] : memref<10112x128xf32, #tpu.memory_space<vmem_shared>> -> memref<120x128xf32, #tpu.memory_space<vmem_shared>>
      %dma_start3A_181 = arith.constant 0 : i32
      %dma_start3A_182 = tpu.memref_slice %arg9[%add3A_13, %dma_start3A_181] : memref<10112x128xf32, #tpu.memory_space<vmem_shared>> -> memref<120x128xf32, #tpu.memory_space<vmem_shared>>
      %dma_start3A_183 = arith.constant 0 : i32
      %dma_start3A_184 = arith.constant 0 : i32
      %dma_start3A_185 = tpu.memref_slice %arg12[%run_scoped3A_14, %dma_start3A_183, %dma_start3A_184] : memref<2x128x128xf32, #tpu.memory_space<vmem>> -> memref<1x120x128xf32, #tpu.memory_space<vmem>>
      %dma_start3A_186 = tpu.memref_squeeze %dma_start3A_185 : memref<1x120x128xf32, #tpu.memory_space<vmem>> -> memref<120x128xf32, #tpu.memory_space<vmem>>
      tpu.enqueue_dma source(%dma_start3A_186 : memref<120x128xf32, #tpu.memory_space<vmem>>) target(%dma_start3A_182 : memref<120x128xf32, #tpu.memory_space<vmem_shared>>) target_semaphore(%run_scoped3A_174 : memref<!tpu.dma_semaphore, #tpu.memory_space<semaphore_mem>>)
      %dma_wait3A_187 = arith.constant 0 : i32
      %dma_wait3A_188 = arith.constant 0 : i32
      %dma_wait3A_189 = tpu.memref_slice %arg12[%run_scoped3A_14, %dma_wait3A_187, %dma_wait3A_188] : memref<2x128x128xf32, #tpu.memory_space<vmem>> -> memref<1x120x128xf32, #tpu.memory_space<vmem>>
      %dma_wait3A_190 = tpu.memref_squeeze %dma_wait3A_189 : memref<1x120x128xf32, #tpu.memory_space<vmem>> -> memref<120x128xf32, #tpu.memory_space<vmem>>
      %dma_wait3A_191 = arith.constant 0 : i32
      %dma_wait3A_192 = tpu.memref_slice %arg9[%add3A_13, %dma_wait3A_191] : memref<10112x128xf32, #tpu.memory_space<vmem_shared>> -> memref<120x128xf32, #tpu.memory_space<vmem_shared>>
      %dma_wait3A_193 = arith.constant 0 : i32
      %dma_wait3A_194 = tpu.memref_slice %arg9[%add3A_13, %dma_wait3A_193] : memref<10112x128xf32, #tpu.memory_space<vmem_shared>> -> memref<120x128xf32, #tpu.memory_space<vmem_shared>>
      %dma_wait3A_195 = arith.constant 0 : i32
      %dma_wait3A_196 = arith.constant 0 : i32
      %dma_wait3A_197 = tpu.memref_slice %arg12[%run_scoped3A_14, %dma_wait3A_195, %dma_wait3A_196] : memref<2x128x128xf32, #tpu.memory_space<vmem>> -> memref<1x120x128xf32, #tpu.memory_space<vmem>>
      %dma_wait3A_198 = tpu.memref_squeeze %dma_wait3A_197 : memref<1x120x128xf32, #tpu.memory_space<vmem>> -> memref<120x128xf32, #tpu.memory_space<vmem>>
      tpu.wait_dma2 semaphore(%run_scoped3A_174 : memref<!tpu.dma_semaphore, #tpu.memory_space<semaphore_mem>>) src(%dma_wait3A_198 : memref<120x128xf32, #tpu.memory_space<vmem>>) dst(%dma_wait3A_194 : memref<120x128xf32, #tpu.memory_space<vmem_shared>>)
      tpu.yield
    }) : () -> ()
    %barrier3A = arith.constant 0 : index
    tpu.barrier barrier_id(%barrier3A)
    %run_scoped3A_15 = arith.constant 0 : i32
    "tpu.region"() ({
      %run_scoped3A_174 = tpu.sem_alloc : memref<!tpu.dma_semaphore, #tpu.memory_space<semaphore_mem>>
      %dma_start3A_175 = arith.constant 0 : i32
      %dma_start3A_176 = arith.constant 0 : i32
      %dma_start3A_177 = tpu.memref_slice %arg10[%run_scoped3A_15, %dma_start3A_175, %dma_start3A_176] : memref<2x8x128xi32, #tpu.memory_space<vmem>> -> memref<1x8x128xi32, #tpu.memory_space<vmem>>
      %dma_start3A_178 = tpu.memref_squeeze %dma_start3A_177 : memref<1x8x128xi32, #tpu.memory_space<vmem>> -> memref<8x128xi32, #tpu.memory_space<vmem>>
      %dma_start3A_179 = arith.constant 0 : i32
      %dma_start3A_180 = arith.constant 0 : i32
      %dma_start3A_181 = tpu.memref_slice %arg3[%arg0, %arg1, %dma_start3A_179, %dma_start3A_180] : memref<2x16x80x128xi32, #tpu.memory_space<hbm>> -> memref<1x1x8x128xi32, #tpu.memory_space<hbm>>
      %dma_start3A_182 = tpu.memref_squeeze %dma_start3A_181 : memref<1x1x8x128xi32, #tpu.memory_space<hbm>> -> memref<8x128xi32, #tpu.memory_space<hbm>>
      %dma_start3A_183 = arith.constant 0 : i32
      %dma_start3A_184 = arith.constant 0 : i32
      %dma_start3A_185 = tpu.memref_slice %arg10[%run_scoped3A_15, %dma_start3A_183, %dma_start3A_184] : memref<2x8x128xi32, #tpu.memory_space<vmem>> -> memref<1x8x128xi32, #tpu.memory_space<vmem>>
      %dma_start3A_186 = tpu.memref_squeeze %dma_start3A_185 : memref<1x8x128xi32, #tpu.memory_space<vmem>> -> memref<8x128xi32, #tpu.memory_space<vmem>>
      %dma_start3A_187 = arith.constant 0 : i32
      %dma_start3A_188 = arith.constant 0 : i32
      %dma_start3A_189 = tpu.memref_slice %arg3[%arg0, %arg1, %dma_start3A_187, %dma_start3A_188] : memref<2x16x80x128xi32, #tpu.memory_space<hbm>> -> memref<1x1x8x128xi32, #tpu.memory_space<hbm>>
      %dma_start3A_190 = tpu.memref_squeeze %dma_start3A_189 : memref<1x1x8x128xi32, #tpu.memory_space<hbm>> -> memref<8x128xi32, #tpu.memory_space<hbm>>
      tpu.enqueue_dma source(%dma_start3A_190 : memref<8x128xi32, #tpu.memory_space<hbm>>) target(%dma_start3A_186 : memref<8x128xi32, #tpu.memory_space<vmem>>) target_semaphore(%run_scoped3A_174 : memref<!tpu.dma_semaphore, #tpu.memory_space<semaphore_mem>>)
      %dma_wait3A_191 = arith.constant 0 : i32
      %dma_wait3A_192 = arith.constant 0 : i32
      %dma_wait3A_193 = tpu.memref_slice %arg10[%run_scoped3A_15, %dma_wait3A_191, %dma_wait3A_192] : memref<2x8x128xi32, #tpu.memory_space<vmem>> -> memref<1x8x128xi32, #tpu.memory_space<vmem>>
      %dma_wait3A_194 = tpu.memref_squeeze %dma_wait3A_193 : memref<1x8x128xi32, #tpu.memory_space<vmem>> -> memref<8x128xi32, #tpu.memory_space<vmem>>
      %dma_wait3A_195 = arith.constant 0 : i32
      %dma_wait3A_196 = arith.constant 0 : i32
      %dma_wait3A_197 = tpu.memref_slice %arg3[%arg0, %arg1, %dma_wait3A_195, %dma_wait3A_196] : memref<2x16x80x128xi32, #tpu.memory_space<hbm>> -> memref<1x1x8x128xi32, #tpu.memory_space<hbm>>
      %dma_wait3A_198 = tpu.memref_squeeze %dma_wait3A_197 : memref<1x1x8x128xi32, #tpu.memory_space<hbm>> -> memref<8x128xi32, #tpu.memory_space<hbm>>
      %dma_wait3A_199 = arith.constant 0 : i32
      %dma_wait3A_200 = arith.constant 0 : i32
      %dma_wait3A_201 = tpu.memref_slice %arg10[%run_scoped3A_15, %dma_wait3A_199, %dma_wait3A_200] : memref<2x8x128xi32, #tpu.memory_space<vmem>> -> memref<1x8x128xi32, #tpu.memory_space<vmem>>
      %dma_wait3A_202 = tpu.memref_squeeze %dma_wait3A_201 : memref<1x8x128xi32, #tpu.memory_space<vmem>> -> memref<8x128xi32, #tpu.memory_space<vmem>>
      %dma_wait3A_203 = arith.constant 0 : i32
      %dma_wait3A_204 = arith.constant 0 : i32
      %dma_wait3A_205 = tpu.memref_slice %arg3[%arg0, %arg1, %dma_wait3A_203, %dma_wait3A_204] : memref<2x16x80x128xi32, #tpu.memory_space<hbm>> -> memref<1x1x8x128xi32, #tpu.memory_space<hbm>>
      %dma_wait3A_206 = tpu.memref_squeeze %dma_wait3A_205 : memref<1x1x8x128xi32, #tpu.memory_space<hbm>> -> memref<8x128xi32, #tpu.memory_space<hbm>>
      tpu.wait_dma2 semaphore(%run_scoped3A_174 : memref<!tpu.dma_semaphore, #tpu.memory_space<semaphore_mem>>) src(%dma_wait3A_206 : memref<8x128xi32, #tpu.memory_space<hbm>>) dst(%dma_wait3A_202 : memref<8x128xi32, #tpu.memory_space<vmem>>)
      tpu.yield
    }) : () -> ()
    %run_scoped3A_16 = arith.constant 0 : i32
    "tpu.region"() ({
      %run_scoped3A_174 = tpu.sem_alloc : memref<!tpu.dma_semaphore, #tpu.memory_space<semaphore_mem>>
      %dma_start3A_175 = arith.constant 0 : i32
      %dma_start3A_176 = arith.constant 0 : i32
      %dma_start3A_177 = tpu.memref_slice %arg11[%run_scoped3A_16, %dma_start3A_175, %dma_start3A_176] : memref<2x8x128xi32, #tpu.memory_space<vmem>> -> memref<1x8x128xi32, #tpu.memory_space<vmem>>
      %dma_start3A_178 = tpu.memref_squeeze %dma_start3A_177 : memref<1x8x128xi32, #tpu.memory_space<vmem>> -> memref<8x128xi32, #tpu.memory_space<vmem>>
      %dma_start3A_179 = arith.constant 0 : i32
      %dma_start3A_180 = arith.constant 0 : i32
      %dma_start3A_181 = tpu.memref_slice %arg4[%arg1, %dma_start3A_179, %dma_start3A_180] : memref<16x80x128xi32, #tpu.memory_space<hbm>> -> memref<1x8x128xi32, #tpu.memory_space<hbm>>
      %dma_start3A_182 = tpu.memref_squeeze %dma_start3A_181 : memref<1x8x128xi32, #tpu.memory_space<hbm>> -> memref<8x128xi32, #tpu.memory_space<hbm>>
      %dma_start3A_183 = arith.constant 0 : i32
      %dma_start3A_184 = arith.constant 0 : i32
      %dma_start3A_185 = tpu.memref_slice %arg11[%run_scoped3A_16, %dma_start3A_183, %dma_start3A_184] : memref<2x8x128xi32, #tpu.memory_space<vmem>> -> memref<1x8x128xi32, #tpu.memory_space<vmem>>
      %dma_start3A_186 = tpu.memref_squeeze %dma_start3A_185 : memref<1x8x128xi32, #tpu.memory_space<vmem>> -> memref<8x128xi32, #tpu.memory_space<vmem>>
      %dma_start3A_187 = arith.constant 0 : i32
      %dma_start3A_188 = arith.constant 0 : i32
      %dma_start3A_189 = tpu.memref_slice %arg4[%arg1, %dma_start3A_187, %dma_start3A_188] : memref<16x80x128xi32, #tpu.memory_space<hbm>> -> memref<1x8x128xi32, #tpu.memory_space<hbm>>
      %dma_start3A_190 = tpu.memref_squeeze %dma_start3A_189 : memref<1x8x128xi32, #tpu.memory_space<hbm>> -> memref<8x128xi32, #tpu.memory_space<hbm>>
      tpu.enqueue_dma source(%dma_start3A_190 : memref<8x128xi32, #tpu.memory_space<hbm>>) target(%dma_start3A_186 : memref<8x128xi32, #tpu.memory_space<vmem>>) target_semaphore(%run_scoped3A_174 : memref<!tpu.dma_semaphore, #tpu.memory_space<semaphore_mem>>)
      %dma_wait3A_191 = arith.constant 0 : i32
      %dma_wait3A_192 = arith.constant 0 : i32
      %dma_wait3A_193 = tpu.memref_slice %arg11[%run_scoped3A_16, %dma_wait3A_191, %dma_wait3A_192] : memref<2x8x128xi32, #tpu.memory_space<vmem>> -> memref<1x8x128xi32, #tpu.memory_space<vmem>>
      %dma_wait3A_194 = tpu.memref_squeeze %dma_wait3A_193 : memref<1x8x128xi32, #tpu.memory_space<vmem>> -> memref<8x128xi32, #tpu.memory_space<vmem>>
      %dma_wait3A_195 = arith.constant 0 : i32
      %dma_wait3A_196 = arith.constant 0 : i32
      %dma_wait3A_197 = tpu.memref_slice %arg4[%arg1, %dma_wait3A_195, %dma_wait3A_196] : memref<16x80x128xi32, #tpu.memory_space<hbm>> -> memref<1x8x128xi32, #tpu.memory_space<hbm>>
      %dma_wait3A_198 = tpu.memref_squeeze %dma_wait3A_197 : memref<1x8x128xi32, #tpu.memory_space<hbm>> -> memref<8x128xi32, #tpu.memory_space<hbm>>
      %dma_wait3A_199 = arith.constant 0 : i32
      %dma_wait3A_200 = arith.constant 0 : i32
      %dma_wait3A_201 = tpu.memref_slice %arg11[%run_scoped3A_16, %dma_wait3A_199, %dma_wait3A_200] : memref<2x8x128xi32, #tpu.memory_space<vmem>> -> memref<1x8x128xi32, #tpu.memory_space<vmem>>
      %dma_wait3A_202 = tpu.memref_squeeze %dma_wait3A_201 : memref<1x8x128xi32, #tpu.memory_space<vmem>> -> memref<8x128xi32, #tpu.memory_space<vmem>>
      %dma_wait3A_203 = arith.constant 0 : i32
      %dma_wait3A_204 = arith.constant 0 : i32
      %dma_wait3A_205 = tpu.memref_slice %arg4[%arg1, %dma_wait3A_203, %dma_wait3A_204] : memref<16x80x128xi32, #tpu.memory_space<hbm>> -> memref<1x8x128xi32, #tpu.memory_space<hbm>>
      %dma_wait3A_206 = tpu.memref_squeeze %dma_wait3A_205 : memref<1x8x128xi32, #tpu.memory_space<hbm>> -> memref<8x128xi32, #tpu.memory_space<hbm>>
      tpu.wait_dma2 semaphore(%run_scoped3A_174 : memref<!tpu.dma_semaphore, #tpu.memory_space<semaphore_mem>>) src(%dma_wait3A_206 : memref<8x128xi32, #tpu.memory_space<hbm>>) dst(%dma_wait3A_202 : memref<8x128xi32, #tpu.memory_space<vmem>>)
      tpu.yield
    }) : () -> ()
    %dma_start3A = arith.constant 0 : i32
    %dma_start3A_17 = arith.constant 0 : i32
    %dma_start3A_18 = arith.constant 0 : i32
    %dma_start3A_19 = arith.constant 0 : i32
    %dma_start3A_20 = arith.constant 0 : i32
    %dma_start3A_21 = tpu.memref_slice %arg12[%dma_start3A_18, %dma_start3A_19, %dma_start3A_20] : memref<2x128x128xf32, #tpu.memory_space<vmem>> -> memref<1x32x128xf32, #tpu.memory_space<vmem>>
    %dma_start3A_22 = tpu.memref_squeeze %dma_start3A_21 : memref<1x32x128xf32, #tpu.memory_space<vmem>> -> memref<32x128xf32, #tpu.memory_space<vmem>>
    %dma_start3A_23 = arith.constant 0 : i32
    %dma_start3A_24 = tpu.memref_slice %arg10[%dma_start3A, %dma_start3A_17, %dma_start3A_23] : memref<2x8x128xi32, #tpu.memory_space<vmem>> -> memref<1x1x32xi32, #tpu.memory_space<vmem>>
    %dma_start3A_25 = tpu.memref_squeeze %dma_start3A_24 : memref<1x1x32xi32, #tpu.memory_space<vmem>> -> memref<32xi32, #tpu.memory_space<vmem>>
    %dma_start3A_26 = arith.constant 0 : i32
    %dma_start3A_27 = arith.constant 0 : i32
    %dma_start3A_28 = tpu.memref_slice %arg2[%dma_start3A_26, %dma_start3A_27] : memref<20008x128xf32, #tpu.memory_space<hbm>> -> memref<20008x128xf32, #tpu.memory_space<hbm>>
    tpu.enqueue_indirect_dma source(%dma_start3A_28 : memref<20008x128xf32, #tpu.memory_space<hbm>>) target(%dma_start3A_22 : memref<32x128xf32, #tpu.memory_space<vmem>>) offsets(%dma_start3A_25 : memref<32xi32, #tpu.memory_space<vmem>>) semaphore(%arg13 : memref<!tpu.dma_semaphore, #tpu.memory_space<semaphore_mem>>)
    %dma_start3A_29 = arith.constant 0 : i32
    %dma_start3A_30 = arith.constant 0 : i32
    %dma_start3A_31 = arith.constant 0 : i32
    %dma_start3A_32 = arith.constant 32 : i32
    %dma_start3A_33 = arith.constant 0 : i32
    %dma_start3A_34 = tpu.memref_slice %arg12[%dma_start3A_31, %dma_start3A_32, %dma_start3A_33] : memref<2x128x128xf32, #tpu.memory_space<vmem>> -> memref<1x32x128xf32, #tpu.memory_space<vmem>>
    %dma_start3A_35 = tpu.memref_squeeze %dma_start3A_34 : memref<1x32x128xf32, #tpu.memory_space<vmem>> -> memref<32x128xf32, #tpu.memory_space<vmem>>
    %dma_start3A_36 = arith.constant 32 : i32
    %dma_start3A_37 = tpu.memref_slice %arg10[%dma_start3A_29, %dma_start3A_30, %dma_start3A_36] : memref<2x8x128xi32, #tpu.memory_space<vmem>> -> memref<1x1x32xi32, #tpu.memory_space<vmem>>
    %dma_start3A_38 = tpu.memref_squeeze %dma_start3A_37 : memref<1x1x32xi32, #tpu.memory_space<vmem>> -> memref<32xi32, #tpu.memory_space<vmem>>
    %dma_start3A_39 = arith.constant 0 : i32
    %dma_start3A_40 = arith.constant 0 : i32
    %dma_start3A_41 = tpu.memref_slice %arg2[%dma_start3A_39, %dma_start3A_40] : memref<20008x128xf32, #tpu.memory_space<hbm>> -> memref<20008x128xf32, #tpu.memory_space<hbm>>
    tpu.enqueue_indirect_dma source(%dma_start3A_41 : memref<20008x128xf32, #tpu.memory_space<hbm>>) target(%dma_start3A_35 : memref<32x128xf32, #tpu.memory_space<vmem>>) offsets(%dma_start3A_38 : memref<32xi32, #tpu.memory_space<vmem>>) semaphore(%arg13 : memref<!tpu.dma_semaphore, #tpu.memory_space<semaphore_mem>>)
    %dma_start3A_42 = arith.constant 0 : i32
    %dma_start3A_43 = arith.constant 0 : i32
    %dma_start3A_44 = arith.constant 0 : i32
    %dma_start3A_45 = arith.constant 64 : i32
    %dma_start3A_46 = arith.constant 0 : i32
    %dma_start3A_47 = tpu.memref_slice %arg12[%dma_start3A_44, %dma_start3A_45, %dma_start3A_46] : memref<2x128x128xf32, #tpu.memory_space<vmem>> -> memref<1x32x128xf32, #tpu.memory_space<vmem>>
    %dma_start3A_48 = tpu.memref_squeeze %dma_start3A_47 : memref<1x32x128xf32, #tpu.memory_space<vmem>> -> memref<32x128xf32, #tpu.memory_space<vmem>>
    %dma_start3A_49 = arith.constant 64 : i32
    %dma_start3A_50 = tpu.memref_slice %arg10[%dma_start3A_42, %dma_start3A_43, %dma_start3A_49] : memref<2x8x128xi32, #tpu.memory_space<vmem>> -> memref<1x1x32xi32, #tpu.memory_space<vmem>>
    %dma_start3A_51 = tpu.memref_squeeze %dma_start3A_50 : memref<1x1x32xi32, #tpu.memory_space<vmem>> -> memref<32xi32, #tpu.memory_space<vmem>>
    %dma_start3A_52 = arith.constant 0 : i32
    %dma_start3A_53 = arith.constant 0 : i32
    %dma_start3A_54 = tpu.memref_slice %arg2[%dma_start3A_52, %dma_start3A_53] : memref<20008x128xf32, #tpu.memory_space<hbm>> -> memref<20008x128xf32, #tpu.memory_space<hbm>>
    tpu.enqueue_indirect_dma source(%dma_start3A_54 : memref<20008x128xf32, #tpu.memory_space<hbm>>) target(%dma_start3A_48 : memref<32x128xf32, #tpu.memory_space<vmem>>) offsets(%dma_start3A_51 : memref<32xi32, #tpu.memory_space<vmem>>) semaphore(%arg13 : memref<!tpu.dma_semaphore, #tpu.memory_space<semaphore_mem>>)
    %dma_start3A_55 = arith.constant 0 : i32
    %dma_start3A_56 = arith.constant 0 : i32
    %dma_start3A_57 = arith.constant 0 : i32
    %dma_start3A_58 = arith.constant 96 : i32
    %dma_start3A_59 = arith.constant 0 : i32
    %dma_start3A_60 = tpu.memref_slice %arg12[%dma_start3A_57, %dma_start3A_58, %dma_start3A_59] : memref<2x128x128xf32, #tpu.memory_space<vmem>> -> memref<1x32x128xf32, #tpu.memory_space<vmem>>
    %dma_start3A_61 = tpu.memref_squeeze %dma_start3A_60 : memref<1x32x128xf32, #tpu.memory_space<vmem>> -> memref<32x128xf32, #tpu.memory_space<vmem>>
    %dma_start3A_62 = arith.constant 96 : i32
    %dma_start3A_63 = tpu.memref_slice %arg10[%dma_start3A_55, %dma_start3A_56, %dma_start3A_62] : memref<2x8x128xi32, #tpu.memory_space<vmem>> -> memref<1x1x32xi32, #tpu.memory_space<vmem>>
    %dma_start3A_64 = tpu.memref_squeeze %dma_start3A_63 : memref<1x1x32xi32, #tpu.memory_space<vmem>> -> memref<32xi32, #tpu.memory_space<vmem>>
    %dma_start3A_65 = arith.constant 0 : i32
    %dma_start3A_66 = arith.constant 0 : i32
    %dma_start3A_67 = tpu.memref_slice %arg2[%dma_start3A_65, %dma_start3A_66] : memref<20008x128xf32, #tpu.memory_space<hbm>> -> memref<20008x128xf32, #tpu.memory_space<hbm>>
    tpu.enqueue_indirect_dma source(%dma_start3A_67 : memref<20008x128xf32, #tpu.memory_space<hbm>>) target(%dma_start3A_61 : memref<32x128xf32, #tpu.memory_space<vmem>>) offsets(%dma_start3A_64 : memref<32xi32, #tpu.memory_space<vmem>>) semaphore(%arg13 : memref<!tpu.dma_semaphore, #tpu.memory_space<semaphore_mem>>)
    %scan3A = arith.constant 0 : i32
    %scan3A_68 = arith.constant 0 : i32
    %scan3A_69 = arith.constant 80 : i32
    %scan3A_70 = arith.addi %scan3A_68, %scan3A_69 : i32
    %scan3A_71 = arith.constant 1 : i32
    %scan3A_72 = scf.for %scan3A_174 = %scan3A_68 to %scan3A_70 step %scan3A_71 iter_args(%scan3A_175 = %scan3A) -> (i32)  : i32 {
      %rem3A = arith.constant 2 : i32
      %rem3A_176 = arith.remsi %scan3A_174, %rem3A : i32
      %jit3A = arith.constant 8 : i32
      %div3A = arith.divsi %scan3A_174, %jit3A : i32
      %sign3A = arith.constant 0 : i32
      %sign3A_177 = arith.cmpi sgt, %scan3A_174, %sign3A : i32
      %sign3A_178 = arith.extui %sign3A_177 : i1 to i32
      %sign3A_179 = arith.constant 0 : i32
      %sign3A_180 = arith.cmpi slt, %scan3A_174, %sign3A_179 : i32
      %sign3A_181 = arith.extui %sign3A_180 : i1 to i32
      %sign3A_182 = arith.subi %sign3A_178, %sign3A_181 : i32
      %sign3A_183 = arith.constant 0 : i32
      %sign3A_184 = arith.cmpi sgt, %jit3A, %sign3A_183 : i32
      %sign3A_185 = arith.extui %sign3A_184 : i1 to i32
      %sign3A_186 = arith.constant 0 : i32
      %sign3A_187 = arith.cmpi slt, %jit3A, %sign3A_186 : i32
      %sign3A_188 = arith.extui %sign3A_187 : i1 to i32
      %sign3A_189 = arith.subi %sign3A_185, %sign3A_188 : i32
      %ne3A = arith.cmpi ne, %sign3A_182, %sign3A_189 : i32
      %rem3A_190 = arith.remsi %scan3A_174, %jit3A : i32
      %ne3A_191 = arith.constant 0 : i32
      %ne3A_192 = arith.cmpi ne, %rem3A_190, %ne3A_191 : i32
      %and3A = arith.andi %ne3A, %ne3A_192 : i1
      %sub3A = arith.constant 1 : i32
      %sub3A_193 = arith.subi %div3A, %sub3A : i32
      %select_n3A = arith.select %and3A, %sub3A_193, %div3A : i32
      %rem3A_194 = arith.constant 2 : i32
      %rem3A_195 = arith.remsi %select_n3A, %rem3A_194 : i32
      %rem3A_196 = arith.constant 8 : i32
      %rem3A_197 = arith.remsi %scan3A_174, %rem3A_196 : i32
      %eq3A = arith.constant 0 : i32
      %eq3A_198 = arith.cmpi eq, %rem3A_197, %eq3A : i32
      %add3A_199 = arith.constant 8 : i32
      %add3A_200 = arith.addi %scan3A_174, %add3A_199 : i32
      %lt3A = arith.constant 80 : i32
      %lt3A_201 = arith.cmpi slt, %add3A_200, %lt3A : i32
      %and3A_202 = arith.andi %eq3A_198, %lt3A_201 : i1
      %convert_element_type3A = arith.extui %and3A_202 : i1 to i32
      %cond3A = arith.constant 0 : i32
      %cond3A_203 = arith.cmpi ne, %convert_element_type3A, %cond3A : i32
      scf.if %cond3A_203 {
        %sub3A_236 = arith.constant 1 : i32
        %sub3A_237 = arith.subi %sub3A_236, %rem3A_195 : i32
        %add3A_238 = arith.constant 1 : i32
        %add3A_239 = arith.addi %select_n3A, %add3A_238 : i32
        %mul3A_240 = arith.constant 8 : i32
        %mul3A_241 = arith.muli %add3A_239, %mul3A_240 : i32
        %dma_start3A_242 = arith.constant 0 : i32
        %dma_start3A_243 = arith.constant 0 : i32
        %dma_start3A_244 = tpu.memref_slice %arg10[%sub3A_237, %dma_start3A_242, %dma_start3A_243] : memref<2x8x128xi32, #tpu.memory_space<vmem>> -> memref<1x8x128xi32, #tpu.memory_space<vmem>>
        %dma_start3A_245 = tpu.memref_squeeze %dma_start3A_244 : memref<1x8x128xi32, #tpu.memory_space<vmem>> -> memref<8x128xi32, #tpu.memory_space<vmem>>
        %dma_start3A_246 = arith.constant 0 : i32
        %dma_start3A_247 = tpu.memref_slice %arg3[%arg0, %arg1, %mul3A_241, %dma_start3A_246] : memref<2x16x80x128xi32, #tpu.memory_space<hbm>> -> memref<1x1x8x128xi32, #tpu.memory_space<hbm>>
        %dma_start3A_248 = tpu.memref_squeeze %dma_start3A_247 : memref<1x1x8x128xi32, #tpu.memory_space<hbm>> -> memref<8x128xi32, #tpu.memory_space<hbm>>
        %dma_start3A_249 = arith.constant 0 : i32
        %dma_start3A_250 = arith.constant 0 : i32
        %dma_start3A_251 = tpu.memref_slice %arg10[%sub3A_237, %dma_start3A_249, %dma_start3A_250] : memref<2x8x128xi32, #tpu.memory_space<vmem>> -> memref<1x8x128xi32, #tpu.memory_space<vmem>>
        %dma_start3A_252 = tpu.memref_squeeze %dma_start3A_251 : memref<1x8x128xi32, #tpu.memory_space<vmem>> -> memref<8x128xi32, #tpu.memory_space<vmem>>
        %dma_start3A_253 = arith.constant 0 : i32
        %dma_start3A_254 = tpu.memref_slice %arg3[%arg0, %arg1, %mul3A_241, %dma_start3A_253] : memref<2x16x80x128xi32, #tpu.memory_space<hbm>> -> memref<1x1x8x128xi32, #tpu.memory_space<hbm>>
        %dma_start3A_255 = tpu.memref_squeeze %dma_start3A_254 : memref<1x1x8x128xi32, #tpu.memory_space<hbm>> -> memref<8x128xi32, #tpu.memory_space<hbm>>
        tpu.enqueue_dma source(%dma_start3A_255 : memref<8x128xi32, #tpu.memory_space<hbm>>) target(%dma_start3A_252 : memref<8x128xi32, #tpu.memory_space<vmem>>) target_semaphore(%arg15 : memref<!tpu.dma_semaphore, #tpu.memory_space<semaphore_mem>>)
        %add3A_256 = arith.constant 1 : i32
        %add3A_257 = arith.addi %select_n3A, %add3A_256 : i32
        %mul3A_258 = arith.constant 8 : i32
        %mul3A_259 = arith.muli %add3A_257, %mul3A_258 : i32
        %dma_start3A_260 = arith.constant 0 : i32
        %dma_start3A_261 = arith.constant 0 : i32
        %dma_start3A_262 = tpu.memref_slice %arg11[%sub3A_237, %dma_start3A_260, %dma_start3A_261] : memref<2x8x128xi32, #tpu.memory_space<vmem>> -> memref<1x8x128xi32, #tpu.memory_space<vmem>>
        %dma_start3A_263 = tpu.memref_squeeze %dma_start3A_262 : memref<1x8x128xi32, #tpu.memory_space<vmem>> -> memref<8x128xi32, #tpu.memory_space<vmem>>
        %dma_start3A_264 = arith.constant 0 : i32
        %dma_start3A_265 = tpu.memref_slice %arg4[%arg1, %mul3A_259, %dma_start3A_264] : memref<16x80x128xi32, #tpu.memory_space<hbm>> -> memref<1x8x128xi32, #tpu.memory_space<hbm>>
        %dma_start3A_266 = tpu.memref_squeeze %dma_start3A_265 : memref<1x8x128xi32, #tpu.memory_space<hbm>> -> memref<8x128xi32, #tpu.memory_space<hbm>>
        %dma_start3A_267 = arith.constant 0 : i32
        %dma_start3A_268 = arith.constant 0 : i32
        %dma_start3A_269 = tpu.memref_slice %arg11[%sub3A_237, %dma_start3A_267, %dma_start3A_268] : memref<2x8x128xi32, #tpu.memory_space<vmem>> -> memref<1x8x128xi32, #tpu.memory_space<vmem>>
        %dma_start3A_270 = tpu.memref_squeeze %dma_start3A_269 : memref<1x8x128xi32, #tpu.memory_space<vmem>> -> memref<8x128xi32, #tpu.memory_space<vmem>>
        %dma_start3A_271 = arith.constant 0 : i32
        %dma_start3A_272 = tpu.memref_slice %arg4[%arg1, %mul3A_259, %dma_start3A_271] : memref<16x80x128xi32, #tpu.memory_space<hbm>> -> memref<1x8x128xi32, #tpu.memory_space<hbm>>
        %dma_start3A_273 = tpu.memref_squeeze %dma_start3A_272 : memref<1x8x128xi32, #tpu.memory_space<hbm>> -> memref<8x128xi32, #tpu.memory_space<hbm>>
        tpu.enqueue_dma source(%dma_start3A_273 : memref<8x128xi32, #tpu.memory_space<hbm>>) target(%dma_start3A_270 : memref<8x128xi32, #tpu.memory_space<vmem>>) target_semaphore(%arg15 : memref<!tpu.dma_semaphore, #tpu.memory_space<semaphore_mem>>)
      } else {
      }
      %ge3A = arith.constant 1 : i32
      %ge3A_204 = arith.cmpi sge, %scan3A_174, %ge3A : i32
      %convert_element_type3A_205 = arith.extui %ge3A_204 : i1 to i32
      %cond3A_206 = arith.constant 0 : i32
      %cond3A_207 = arith.cmpi ne, %convert_element_type3A_205, %cond3A_206 : i32
      scf.if %cond3A_207 {
        %sub3A_236 = arith.constant 1 : i32
        %sub3A_237 = arith.subi %sub3A_236, %rem3A_176 : i32
        %dma_wait3A_238 = arith.constant 0 : i32
        %dma_wait3A_239 = arith.constant 0 : i32
        %dma_wait3A_240 = tpu.memref_slice %arg12[%sub3A_237, %dma_wait3A_238, %dma_wait3A_239] : memref<2x128x128xf32, #tpu.memory_space<vmem>> -> memref<1x128x128xf32, #tpu.memory_space<vmem>>
        %dma_wait3A_241 = tpu.memref_squeeze %dma_wait3A_240 : memref<1x128x128xf32, #tpu.memory_space<vmem>> -> memref<128x128xf32, #tpu.memory_space<vmem>>
        %dma_wait3A_242 = arith.constant 0 : i32
        %dma_wait3A_243 = tpu.memref_slice %arg11[%rem3A_195, %rem3A_197, %dma_wait3A_242] : memref<2x8x128xi32, #tpu.memory_space<vmem>> -> memref<1x1x128xi32, #tpu.memory_space<vmem>>
        %dma_wait3A_244 = tpu.memref_squeeze %dma_wait3A_243 : memref<1x1x128xi32, #tpu.memory_space<vmem>> -> memref<128xi32, #tpu.memory_space<vmem>>
        %dma_wait3A_245 = arith.constant 0 : i32
        %dma_wait3A_246 = arith.constant 0 : i32
        %dma_wait3A_247 = tpu.memref_slice %arg9[%dma_wait3A_245, %dma_wait3A_246] : memref<10112x128xf32, #tpu.memory_space<vmem_shared>> -> memref<10112x128xf32, #tpu.memory_space<vmem_shared>>
        tpu.wait_indirect_dma semaphore(%arg14 : memref<!tpu.dma_semaphore, #tpu.memory_space<semaphore_mem>>) src(%dma_wait3A_241 : memref<128x128xf32, #tpu.memory_space<vmem>>) dst(%dma_wait3A_247 : memref<10112x128xf32, #tpu.memory_space<vmem_shared>>)
      } else {
      }
      %dma_wait3A_208 = arith.constant 0 : i32
      %dma_wait3A_209 = arith.constant 0 : i32
      %dma_wait3A_210 = tpu.memref_slice %arg12[%rem3A_176, %dma_wait3A_208, %dma_wait3A_209] : memref<2x128x128xf32, #tpu.memory_space<vmem>> -> memref<1x128x128xf32, #tpu.memory_space<vmem>>
      %dma_wait3A_211 = tpu.memref_squeeze %dma_wait3A_210 : memref<1x128x128xf32, #tpu.memory_space<vmem>> -> memref<128x128xf32, #tpu.memory_space<vmem>>
      %dma_wait3A_212 = arith.constant 0 : i32
      %dma_wait3A_213 = tpu.memref_slice %arg10[%rem3A_195, %rem3A_197, %dma_wait3A_212] : memref<2x8x128xi32, #tpu.memory_space<vmem>> -> memref<1x1x128xi32, #tpu.memory_space<vmem>>
      %dma_wait3A_214 = tpu.memref_squeeze %dma_wait3A_213 : memref<1x1x128xi32, #tpu.memory_space<vmem>> -> memref<128xi32, #tpu.memory_space<vmem>>
      %dma_wait3A_215 = arith.constant 0 : i32
      %dma_wait3A_216 = arith.constant 0 : i32
      %dma_wait3A_217 = tpu.memref_slice %arg2[%dma_wait3A_215, %dma_wait3A_216] : memref<20008x128xf32, #tpu.memory_space<hbm>> -> memref<20008x128xf32, #tpu.memory_space<hbm>>
      tpu.wait_indirect_dma semaphore(%arg13 : memref<!tpu.dma_semaphore, #tpu.memory_space<semaphore_mem>>) src(%dma_wait3A_217 : memref<20008x128xf32, #tpu.memory_space<hbm>>) dst(%dma_wait3A_211 : memref<128x128xf32, #tpu.memory_space<vmem>>)
      %dma_start3A_218 = arith.constant 0 : i32
      %dma_start3A_219 = arith.constant 0 : i32
      %dma_start3A_220 = tpu.memref_slice %arg12[%rem3A_176, %dma_start3A_218, %dma_start3A_219] : memref<2x128x128xf32, #tpu.memory_space<vmem>> -> memref<1x128x128xf32, #tpu.memory_space<vmem>>
      %dma_start3A_221 = tpu.memref_squeeze %dma_start3A_220 : memref<1x128x128xf32, #tpu.memory_space<vmem>> -> memref<128x128xf32, #tpu.memory_space<vmem>>
      %dma_start3A_222 = arith.constant 0 : i32
      %dma_start3A_223 = tpu.memref_slice %arg11[%rem3A_195, %rem3A_197, %dma_start3A_222] : memref<2x8x128xi32, #tpu.memory_space<vmem>> -> memref<1x1x128xi32, #tpu.memory_space<vmem>>
      %dma_start3A_224 = tpu.memref_squeeze %dma_start3A_223 : memref<1x1x128xi32, #tpu.memory_space<vmem>> -> memref<128xi32, #tpu.memory_space<vmem>>
      %dma_start3A_225 = arith.constant 0 : i32
      %dma_start3A_226 = arith.constant 0 : i32
      %dma_start3A_227 = tpu.memref_slice %arg9[%dma_start3A_225, %dma_start3A_226] : memref<10112x128xf32, #tpu.memory_space<vmem_shared>> -> memref<10112x128xf32, #tpu.memory_space<vmem_shared>>
      tpu.enqueue_indirect_dma source(%dma_start3A_221 : memref<128x128xf32, #tpu.memory_space<vmem>>) target(%dma_start3A_227 : memref<10112x128xf32, #tpu.memory_space<vmem_shared>>) offsets(%dma_start3A_224 : memref<128xi32, #tpu.memory_space<vmem>>) semaphore(%arg14 : memref<!tpu.dma_semaphore, #tpu.memory_space<semaphore_mem>>) {add = true}
      %add3A_228 = arith.constant 1 : i32
      %add3A_229 = arith.addi %scan3A_174, %add3A_228 : i32
      %lt3A_230 = arith.constant 80 : i32
      %lt3A_231 = arith.cmpi slt, %add3A_229, %lt3A_230 : i32
      %convert_element_type3A_232 = arith.extui %lt3A_231 : i1 to i32
      %cond3A_233 = arith.constant 0 : i32
      %cond3A_234 = arith.cmpi ne, %convert_element_type3A_232, %cond3A_233 : i32
      scf.if %cond3A_234 {
        %add3A_236 = arith.constant 1 : i32
        %add3A_237 = arith.addi %scan3A_174, %add3A_236 : i32
        %jit3A_238 = arith.constant 8 : i32
        %div3A_239 = arith.divsi %add3A_237, %jit3A_238 : i32
        %sign3A_240 = arith.constant 0 : i32
        %sign3A_241 = arith.cmpi sgt, %add3A_237, %sign3A_240 : i32
        %sign3A_242 = arith.extui %sign3A_241 : i1 to i32
        %sign3A_243 = arith.constant 0 : i32
        %sign3A_244 = arith.cmpi slt, %add3A_237, %sign3A_243 : i32
        %sign3A_245 = arith.extui %sign3A_244 : i1 to i32
        %sign3A_246 = arith.subi %sign3A_242, %sign3A_245 : i32
        %sign3A_247 = arith.constant 0 : i32
        %sign3A_248 = arith.cmpi sgt, %jit3A_238, %sign3A_247 : i32
        %sign3A_249 = arith.extui %sign3A_248 : i1 to i32
        %sign3A_250 = arith.constant 0 : i32
        %sign3A_251 = arith.cmpi slt, %jit3A_238, %sign3A_250 : i32
        %sign3A_252 = arith.extui %sign3A_251 : i1 to i32
        %sign3A_253 = arith.subi %sign3A_249, %sign3A_252 : i32
        %ne3A_254 = arith.cmpi ne, %sign3A_246, %sign3A_253 : i32
        %rem3A_255 = arith.remsi %add3A_237, %jit3A_238 : i32
        %ne3A_256 = arith.constant 0 : i32
        %ne3A_257 = arith.cmpi ne, %rem3A_255, %ne3A_256 : i32
        %and3A_258 = arith.andi %ne3A_254, %ne3A_257 : i1
        %sub3A_259 = arith.constant 1 : i32
        %sub3A_260 = arith.subi %div3A_239, %sub3A_259 : i32
        %select_n3A_261 = arith.select %and3A_258, %sub3A_260, %div3A_239 : i32
        %rem3A_262 = arith.constant 2 : i32
        %rem3A_263 = arith.remsi %select_n3A_261, %rem3A_262 : i32
        %rem3A_264 = arith.constant 8 : i32
        %rem3A_265 = arith.remsi %add3A_237, %rem3A_264 : i32
        %eq3A_266 = arith.constant 0 : i32
        %eq3A_267 = arith.cmpi eq, %rem3A_265, %eq3A_266 : i32
        %convert_element_type3A_268 = arith.extui %eq3A_267 : i1 to i32
        %cond3A_269 = arith.constant 0 : i32
        %cond3A_270 = arith.cmpi ne, %convert_element_type3A_268, %cond3A_269 : i32
        scf.if %cond3A_270 {
          %dma_wait3A_313 = arith.constant 0 : i32
          %dma_wait3A_314 = arith.constant 0 : i32
          %dma_wait3A_315 = tpu.memref_slice %arg10[%rem3A_263, %dma_wait3A_313, %dma_wait3A_314] : memref<2x8x128xi32, #tpu.memory_space<vmem>> -> memref<1x8x128xi32, #tpu.memory_space<vmem>>
          %dma_wait3A_316 = tpu.memref_squeeze %dma_wait3A_315 : memref<1x8x128xi32, #tpu.memory_space<vmem>> -> memref<8x128xi32, #tpu.memory_space<vmem>>
          %dma_wait3A_317 = arith.constant 0 : i32
          %dma_wait3A_318 = arith.constant 0 : i32
          %dma_wait3A_319 = tpu.memref_slice %arg3[%arg0, %arg1, %dma_wait3A_317, %dma_wait3A_318] : memref<2x16x80x128xi32, #tpu.memory_space<hbm>> -> memref<1x1x8x128xi32, #tpu.memory_space<hbm>>
          %dma_wait3A_320 = tpu.memref_squeeze %dma_wait3A_319 : memref<1x1x8x128xi32, #tpu.memory_space<hbm>> -> memref<8x128xi32, #tpu.memory_space<hbm>>
          %dma_wait3A_321 = arith.constant 0 : i32
          %dma_wait3A_322 = arith.constant 0 : i32
          %dma_wait3A_323 = tpu.memref_slice %arg10[%rem3A_263, %dma_wait3A_321, %dma_wait3A_322] : memref<2x8x128xi32, #tpu.memory_space<vmem>> -> memref<1x8x128xi32, #tpu.memory_space<vmem>>
          %dma_wait3A_324 = tpu.memref_squeeze %dma_wait3A_323 : memref<1x8x128xi32, #tpu.memory_space<vmem>> -> memref<8x128xi32, #tpu.memory_space<vmem>>
          %dma_wait3A_325 = arith.constant 0 : i32
          %dma_wait3A_326 = arith.constant 0 : i32
          %dma_wait3A_327 = tpu.memref_slice %arg3[%arg0, %arg1, %dma_wait3A_325, %dma_wait3A_326] : memref<2x16x80x128xi32, #tpu.memory_space<hbm>> -> memref<1x1x8x128xi32, #tpu.memory_space<hbm>>
          %dma_wait3A_328 = tpu.memref_squeeze %dma_wait3A_327 : memref<1x1x8x128xi32, #tpu.memory_space<hbm>> -> memref<8x128xi32, #tpu.memory_space<hbm>>
          tpu.wait_dma2 semaphore(%arg15 : memref<!tpu.dma_semaphore, #tpu.memory_space<semaphore_mem>>) src(%dma_wait3A_328 : memref<8x128xi32, #tpu.memory_space<hbm>>) dst(%dma_wait3A_324 : memref<8x128xi32, #tpu.memory_space<vmem>>)
          %dma_wait3A_329 = arith.constant 0 : i32
          %dma_wait3A_330 = arith.constant 0 : i32
          %dma_wait3A_331 = tpu.memref_slice %arg11[%rem3A_263, %dma_wait3A_329, %dma_wait3A_330] : memref<2x8x128xi32, #tpu.memory_space<vmem>> -> memref<1x8x128xi32, #tpu.memory_space<vmem>>
          %dma_wait3A_332 = tpu.memref_squeeze %dma_wait3A_331 : memref<1x8x128xi32, #tpu.memory_space<vmem>> -> memref<8x128xi32, #tpu.memory_space<vmem>>
          %dma_wait3A_333 = arith.constant 0 : i32
          %dma_wait3A_334 = arith.constant 0 : i32
          %dma_wait3A_335 = tpu.memref_slice %arg4[%arg1, %dma_wait3A_333, %dma_wait3A_334] : memref<16x80x128xi32, #tpu.memory_space<hbm>> -> memref<1x8x128xi32, #tpu.memory_space<hbm>>
          %dma_wait3A_336 = tpu.memref_squeeze %dma_wait3A_335 : memref<1x8x128xi32, #tpu.memory_space<hbm>> -> memref<8x128xi32, #tpu.memory_space<hbm>>
          %dma_wait3A_337 = arith.constant 0 : i32
          %dma_wait3A_338 = arith.constant 0 : i32
          %dma_wait3A_339 = tpu.memref_slice %arg11[%rem3A_263, %dma_wait3A_337, %dma_wait3A_338] : memref<2x8x128xi32, #tpu.memory_space<vmem>> -> memref<1x8x128xi32, #tpu.memory_space<vmem>>
          %dma_wait3A_340 = tpu.memref_squeeze %dma_wait3A_339 : memref<1x8x128xi32, #tpu.memory_space<vmem>> -> memref<8x128xi32, #tpu.memory_space<vmem>>
          %dma_wait3A_341 = arith.constant 0 : i32
          %dma_wait3A_342 = arith.constant 0 : i32
          %dma_wait3A_343 = tpu.memref_slice %arg4[%arg1, %dma_wait3A_341, %dma_wait3A_342] : memref<16x80x128xi32, #tpu.memory_space<hbm>> -> memref<1x8x128xi32, #tpu.memory_space<hbm>>
          %dma_wait3A_344 = tpu.memref_squeeze %dma_wait3A_343 : memref<1x8x128xi32, #tpu.memory_space<hbm>> -> memref<8x128xi32, #tpu.memory_space<hbm>>
          tpu.wait_dma2 semaphore(%arg15 : memref<!tpu.dma_semaphore, #tpu.memory_space<semaphore_mem>>) src(%dma_wait3A_344 : memref<8x128xi32, #tpu.memory_space<hbm>>) dst(%dma_wait3A_340 : memref<8x128xi32, #tpu.memory_space<vmem>>)
        } else {
        }
        %sub3A_271 = arith.constant 1 : i32
        %sub3A_272 = arith.subi %sub3A_271, %rem3A_176 : i32
        %dma_start3A_273 = arith.constant 0 : i32
        %dma_start3A_274 = arith.constant 0 : i32
        %dma_start3A_275 = tpu.memref_slice %arg12[%sub3A_272, %dma_start3A_273, %dma_start3A_274] : memref<2x128x128xf32, #tpu.memory_space<vmem>> -> memref<1x32x128xf32, #tpu.memory_space<vmem>>
        %dma_start3A_276 = tpu.memref_squeeze %dma_start3A_275 : memref<1x32x128xf32, #tpu.memory_space<vmem>> -> memref<32x128xf32, #tpu.memory_space<vmem>>
        %dma_start3A_277 = arith.constant 0 : i32
        %dma_start3A_278 = tpu.memref_slice %arg10[%rem3A_263, %rem3A_265, %dma_start3A_277] : memref<2x8x128xi32, #tpu.memory_space<vmem>> -> memref<1x1x32xi32, #tpu.memory_space<vmem>>
        %dma_start3A_279 = tpu.memref_squeeze %dma_start3A_278 : memref<1x1x32xi32, #tpu.memory_space<vmem>> -> memref<32xi32, #tpu.memory_space<vmem>>
        %dma_start3A_280 = arith.constant 0 : i32
        %dma_start3A_281 = arith.constant 0 : i32
        %dma_start3A_282 = tpu.memref_slice %arg2[%dma_start3A_280, %dma_start3A_281] : memref<20008x128xf32, #tpu.memory_space<hbm>> -> memref<20008x128xf32, #tpu.memory_space<hbm>>
        tpu.enqueue_indirect_dma source(%dma_start3A_282 : memref<20008x128xf32, #tpu.memory_space<hbm>>) target(%dma_start3A_276 : memref<32x128xf32, #tpu.memory_space<vmem>>) offsets(%dma_start3A_279 : memref<32xi32, #tpu.memory_space<vmem>>) semaphore(%arg13 : memref<!tpu.dma_semaphore, #tpu.memory_space<semaphore_mem>>)
        %dma_start3A_283 = arith.constant 32 : i32
        %dma_start3A_284 = arith.constant 0 : i32
        %dma_start3A_285 = tpu.memref_slice %arg12[%sub3A_272, %dma_start3A_283, %dma_start3A_284] : memref<2x128x128xf32, #tpu.memory_space<vmem>> -> memref<1x32x128xf32, #tpu.memory_space<vmem>>
        %dma_start3A_286 = tpu.memref_squeeze %dma_start3A_285 : memref<1x32x128xf32, #tpu.memory_space<vmem>> -> memref<32x128xf32, #tpu.memory_space<vmem>>
        %dma_start3A_287 = arith.constant 32 : i32
        %dma_start3A_288 = tpu.memref_slice %arg10[%rem3A_263, %rem3A_265, %dma_start3A_287] : memref<2x8x128xi32, #tpu.memory_space<vmem>> -> memref<1x1x32xi32, #tpu.memory_space<vmem>>
        %dma_start3A_289 = tpu.memref_squeeze %dma_start3A_288 : memref<1x1x32xi32, #tpu.memory_space<vmem>> -> memref<32xi32, #tpu.memory_space<vmem>>
        %dma_start3A_290 = arith.constant 0 : i32
        %dma_start3A_291 = arith.constant 0 : i32
        %dma_start3A_292 = tpu.memref_slice %arg2[%dma_start3A_290, %dma_start3A_291] : memref<20008x128xf32, #tpu.memory_space<hbm>> -> memref<20008x128xf32, #tpu.memory_space<hbm>>
        tpu.enqueue_indirect_dma source(%dma_start3A_292 : memref<20008x128xf32, #tpu.memory_space<hbm>>) target(%dma_start3A_286 : memref<32x128xf32, #tpu.memory_space<vmem>>) offsets(%dma_start3A_289 : memref<32xi32, #tpu.memory_space<vmem>>) semaphore(%arg13 : memref<!tpu.dma_semaphore, #tpu.memory_space<semaphore_mem>>)
        %dma_start3A_293 = arith.constant 64 : i32
        %dma_start3A_294 = arith.constant 0 : i32
        %dma_start3A_295 = tpu.memref_slice %arg12[%sub3A_272, %dma_start3A_293, %dma_start3A_294] : memref<2x128x128xf32, #tpu.memory_space<vmem>> -> memref<1x32x128xf32, #tpu.memory_space<vmem>>
        %dma_start3A_296 = tpu.memref_squeeze %dma_start3A_295 : memref<1x32x128xf32, #tpu.memory_space<vmem>> -> memref<32x128xf32, #tpu.memory_space<vmem>>
        %dma_start3A_297 = arith.constant 64 : i32
        %dma_start3A_298 = tpu.memref_slice %arg10[%rem3A_263, %rem3A_265, %dma_start3A_297] : memref<2x8x128xi32, #tpu.memory_space<vmem>> -> memref<1x1x32xi32, #tpu.memory_space<vmem>>
        %dma_start3A_299 = tpu.memref_squeeze %dma_start3A_298 : memref<1x1x32xi32, #tpu.memory_space<vmem>> -> memref<32xi32, #tpu.memory_space<vmem>>
        %dma_start3A_300 = arith.constant 0 : i32
        %dma_start3A_301 = arith.constant 0 : i32
        %dma_start3A_302 = tpu.memref_slice %arg2[%dma_start3A_300, %dma_start3A_301] : memref<20008x128xf32, #tpu.memory_space<hbm>> -> memref<20008x128xf32, #tpu.memory_space<hbm>>
        tpu.enqueue_indirect_dma source(%dma_start3A_302 : memref<20008x128xf32, #tpu.memory_space<hbm>>) target(%dma_start3A_296 : memref<32x128xf32, #tpu.memory_space<vmem>>) offsets(%dma_start3A_299 : memref<32xi32, #tpu.memory_space<vmem>>) semaphore(%arg13 : memref<!tpu.dma_semaphore, #tpu.memory_space<semaphore_mem>>)
        %dma_start3A_303 = arith.constant 96 : i32
        %dma_start3A_304 = arith.constant 0 : i32
        %dma_start3A_305 = tpu.memref_slice %arg12[%sub3A_272, %dma_start3A_303, %dma_start3A_304] : memref<2x128x128xf32, #tpu.memory_space<vmem>> -> memref<1x32x128xf32, #tpu.memory_space<vmem>>
        %dma_start3A_306 = tpu.memref_squeeze %dma_start3A_305 : memref<1x32x128xf32, #tpu.memory_space<vmem>> -> memref<32x128xf32, #tpu.memory_space<vmem>>
        %dma_start3A_307 = arith.constant 96 : i32
        %dma_start3A_308 = tpu.memref_slice %arg10[%rem3A_263, %rem3A_265, %dma_start3A_307] : memref<2x8x128xi32, #tpu.memory_space<vmem>> -> memref<1x1x32xi32, #tpu.memory_space<vmem>>
        %dma_start3A_309 = tpu.memref_squeeze %dma_start3A_308 : memref<1x1x32xi32, #tpu.memory_space<vmem>> -> memref<32xi32, #tpu.memory_space<vmem>>
        %dma_start3A_310 = arith.constant 0 : i32
        %dma_start3A_311 = arith.constant 0 : i32
        %dma_start3A_312 = tpu.memref_slice %arg2[%dma_start3A_310, %dma_start3A_311] : memref<20008x128xf32, #tpu.memory_space<hbm>> -> memref<20008x128xf32, #tpu.memory_space<hbm>>
        tpu.enqueue_indirect_dma source(%dma_start3A_312 : memref<20008x128xf32, #tpu.memory_space<hbm>>) target(%dma_start3A_306 : memref<32x128xf32, #tpu.memory_space<vmem>>) offsets(%dma_start3A_309 : memref<32xi32, #tpu.memory_space<vmem>>) semaphore(%arg13 : memref<!tpu.dma_semaphore, #tpu.memory_space<semaphore_mem>>)
      } else {
      }
      %scan3A_235 = arith.constant 0 : i32
      scf.yield %scan3A_235 : i32
    }
    %scan3A_73 = arith.constant 80 : i32
    %dma_wait3A = arith.constant 0 : i32
    %dma_wait3A_74 = arith.constant 0 : i32
    %dma_wait3A_75 = arith.constant 0 : i32
    %dma_wait3A_76 = arith.constant 0 : i32
    %dma_wait3A_77 = arith.constant 0 : i32
    %dma_wait3A_78 = tpu.memref_slice %arg12[%dma_wait3A, %dma_wait3A_76, %dma_wait3A_77] : memref<2x128x128xf32, #tpu.memory_space<vmem>> -> memref<1x128x128xf32, #tpu.memory_space<vmem>>
    %dma_wait3A_79 = tpu.memref_squeeze %dma_wait3A_78 : memref<1x128x128xf32, #tpu.memory_space<vmem>> -> memref<128x128xf32, #tpu.memory_space<vmem>>
    %dma_wait3A_80 = arith.constant 0 : i32
    %dma_wait3A_81 = tpu.memref_slice %arg11[%dma_wait3A_74, %dma_wait3A_75, %dma_wait3A_80] : memref<2x8x128xi32, #tpu.memory_space<vmem>> -> memref<1x1x128xi32, #tpu.memory_space<vmem>>
    %dma_wait3A_82 = tpu.memref_squeeze %dma_wait3A_81 : memref<1x1x128xi32, #tpu.memory_space<vmem>> -> memref<128xi32, #tpu.memory_space<vmem>>
    %dma_wait3A_83 = arith.constant 0 : i32
    %dma_wait3A_84 = arith.constant 0 : i32
    %dma_wait3A_85 = tpu.memref_slice %arg9[%dma_wait3A_83, %dma_wait3A_84] : memref<10112x128xf32, #tpu.memory_space<vmem_shared>> -> memref<10112x128xf32, #tpu.memory_space<vmem_shared>>
    tpu.wait_indirect_dma semaphore(%arg14 : memref<!tpu.dma_semaphore, #tpu.memory_space<semaphore_mem>>) src(%dma_wait3A_79 : memref<128x128xf32, #tpu.memory_space<vmem>>) dst(%dma_wait3A_85 : memref<10112x128xf32, #tpu.memory_space<vmem_shared>>)
    %barrier3A_86 = arith.constant 0 : index
    tpu.barrier barrier_id(%barrier3A_86)
    %add3A_87 = arith.constant 0 : i32
    %add3A_88 = arith.addi %mul3A_0, %add3A_87 : i32
    %run_scoped3A_89 = arith.constant 0 : i32
    "tpu.region"() ({
      %run_scoped3A_174 = tpu.sem_alloc : memref<!tpu.dma_semaphore, #tpu.memory_space<semaphore_mem>>
      %dma_start3A_175 = arith.constant 0 : i32
      %dma_start3A_176 = arith.constant 0 : i32
      %dma_start3A_177 = tpu.memref_slice %arg12[%run_scoped3A_89, %dma_start3A_175, %dma_start3A_176] : memref<2x128x128xf32, #tpu.memory_space<vmem>> -> memref<1x128x128xf32, #tpu.memory_space<vmem>>
      %dma_start3A_178 = tpu.memref_squeeze %dma_start3A_177 : memref<1x128x128xf32, #tpu.memory_space<vmem>> -> memref<128x128xf32, #tpu.memory_space<vmem>>
      %dma_start3A_179 = arith.constant 0 : i32
      %dma_start3A_180 = tpu.memref_slice %arg9[%add3A_88, %dma_start3A_179] : memref<10112x128xf32, #tpu.memory_space<vmem_shared>> -> memref<128x128xf32, #tpu.memory_space<vmem_shared>>
      %dma_start3A_181 = arith.constant 0 : i32
      %dma_start3A_182 = arith.constant 0 : i32
      %dma_start3A_183 = tpu.memref_slice %arg12[%run_scoped3A_89, %dma_start3A_181, %dma_start3A_182] : memref<2x128x128xf32, #tpu.memory_space<vmem>> -> memref<1x128x128xf32, #tpu.memory_space<vmem>>
      %dma_start3A_184 = tpu.memref_squeeze %dma_start3A_183 : memref<1x128x128xf32, #tpu.memory_space<vmem>> -> memref<128x128xf32, #tpu.memory_space<vmem>>
      %dma_start3A_185 = arith.constant 0 : i32
      %dma_start3A_186 = tpu.memref_slice %arg9[%add3A_88, %dma_start3A_185] : memref<10112x128xf32, #tpu.memory_space<vmem_shared>> -> memref<128x128xf32, #tpu.memory_space<vmem_shared>>
      tpu.enqueue_dma source(%dma_start3A_186 : memref<128x128xf32, #tpu.memory_space<vmem_shared>>) target(%dma_start3A_184 : memref<128x128xf32, #tpu.memory_space<vmem>>) target_semaphore(%run_scoped3A_174 : memref<!tpu.dma_semaphore, #tpu.memory_space<semaphore_mem>>)
      %dma_wait3A_187 = arith.constant 0 : i32
      %dma_wait3A_188 = arith.constant 0 : i32
      %dma_wait3A_189 = tpu.memref_slice %arg12[%run_scoped3A_89, %dma_wait3A_187, %dma_wait3A_188] : memref<2x128x128xf32, #tpu.memory_space<vmem>> -> memref<1x128x128xf32, #tpu.memory_space<vmem>>
      %dma_wait3A_190 = tpu.memref_squeeze %dma_wait3A_189 : memref<1x128x128xf32, #tpu.memory_space<vmem>> -> memref<128x128xf32, #tpu.memory_space<vmem>>
      %dma_wait3A_191 = arith.constant 0 : i32
      %dma_wait3A_192 = tpu.memref_slice %arg9[%add3A_88, %dma_wait3A_191] : memref<10112x128xf32, #tpu.memory_space<vmem_shared>> -> memref<128x128xf32, #tpu.memory_space<vmem_shared>>
      %dma_wait3A_193 = arith.constant 0 : i32
      %dma_wait3A_194 = arith.constant 0 : i32
      %dma_wait3A_195 = tpu.memref_slice %arg12[%run_scoped3A_89, %dma_wait3A_193, %dma_wait3A_194] : memref<2x128x128xf32, #tpu.memory_space<vmem>> -> memref<1x128x128xf32, #tpu.memory_space<vmem>>
      %dma_wait3A_196 = tpu.memref_squeeze %dma_wait3A_195 : memref<1x128x128xf32, #tpu.memory_space<vmem>> -> memref<128x128xf32, #tpu.memory_space<vmem>>
      %dma_wait3A_197 = arith.constant 0 : i32
      %dma_wait3A_198 = tpu.memref_slice %arg9[%add3A_88, %dma_wait3A_197] : memref<10112x128xf32, #tpu.memory_space<vmem_shared>> -> memref<128x128xf32, #tpu.memory_space<vmem_shared>>
      tpu.wait_dma2 semaphore(%run_scoped3A_174 : memref<!tpu.dma_semaphore, #tpu.memory_space<semaphore_mem>>) src(%dma_wait3A_198 : memref<128x128xf32, #tpu.memory_space<vmem_shared>>) dst(%dma_wait3A_196 : memref<128x128xf32, #tpu.memory_space<vmem>>)
      tpu.yield
    }) : () -> ()
    %add3A_90 = arith.constant 0 : i32
    %add3A_91 = arith.addi %mul3A_0, %add3A_90 : i32
    %run_scoped3A_92 = arith.constant 0 : i32
    "tpu.region"() ({
      %run_scoped3A_174 = tpu.sem_alloc : memref<!tpu.dma_semaphore, #tpu.memory_space<semaphore_mem>>
      %dma_start3A_175 = arith.constant 0 : i32
      %dma_start3A_176 = arith.constant 0 : i32
      %dma_start3A_177 = tpu.memref_slice %arg12[%run_scoped3A_92, %dma_start3A_175, %dma_start3A_176] : memref<2x128x128xf32, #tpu.memory_space<vmem>> -> memref<1x128x128xf32, #tpu.memory_space<vmem>>
      %dma_start3A_178 = tpu.memref_squeeze %dma_start3A_177 : memref<1x128x128xf32, #tpu.memory_space<vmem>> -> memref<128x128xf32, #tpu.memory_space<vmem>>
      %dma_start3A_179 = arith.constant 0 : i32
      %dma_start3A_180 = tpu.memref_slice %arg7[%arg0, %add3A_91, %dma_start3A_179] : memref<2x10112x128xf32, #tpu.memory_space<hbm>> -> memref<1x128x128xf32, #tpu.memory_space<hbm>>
      %dma_start3A_181 = tpu.memref_squeeze %dma_start3A_180 : memref<1x128x128xf32, #tpu.memory_space<hbm>> -> memref<128x128xf32, #tpu.memory_space<hbm>>
      %dma_start3A_182 = arith.constant 0 : i32
      %dma_start3A_183 = tpu.memref_slice %arg7[%arg0, %add3A_91, %dma_start3A_182] : memref<2x10112x128xf32, #tpu.memory_space<hbm>> -> memref<1x128x128xf32, #tpu.memory_space<hbm>>
      %dma_start3A_184 = tpu.memref_squeeze %dma_start3A_183 : memref<1x128x128xf32, #tpu.memory_space<hbm>> -> memref<128x128xf32, #tpu.memory_space<hbm>>
      %dma_start3A_185 = arith.constant 0 : i32
      %dma_start3A_186 = arith.constant 0 : i32
      %dma_start3A_187 = tpu.memref_slice %arg12[%run_scoped3A_92, %dma_start3A_185, %dma_start3A_186] : memref<2x128x128xf32, #tpu.memory_space<vmem>> -> memref<1x128x128xf32, #tpu.memory_space<vmem>>
      %dma_start3A_188 = tpu.memref_squeeze %dma_start3A_187 : memref<1x128x128xf32, #tpu.memory_space<vmem>> -> memref<128x128xf32, #tpu.memory_space<vmem>>
      tpu.enqueue_dma source(%dma_start3A_188 : memref<128x128xf32, #tpu.memory_space<vmem>>) target(%dma_start3A_184 : memref<128x128xf32, #tpu.memory_space<hbm>>) target_semaphore(%run_scoped3A_174 : memref<!tpu.dma_semaphore, #tpu.memory_space<semaphore_mem>>)
      %dma_wait3A_189 = arith.constant 0 : i32
      %dma_wait3A_190 = arith.constant 0 : i32
      %dma_wait3A_191 = tpu.memref_slice %arg12[%run_scoped3A_92, %dma_wait3A_189, %dma_wait3A_190] : memref<2x128x128xf32, #tpu.memory_space<vmem>> -> memref<1x128x128xf32, #tpu.memory_space<vmem>>
      %dma_wait3A_192 = tpu.memref_squeeze %dma_wait3A_191 : memref<1x128x128xf32, #tpu.memory_space<vmem>> -> memref<128x128xf32, #tpu.memory_space<vmem>>
      %dma_wait3A_193 = arith.constant 0 : i32
      %dma_wait3A_194 = tpu.memref_slice %arg7[%arg0, %add3A_91, %dma_wait3A_193] : memref<2x10112x128xf32, #tpu.memory_space<hbm>> -> memref<1x128x128xf32, #tpu.memory_space<hbm>>
      %dma_wait3A_195 = tpu.memref_squeeze %dma_wait3A_194 : memref<1x128x128xf32, #tpu.memory_space<hbm>> -> memref<128x128xf32, #tpu.memory_space<hbm>>
      %dma_wait3A_196 = arith.constant 0 : i32
      %dma_wait3A_197 = tpu.memref_slice %arg7[%arg0, %add3A_91, %dma_wait3A_196] : memref<2x10112x128xf32, #tpu.memory_space<hbm>> -> memref<1x128x128xf32, #tpu.memory_space<hbm>>
      %dma_wait3A_198 = tpu.memref_squeeze %dma_wait3A_197 : memref<1x128x128xf32, #tpu.memory_space<hbm>> -> memref<128x128xf32, #tpu.memory_space<hbm>>
      %dma_wait3A_199 = arith.constant 0 : i32
      %dma_wait3A_200 = arith.constant 0 : i32
      %dma_wait3A_201 = tpu.memref_slice %arg12[%run_scoped3A_92, %dma_wait3A_199, %dma_wait3A_200] : memref<2x128x128xf32, #tpu.memory_space<vmem>> -> memref<1x128x128xf32, #tpu.memory_space<vmem>>
      %dma_wait3A_202 = tpu.memref_squeeze %dma_wait3A_201 : memref<1x128x128xf32, #tpu.memory_space<vmem>> -> memref<128x128xf32, #tpu.memory_space<vmem>>
      tpu.wait_dma2 semaphore(%run_scoped3A_174 : memref<!tpu.dma_semaphore, #tpu.memory_space<semaphore_mem>>) src(%dma_wait3A_202 : memref<128x128xf32, #tpu.memory_space<vmem>>) dst(%dma_wait3A_198 : memref<128x128xf32, #tpu.memory_space<hbm>>)
      tpu.yield
    }) : () -> ()
    %add3A_93 = arith.constant 128 : i32
    %add3A_94 = arith.addi %mul3A_0, %add3A_93 : i32
    %run_scoped3A_95 = arith.constant 0 : i32
    "tpu.region"() ({
      %run_scoped3A_174 = tpu.sem_alloc : memref<!tpu.dma_semaphore, #tpu.memory_space<semaphore_mem>>
      %dma_start3A_175 = arith.constant 0 : i32
      %dma_start3A_176 = arith.constant 0 : i32
      %dma_start3A_177 = tpu.memref_slice %arg12[%run_scoped3A_95, %dma_start3A_175, %dma_start3A_176] : memref<2x128x128xf32, #tpu.memory_space<vmem>> -> memref<1x128x128xf32, #tpu.memory_space<vmem>>
      %dma_start3A_178 = tpu.memref_squeeze %dma_start3A_177 : memref<1x128x128xf32, #tpu.memory_space<vmem>> -> memref<128x128xf32, #tpu.memory_space<vmem>>
      %dma_start3A_179 = arith.constant 0 : i32
      %dma_start3A_180 = tpu.memref_slice %arg9[%add3A_94, %dma_start3A_179] : memref<10112x128xf32, #tpu.memory_space<vmem_shared>> -> memref<128x128xf32, #tpu.memory_space<vmem_shared>>
      %dma_start3A_181 = arith.constant 0 : i32
      %dma_start3A_182 = arith.constant 0 : i32
      %dma_start3A_183 = tpu.memref_slice %arg12[%run_scoped3A_95, %dma_start3A_181, %dma_start3A_182] : memref<2x128x128xf32, #tpu.memory_space<vmem>> -> memref<1x128x128xf32, #tpu.memory_space<vmem>>
      %dma_start3A_184 = tpu.memref_squeeze %dma_start3A_183 : memref<1x128x128xf32, #tpu.memory_space<vmem>> -> memref<128x128xf32, #tpu.memory_space<vmem>>
      %dma_start3A_185 = arith.constant 0 : i32
      %dma_start3A_186 = tpu.memref_slice %arg9[%add3A_94, %dma_start3A_185] : memref<10112x128xf32, #tpu.memory_space<vmem_shared>> -> memref<128x128xf32, #tpu.memory_space<vmem_shared>>
      tpu.enqueue_dma source(%dma_start3A_186 : memref<128x128xf32, #tpu.memory_space<vmem_shared>>) target(%dma_start3A_184 : memref<128x128xf32, #tpu.memory_space<vmem>>) target_semaphore(%run_scoped3A_174 : memref<!tpu.dma_semaphore, #tpu.memory_space<semaphore_mem>>)
      %dma_wait3A_187 = arith.constant 0 : i32
      %dma_wait3A_188 = arith.constant 0 : i32
      %dma_wait3A_189 = tpu.memref_slice %arg12[%run_scoped3A_95, %dma_wait3A_187, %dma_wait3A_188] : memref<2x128x128xf32, #tpu.memory_space<vmem>> -> memref<1x128x128xf32, #tpu.memory_space<vmem>>
      %dma_wait3A_190 = tpu.memref_squeeze %dma_wait3A_189 : memref<1x128x128xf32, #tpu.memory_space<vmem>> -> memref<128x128xf32, #tpu.memory_space<vmem>>
      %dma_wait3A_191 = arith.constant 0 : i32
      %dma_wait3A_192 = tpu.memref_slice %arg9[%add3A_94, %dma_wait3A_191] : memref<10112x128xf32, #tpu.memory_space<vmem_shared>> -> memref<128x128xf32, #tpu.memory_space<vmem_shared>>
      %dma_wait3A_193 = arith.constant 0 : i32
      %dma_wait3A_194 = arith.constant 0 : i32
      %dma_wait3A_195 = tpu.memref_slice %arg12[%run_scoped3A_95, %dma_wait3A_193, %dma_wait3A_194] : memref<2x128x128xf32, #tpu.memory_space<vmem>> -> memref<1x128x128xf32, #tpu.memory_space<vmem>>
      %dma_wait3A_196 = tpu.memref_squeeze %dma_wait3A_195 : memref<1x128x128xf32, #tpu.memory_space<vmem>> -> memref<128x128xf32, #tpu.memory_space<vmem>>
      %dma_wait3A_197 = arith.constant 0 : i32
      %dma_wait3A_198 = tpu.memref_slice %arg9[%add3A_94, %dma_wait3A_197] : memref<10112x128xf32, #tpu.memory_space<vmem_shared>> -> memref<128x128xf32, #tpu.memory_space<vmem_shared>>
      tpu.wait_dma2 semaphore(%run_scoped3A_174 : memref<!tpu.dma_semaphore, #tpu.memory_space<semaphore_mem>>) src(%dma_wait3A_198 : memref<128x128xf32, #tpu.memory_space<vmem_shared>>) dst(%dma_wait3A_196 : memref<128x128xf32, #tpu.memory_space<vmem>>)
      tpu.yield
    }) : () -> ()
    %add3A_96 = arith.constant 128 : i32
    %add3A_97 = arith.addi %mul3A_0, %add3A_96 : i32
    %run_scoped3A_98 = arith.constant 0 : i32
    "tpu.region"() ({
      %run_scoped3A_174 = tpu.sem_alloc : memref<!tpu.dma_semaphore, #tpu.memory_space<semaphore_mem>>
      %dma_start3A_175 = arith.constant 0 : i32
      %dma_start3A_176 = arith.constant 0 : i32
      %dma_start3A_177 = tpu.memref_slice %arg12[%run_scoped3A_98, %dma_start3A_175, %dma_start3A_176] : memref<2x128x128xf32, #tpu.memory_space<vmem>> -> memref<1x128x128xf32, #tpu.memory_space<vmem>>
      %dma_start3A_178 = tpu.memref_squeeze %dma_start3A_177 : memref<1x128x128xf32, #tpu.memory_space<vmem>> -> memref<128x128xf32, #tpu.memory_space<vmem>>
      %dma_start3A_179 = arith.constant 0 : i32
      %dma_start3A_180 = tpu.memref_slice %arg7[%arg0, %add3A_97, %dma_start3A_179] : memref<2x10112x128xf32, #tpu.memory_space<hbm>> -> memref<1x128x128xf32, #tpu.memory_space<hbm>>
      %dma_start3A_181 = tpu.memref_squeeze %dma_start3A_180 : memref<1x128x128xf32, #tpu.memory_space<hbm>> -> memref<128x128xf32, #tpu.memory_space<hbm>>
      %dma_start3A_182 = arith.constant 0 : i32
      %dma_start3A_183 = tpu.memref_slice %arg7[%arg0, %add3A_97, %dma_start3A_182] : memref<2x10112x128xf32, #tpu.memory_space<hbm>> -> memref<1x128x128xf32, #tpu.memory_space<hbm>>
      %dma_start3A_184 = tpu.memref_squeeze %dma_start3A_183 : memref<1x128x128xf32, #tpu.memory_space<hbm>> -> memref<128x128xf32, #tpu.memory_space<hbm>>
      %dma_start3A_185 = arith.constant 0 : i32
      %dma_start3A_186 = arith.constant 0 : i32
      %dma_start3A_187 = tpu.memref_slice %arg12[%run_scoped3A_98, %dma_start3A_185, %dma_start3A_186] : memref<2x128x128xf32, #tpu.memory_space<vmem>> -> memref<1x128x128xf32, #tpu.memory_space<vmem>>
      %dma_start3A_188 = tpu.memref_squeeze %dma_start3A_187 : memref<1x128x128xf32, #tpu.memory_space<vmem>> -> memref<128x128xf32, #tpu.memory_space<vmem>>
      tpu.enqueue_dma source(%dma_start3A_188 : memref<128x128xf32, #tpu.memory_space<vmem>>) target(%dma_start3A_184 : memref<128x128xf32, #tpu.memory_space<hbm>>) target_semaphore(%run_scoped3A_174 : memref<!tpu.dma_semaphore, #tpu.memory_space<semaphore_mem>>)
      %dma_wait3A_189 = arith.constant 0 : i32
      %dma_wait3A_190 = arith.constant 0 : i32
      %dma_wait3A_191 = tpu.memref_slice %arg12[%run_scoped3A_98, %dma_wait3A_189, %dma_wait3A_190] : memref<2x128x128xf32, #tpu.memory_space<vmem>> -> memref<1x128x128xf32, #tpu.memory_space<vmem>>
      %dma_wait3A_192 = tpu.memref_squeeze %dma_wait3A_191 : memref<1x128x128xf32, #tpu.memory_space<vmem>> -> memref<128x128xf32, #tpu.memory_space<vmem>>
      %dma_wait3A_193 = arith.constant 0 : i32
      %dma_wait3A_194 = tpu.memref_slice %arg7[%arg0, %add3A_97, %dma_wait3A_193] : memref<2x10112x128xf32, #tpu.memory_space<hbm>> -> memref<1x128x128xf32, #tpu.memory_space<hbm>>
      %dma_wait3A_195 = tpu.memref_squeeze %dma_wait3A_194 : memref<1x128x128xf32, #tpu.memory_space<hbm>> -> memref<128x128xf32, #tpu.memory_space<hbm>>
      %dma_wait3A_196 = arith.constant 0 : i32
      %dma_wait3A_197 = tpu.memref_slice %arg7[%arg0, %add3A_97, %dma_wait3A_196] : memref<2x10112x128xf32, #tpu.memory_space<hbm>> -> memref<1x128x128xf32, #tpu.memory_space<hbm>>
      %dma_wait3A_198 = tpu.memref_squeeze %dma_wait3A_197 : memref<1x128x128xf32, #tpu.memory_space<hbm>> -> memref<128x128xf32, #tpu.memory_space<hbm>>
      %dma_wait3A_199 = arith.constant 0 : i32
      %dma_wait3A_200 = arith.constant 0 : i32
      %dma_wait3A_201 = tpu.memref_slice %arg12[%run_scoped3A_98, %dma_wait3A_199, %dma_wait3A_200] : memref<2x128x128xf32, #tpu.memory_space<vmem>> -> memref<1x128x128xf32, #tpu.memory_space<vmem>>
      %dma_wait3A_202 = tpu.memref_squeeze %dma_wait3A_201 : memref<1x128x128xf32, #tpu.memory_space<vmem>> -> memref<128x128xf32, #tpu.memory_space<vmem>>
      tpu.wait_dma2 semaphore(%run_scoped3A_174 : memref<!tpu.dma_semaphore, #tpu.memory_space<semaphore_mem>>) src(%dma_wait3A_202 : memref<128x128xf32, #tpu.memory_space<vmem>>) dst(%dma_wait3A_198 : memref<128x128xf32, #tpu.memory_space<hbm>>)
      tpu.yield
    }) : () -> ()
    %add3A_99 = arith.constant 256 : i32
    %add3A_100 = arith.addi %mul3A_0, %add3A_99 : i32
    %run_scoped3A_101 = arith.constant 0 : i32
    "tpu.region"() ({
      %run_scoped3A_174 = tpu.sem_alloc : memref<!tpu.dma_semaphore, #tpu.memory_space<semaphore_mem>>
      %dma_start3A_175 = arith.constant 0 : i32
      %dma_start3A_176 = arith.constant 0 : i32
      %dma_start3A_177 = tpu.memref_slice %arg12[%run_scoped3A_101, %dma_start3A_175, %dma_start3A_176] : memref<2x128x128xf32, #tpu.memory_space<vmem>> -> memref<1x128x128xf32, #tpu.memory_space<vmem>>
      %dma_start3A_178 = tpu.memref_squeeze %dma_start3A_177 : memref<1x128x128xf32, #tpu.memory_space<vmem>> -> memref<128x128xf32, #tpu.memory_space<vmem>>
      %dma_start3A_179 = arith.constant 0 : i32
      %dma_start3A_180 = tpu.memref_slice %arg9[%add3A_100, %dma_start3A_179] : memref<10112x128xf32, #tpu.memory_space<vmem_shared>> -> memref<128x128xf32, #tpu.memory_space<vmem_shared>>
      %dma_start3A_181 = arith.constant 0 : i32
      %dma_start3A_182 = arith.constant 0 : i32
      %dma_start3A_183 = tpu.memref_slice %arg12[%run_scoped3A_101, %dma_start3A_181, %dma_start3A_182] : memref<2x128x128xf32, #tpu.memory_space<vmem>> -> memref<1x128x128xf32, #tpu.memory_space<vmem>>
      %dma_start3A_184 = tpu.memref_squeeze %dma_start3A_183 : memref<1x128x128xf32, #tpu.memory_space<vmem>> -> memref<128x128xf32, #tpu.memory_space<vmem>>
      %dma_start3A_185 = arith.constant 0 : i32
      %dma_start3A_186 = tpu.memref_slice %arg9[%add3A_100, %dma_start3A_185] : memref<10112x128xf32, #tpu.memory_space<vmem_shared>> -> memref<128x128xf32, #tpu.memory_space<vmem_shared>>
      tpu.enqueue_dma source(%dma_start3A_186 : memref<128x128xf32, #tpu.memory_space<vmem_shared>>) target(%dma_start3A_184 : memref<128x128xf32, #tpu.memory_space<vmem>>) target_semaphore(%run_scoped3A_174 : memref<!tpu.dma_semaphore, #tpu.memory_space<semaphore_mem>>)
      %dma_wait3A_187 = arith.constant 0 : i32
      %dma_wait3A_188 = arith.constant 0 : i32
      %dma_wait3A_189 = tpu.memref_slice %arg12[%run_scoped3A_101, %dma_wait3A_187, %dma_wait3A_188] : memref<2x128x128xf32, #tpu.memory_space<vmem>> -> memref<1x128x128xf32, #tpu.memory_space<vmem>>
      %dma_wait3A_190 = tpu.memref_squeeze %dma_wait3A_189 : memref<1x128x128xf32, #tpu.memory_space<vmem>> -> memref<128x128xf32, #tpu.memory_space<vmem>>
      %dma_wait3A_191 = arith.constant 0 : i32
      %dma_wait3A_192 = tpu.memref_slice %arg9[%add3A_100, %dma_wait3A_191] : memref<10112x128xf32, #tpu.memory_space<vmem_shared>> -> memref<128x128xf32, #tpu.memory_space<vmem_shared>>
      %dma_wait3A_193 = arith.constant 0 : i32
      %dma_wait3A_194 = arith.constant 0 : i32
      %dma_wait3A_195 = tpu.memref_slice %arg12[%run_scoped3A_101, %dma_wait3A_193, %dma_wait3A_194] : memref<2x128x128xf32, #tpu.memory_space<vmem>> -> memref<1x128x128xf32, #tpu.memory_space<vmem>>
      %dma_wait3A_196 = tpu.memref_squeeze %dma_wait3A_195 : memref<1x128x128xf32, #tpu.memory_space<vmem>> -> memref<128x128xf32, #tpu.memory_space<vmem>>
      %dma_wait3A_197 = arith.constant 0 : i32
      %dma_wait3A_198 = tpu.memref_slice %arg9[%add3A_100, %dma_wait3A_197] : memref<10112x128xf32, #tpu.memory_space<vmem_shared>> -> memref<128x128xf32, #tpu.memory_space<vmem_shared>>
      tpu.wait_dma2 semaphore(%run_scoped3A_174 : memref<!tpu.dma_semaphore, #tpu.memory_space<semaphore_mem>>) src(%dma_wait3A_198 : memref<128x128xf32, #tpu.memory_space<vmem_shared>>) dst(%dma_wait3A_196 : memref<128x128xf32, #tpu.memory_space<vmem>>)
      tpu.yield
    }) : () -> ()
    %add3A_102 = arith.constant 256 : i32
    %add3A_103 = arith.addi %mul3A_0, %add3A_102 : i32
    %run_scoped3A_104 = arith.constant 0 : i32
    "tpu.region"() ({
      %run_scoped3A_174 = tpu.sem_alloc : memref<!tpu.dma_semaphore, #tpu.memory_space<semaphore_mem>>
      %dma_start3A_175 = arith.constant 0 : i32
      %dma_start3A_176 = arith.constant 0 : i32
      %dma_start3A_177 = tpu.memref_slice %arg12[%run_scoped3A_104, %dma_start3A_175, %dma_start3A_176] : memref<2x128x128xf32, #tpu.memory_space<vmem>> -> memref<1x128x128xf32, #tpu.memory_space<vmem>>
      %dma_start3A_178 = tpu.memref_squeeze %dma_start3A_177 : memref<1x128x128xf32, #tpu.memory_space<vmem>> -> memref<128x128xf32, #tpu.memory_space<vmem>>
      %dma_start3A_179 = arith.constant 0 : i32
      %dma_start3A_180 = tpu.memref_slice %arg7[%arg0, %add3A_103, %dma_start3A_179] : memref<2x10112x128xf32, #tpu.memory_space<hbm>> -> memref<1x128x128xf32, #tpu.memory_space<hbm>>
      %dma_start3A_181 = tpu.memref_squeeze %dma_start3A_180 : memref<1x128x128xf32, #tpu.memory_space<hbm>> -> memref<128x128xf32, #tpu.memory_space<hbm>>
      %dma_start3A_182 = arith.constant 0 : i32
      %dma_start3A_183 = tpu.memref_slice %arg7[%arg0, %add3A_103, %dma_start3A_182] : memref<2x10112x128xf32, #tpu.memory_space<hbm>> -> memref<1x128x128xf32, #tpu.memory_space<hbm>>
      %dma_start3A_184 = tpu.memref_squeeze %dma_start3A_183 : memref<1x128x128xf32, #tpu.memory_space<hbm>> -> memref<128x128xf32, #tpu.memory_space<hbm>>
      %dma_start3A_185 = arith.constant 0 : i32
      %dma_start3A_186 = arith.constant 0 : i32
      %dma_start3A_187 = tpu.memref_slice %arg12[%run_scoped3A_104, %dma_start3A_185, %dma_start3A_186] : memref<2x128x128xf32, #tpu.memory_space<vmem>> -> memref<1x128x128xf32, #tpu.memory_space<vmem>>
      %dma_start3A_188 = tpu.memref_squeeze %dma_start3A_187 : memref<1x128x128xf32, #tpu.memory_space<vmem>> -> memref<128x128xf32, #tpu.memory_space<vmem>>
      tpu.enqueue_dma source(%dma_start3A_188 : memref<128x128xf32, #tpu.memory_space<vmem>>) target(%dma_start3A_184 : memref<128x128xf32, #tpu.memory_space<hbm>>) target_semaphore(%run_scoped3A_174 : memref<!tpu.dma_semaphore, #tpu.memory_space<semaphore_mem>>)
      %dma_wait3A_189 = arith.constant 0 : i32
      %dma_wait3A_190 = arith.constant 0 : i32
      %dma_wait3A_191 = tpu.memref_slice %arg12[%run_scoped3A_104, %dma_wait3A_189, %dma_wait3A_190] : memref<2x128x128xf32, #tpu.memory_space<vmem>> -> memref<1x128x128xf32, #tpu.memory_space<vmem>>
      %dma_wait3A_192 = tpu.memref_squeeze %dma_wait3A_191 : memref<1x128x128xf32, #tpu.memory_space<vmem>> -> memref<128x128xf32, #tpu.memory_space<vmem>>
      %dma_wait3A_193 = arith.constant 0 : i32
      %dma_wait3A_194 = tpu.memref_slice %arg7[%arg0, %add3A_103, %dma_wait3A_193] : memref<2x10112x128xf32, #tpu.memory_space<hbm>> -> memref<1x128x128xf32, #tpu.memory_space<hbm>>
      %dma_wait3A_195 = tpu.memref_squeeze %dma_wait3A_194 : memref<1x128x128xf32, #tpu.memory_space<hbm>> -> memref<128x128xf32, #tpu.memory_space<hbm>>
      %dma_wait3A_196 = arith.constant 0 : i32
      %dma_wait3A_197 = tpu.memref_slice %arg7[%arg0, %add3A_103, %dma_wait3A_196] : memref<2x10112x128xf32, #tpu.memory_space<hbm>> -> memref<1x128x128xf32, #tpu.memory_space<hbm>>
      %dma_wait3A_198 = tpu.memref_squeeze %dma_wait3A_197 : memref<1x128x128xf32, #tpu.memory_space<hbm>> -> memref<128x128xf32, #tpu.memory_space<hbm>>
      %dma_wait3A_199 = arith.constant 0 : i32
      %dma_wait3A_200 = arith.constant 0 : i32
      %dma_wait3A_201 = tpu.memref_slice %arg12[%run_scoped3A_104, %dma_wait3A_199, %dma_wait3A_200] : memref<2x128x128xf32, #tpu.memory_space<vmem>> -> memref<1x128x128xf32, #tpu.memory_space<vmem>>
      %dma_wait3A_202 = tpu.memref_squeeze %dma_wait3A_201 : memref<1x128x128xf32, #tpu.memory_space<vmem>> -> memref<128x128xf32, #tpu.memory_space<vmem>>
      tpu.wait_dma2 semaphore(%run_scoped3A_174 : memref<!tpu.dma_semaphore, #tpu.memory_space<semaphore_mem>>) src(%dma_wait3A_202 : memref<128x128xf32, #tpu.memory_space<vmem>>) dst(%dma_wait3A_198 : memref<128x128xf32, #tpu.memory_space<hbm>>)
      tpu.yield
    }) : () -> ()
    %add3A_105 = arith.constant 384 : i32
    %add3A_106 = arith.addi %mul3A_0, %add3A_105 : i32
    %run_scoped3A_107 = arith.constant 0 : i32
    "tpu.region"() ({
      %run_scoped3A_174 = tpu.sem_alloc : memref<!tpu.dma_semaphore, #tpu.memory_space<semaphore_mem>>
      %dma_start3A_175 = arith.constant 0 : i32
      %dma_start3A_176 = arith.constant 0 : i32
      %dma_start3A_177 = tpu.memref_slice %arg12[%run_scoped3A_107, %dma_start3A_175, %dma_start3A_176] : memref<2x128x128xf32, #tpu.memory_space<vmem>> -> memref<1x128x128xf32, #tpu.memory_space<vmem>>
      %dma_start3A_178 = tpu.memref_squeeze %dma_start3A_177 : memref<1x128x128xf32, #tpu.memory_space<vmem>> -> memref<128x128xf32, #tpu.memory_space<vmem>>
      %dma_start3A_179 = arith.constant 0 : i32
      %dma_start3A_180 = tpu.memref_slice %arg9[%add3A_106, %dma_start3A_179] : memref<10112x128xf32, #tpu.memory_space<vmem_shared>> -> memref<128x128xf32, #tpu.memory_space<vmem_shared>>
      %dma_start3A_181 = arith.constant 0 : i32
      %dma_start3A_182 = arith.constant 0 : i32
      %dma_start3A_183 = tpu.memref_slice %arg12[%run_scoped3A_107, %dma_start3A_181, %dma_start3A_182] : memref<2x128x128xf32, #tpu.memory_space<vmem>> -> memref<1x128x128xf32, #tpu.memory_space<vmem>>
      %dma_start3A_184 = tpu.memref_squeeze %dma_start3A_183 : memref<1x128x128xf32, #tpu.memory_space<vmem>> -> memref<128x128xf32, #tpu.memory_space<vmem>>
      %dma_start3A_185 = arith.constant 0 : i32
      %dma_start3A_186 = tpu.memref_slice %arg9[%add3A_106, %dma_start3A_185] : memref<10112x128xf32, #tpu.memory_space<vmem_shared>> -> memref<128x128xf32, #tpu.memory_space<vmem_shared>>
      tpu.enqueue_dma source(%dma_start3A_186 : memref<128x128xf32, #tpu.memory_space<vmem_shared>>) target(%dma_start3A_184 : memref<128x128xf32, #tpu.memory_space<vmem>>) target_semaphore(%run_scoped3A_174 : memref<!tpu.dma_semaphore, #tpu.memory_space<semaphore_mem>>)
      %dma_wait3A_187 = arith.constant 0 : i32
      %dma_wait3A_188 = arith.constant 0 : i32
      %dma_wait3A_189 = tpu.memref_slice %arg12[%run_scoped3A_107, %dma_wait3A_187, %dma_wait3A_188] : memref<2x128x128xf32, #tpu.memory_space<vmem>> -> memref<1x128x128xf32, #tpu.memory_space<vmem>>
      %dma_wait3A_190 = tpu.memref_squeeze %dma_wait3A_189 : memref<1x128x128xf32, #tpu.memory_space<vmem>> -> memref<128x128xf32, #tpu.memory_space<vmem>>
      %dma_wait3A_191 = arith.constant 0 : i32
      %dma_wait3A_192 = tpu.memref_slice %arg9[%add3A_106, %dma_wait3A_191] : memref<10112x128xf32, #tpu.memory_space<vmem_shared>> -> memref<128x128xf32, #tpu.memory_space<vmem_shared>>
      %dma_wait3A_193 = arith.constant 0 : i32
      %dma_wait3A_194 = arith.constant 0 : i32
      %dma_wait3A_195 = tpu.memref_slice %arg12[%run_scoped3A_107, %dma_wait3A_193, %dma_wait3A_194] : memref<2x128x128xf32, #tpu.memory_space<vmem>> -> memref<1x128x128xf32, #tpu.memory_space<vmem>>
      %dma_wait3A_196 = tpu.memref_squeeze %dma_wait3A_195 : memref<1x128x128xf32, #tpu.memory_space<vmem>> -> memref<128x128xf32, #tpu.memory_space<vmem>>
      %dma_wait3A_197 = arith.constant 0 : i32
      %dma_wait3A_198 = tpu.memref_slice %arg9[%add3A_106, %dma_wait3A_197] : memref<10112x128xf32, #tpu.memory_space<vmem_shared>> -> memref<128x128xf32, #tpu.memory_space<vmem_shared>>
      tpu.wait_dma2 semaphore(%run_scoped3A_174 : memref<!tpu.dma_semaphore, #tpu.memory_space<semaphore_mem>>) src(%dma_wait3A_198 : memref<128x128xf32, #tpu.memory_space<vmem_shared>>) dst(%dma_wait3A_196 : memref<128x128xf32, #tpu.memory_space<vmem>>)
      tpu.yield
    }) : () -> ()
    %add3A_108 = arith.constant 384 : i32
    %add3A_109 = arith.addi %mul3A_0, %add3A_108 : i32
    %run_scoped3A_110 = arith.constant 0 : i32
    "tpu.region"() ({
      %run_scoped3A_174 = tpu.sem_alloc : memref<!tpu.dma_semaphore, #tpu.memory_space<semaphore_mem>>
      %dma_start3A_175 = arith.constant 0 : i32
      %dma_start3A_176 = arith.constant 0 : i32
      %dma_start3A_177 = tpu.memref_slice %arg12[%run_scoped3A_110, %dma_start3A_175, %dma_start3A_176] : memref<2x128x128xf32, #tpu.memory_space<vmem>> -> memref<1x128x128xf32, #tpu.memory_space<vmem>>
      %dma_start3A_178 = tpu.memref_squeeze %dma_start3A_177 : memref<1x128x128xf32, #tpu.memory_space<vmem>> -> memref<128x128xf32, #tpu.memory_space<vmem>>
      %dma_start3A_179 = arith.constant 0 : i32
      %dma_start3A_180 = tpu.memref_slice %arg7[%arg0, %add3A_109, %dma_start3A_179] : memref<2x10112x128xf32, #tpu.memory_space<hbm>> -> memref<1x128x128xf32, #tpu.memory_space<hbm>>
      %dma_start3A_181 = tpu.memref_squeeze %dma_start3A_180 : memref<1x128x128xf32, #tpu.memory_space<hbm>> -> memref<128x128xf32, #tpu.memory_space<hbm>>
      %dma_start3A_182 = arith.constant 0 : i32
      %dma_start3A_183 = tpu.memref_slice %arg7[%arg0, %add3A_109, %dma_start3A_182] : memref<2x10112x128xf32, #tpu.memory_space<hbm>> -> memref<1x128x128xf32, #tpu.memory_space<hbm>>
      %dma_start3A_184 = tpu.memref_squeeze %dma_start3A_183 : memref<1x128x128xf32, #tpu.memory_space<hbm>> -> memref<128x128xf32, #tpu.memory_space<hbm>>
      %dma_start3A_185 = arith.constant 0 : i32
      %dma_start3A_186 = arith.constant 0 : i32
      %dma_start3A_187 = tpu.memref_slice %arg12[%run_scoped3A_110, %dma_start3A_185, %dma_start3A_186] : memref<2x128x128xf32, #tpu.memory_space<vmem>> -> memref<1x128x128xf32, #tpu.memory_space<vmem>>
      %dma_start3A_188 = tpu.memref_squeeze %dma_start3A_187 : memref<1x128x128xf32, #tpu.memory_space<vmem>> -> memref<128x128xf32, #tpu.memory_space<vmem>>
      tpu.enqueue_dma source(%dma_start3A_188 : memref<128x128xf32, #tpu.memory_space<vmem>>) target(%dma_start3A_184 : memref<128x128xf32, #tpu.memory_space<hbm>>) target_semaphore(%run_scoped3A_174 : memref<!tpu.dma_semaphore, #tpu.memory_space<semaphore_mem>>)
      %dma_wait3A_189 = arith.constant 0 : i32
      %dma_wait3A_190 = arith.constant 0 : i32
      %dma_wait3A_191 = tpu.memref_slice %arg12[%run_scoped3A_110, %dma_wait3A_189, %dma_wait3A_190] : memref<2x128x128xf32, #tpu.memory_space<vmem>> -> memref<1x128x128xf32, #tpu.memory_space<vmem>>
      %dma_wait3A_192 = tpu.memref_squeeze %dma_wait3A_191 : memref<1x128x128xf32, #tpu.memory_space<vmem>> -> memref<128x128xf32, #tpu.memory_space<vmem>>
      %dma_wait3A_193 = arith.constant 0 : i32
      %dma_wait3A_194 = tpu.memref_slice %arg7[%arg0, %add3A_109, %dma_wait3A_193] : memref<2x10112x128xf32, #tpu.memory_space<hbm>> -> memref<1x128x128xf32, #tpu.memory_space<hbm>>
      %dma_wait3A_195 = tpu.memref_squeeze %dma_wait3A_194 : memref<1x128x128xf32, #tpu.memory_space<hbm>> -> memref<128x128xf32, #tpu.memory_space<hbm>>
      %dma_wait3A_196 = arith.constant 0 : i32
      %dma_wait3A_197 = tpu.memref_slice %arg7[%arg0, %add3A_109, %dma_wait3A_196] : memref<2x10112x128xf32, #tpu.memory_space<hbm>> -> memref<1x128x128xf32, #tpu.memory_space<hbm>>
      %dma_wait3A_198 = tpu.memref_squeeze %dma_wait3A_197 : memref<1x128x128xf32, #tpu.memory_space<hbm>> -> memref<128x128xf32, #tpu.memory_space<hbm>>
      %dma_wait3A_199 = arith.constant 0 : i32
      %dma_wait3A_200 = arith.constant 0 : i32
      %dma_wait3A_201 = tpu.memref_slice %arg12[%run_scoped3A_110, %dma_wait3A_199, %dma_wait3A_200] : memref<2x128x128xf32, #tpu.memory_space<vmem>> -> memref<1x128x128xf32, #tpu.memory_space<vmem>>
      %dma_wait3A_202 = tpu.memref_squeeze %dma_wait3A_201 : memref<1x128x128xf32, #tpu.memory_space<vmem>> -> memref<128x128xf32, #tpu.memory_space<vmem>>
      tpu.wait_dma2 semaphore(%run_scoped3A_174 : memref<!tpu.dma_semaphore, #tpu.memory_space<semaphore_mem>>) src(%dma_wait3A_202 : memref<128x128xf32, #tpu.memory_space<vmem>>) dst(%dma_wait3A_198 : memref<128x128xf32, #tpu.memory_space<hbm>>)
      tpu.yield
    }) : () -> ()
    %add3A_111 = arith.constant 512 : i32
    %add3A_112 = arith.addi %mul3A_0, %add3A_111 : i32
    %run_scoped3A_113 = arith.constant 0 : i32
    "tpu.region"() ({
      %run_scoped3A_174 = tpu.sem_alloc : memref<!tpu.dma_semaphore, #tpu.memory_space<semaphore_mem>>
      %dma_start3A_175 = arith.constant 0 : i32
      %dma_start3A_176 = arith.constant 0 : i32
      %dma_start3A_177 = tpu.memref_slice %arg12[%run_scoped3A_113, %dma_start3A_175, %dma_start3A_176] : memref<2x128x128xf32, #tpu.memory_space<vmem>> -> memref<1x120x128xf32, #tpu.memory_space<vmem>>
      %dma_start3A_178 = tpu.memref_squeeze %dma_start3A_177 : memref<1x120x128xf32, #tpu.memory_space<vmem>> -> memref<120x128xf32, #tpu.memory_space<vmem>>
      %dma_start3A_179 = arith.constant 0 : i32
      %dma_start3A_180 = tpu.memref_slice %arg9[%add3A_112, %dma_start3A_179] : memref<10112x128xf32, #tpu.memory_space<vmem_shared>> -> memref<120x128xf32, #tpu.memory_space<vmem_shared>>
      %dma_start3A_181 = arith.constant 0 : i32
      %dma_start3A_182 = arith.constant 0 : i32
      %dma_start3A_183 = tpu.memref_slice %arg12[%run_scoped3A_113, %dma_start3A_181, %dma_start3A_182] : memref<2x128x128xf32, #tpu.memory_space<vmem>> -> memref<1x120x128xf32, #tpu.memory_space<vmem>>
      %dma_start3A_184 = tpu.memref_squeeze %dma_start3A_183 : memref<1x120x128xf32, #tpu.memory_space<vmem>> -> memref<120x128xf32, #tpu.memory_space<vmem>>
      %dma_start3A_185 = arith.constant 0 : i32
      %dma_start3A_186 = tpu.memref_slice %arg9[%add3A_112, %dma_start3A_185] : memref<10112x128xf32, #tpu.memory_space<vmem_shared>> -> memref<120x128xf32, #tpu.memory_space<vmem_shared>>
      tpu.enqueue_dma source(%dma_start3A_186 : memref<120x128xf32, #tpu.memory_space<vmem_shared>>) target(%dma_start3A_184 : memref<120x128xf32, #tpu.memory_space<vmem>>) target_semaphore(%run_scoped3A_174 : memref<!tpu.dma_semaphore, #tpu.memory_space<semaphore_mem>>)
      %dma_wait3A_187 = arith.constant 0 : i32
      %dma_wait3A_188 = arith.constant 0 : i32
      %dma_wait3A_189 = tpu.memref_slice %arg12[%run_scoped3A_113, %dma_wait3A_187, %dma_wait3A_188] : memref<2x128x128xf32, #tpu.memory_space<vmem>> -> memref<1x120x128xf32, #tpu.memory_space<vmem>>
      %dma_wait3A_190 = tpu.memref_squeeze %dma_wait3A_189 : memref<1x120x128xf32, #tpu.memory_space<vmem>> -> memref<120x128xf32, #tpu.memory_space<vmem>>
      %dma_wait3A_191 = arith.constant 0 : i32
      %dma_wait3A_192 = tpu.memref_slice %arg9[%add3A_112, %dma_wait3A_191] : memref<10112x128xf32, #tpu.memory_space<vmem_shared>> -> memref<120x128xf32, #tpu.memory_space<vmem_shared>>
      %dma_wait3A_193 = arith.constant 0 : i32
      %dma_wait3A_194 = arith.constant 0 : i32
      %dma_wait3A_195 = tpu.memref_slice %arg12[%run_scoped3A_113, %dma_wait3A_193, %dma_wait3A_194] : memref<2x128x128xf32, #tpu.memory_space<vmem>> -> memref<1x120x128xf32, #tpu.memory_space<vmem>>
      %dma_wait3A_196 = tpu.memref_squeeze %dma_wait3A_195 : memref<1x120x128xf32, #tpu.memory_space<vmem>> -> memref<120x128xf32, #tpu.memory_space<vmem>>
      %dma_wait3A_197 = arith.constant 0 : i32
      %dma_wait3A_198 = tpu.memref_slice %arg9[%add3A_112, %dma_wait3A_197] : memref<10112x128xf32, #tpu.memory_space<vmem_shared>> -> memref<120x128xf32, #tpu.memory_space<vmem_shared>>
      tpu.wait_dma2 semaphore(%run_scoped3A_174 : memref<!tpu.dma_semaphore, #tpu.memory_space<semaphore_mem>>) src(%dma_wait3A_198 : memref<120x128xf32, #tpu.memory_space<vmem_shared>>) dst(%dma_wait3A_196 : memref<120x128xf32, #tpu.memory_space<vmem>>)
      tpu.yield
    }) : () -> ()
    %add3A_114 = arith.constant 512 : i32
    %add3A_115 = arith.addi %mul3A_0, %add3A_114 : i32
    %run_scoped3A_116 = arith.constant 0 : i32
    "tpu.region"() ({
      %run_scoped3A_174 = tpu.sem_alloc : memref<!tpu.dma_semaphore, #tpu.memory_space<semaphore_mem>>
      %dma_start3A_175 = arith.constant 0 : i32
      %dma_start3A_176 = arith.constant 0 : i32
      %dma_start3A_177 = tpu.memref_slice %arg12[%run_scoped3A_116, %dma_start3A_175, %dma_start3A_176] : memref<2x128x128xf32, #tpu.memory_space<vmem>> -> memref<1x120x128xf32, #tpu.memory_space<vmem>>
      %dma_start3A_178 = tpu.memref_squeeze %dma_start3A_177 : memref<1x120x128xf32, #tpu.memory_space<vmem>> -> memref<120x128xf32, #tpu.memory_space<vmem>>
      %dma_start3A_179 = arith.constant 0 : i32
      %dma_start3A_180 = tpu.memref_slice %arg7[%arg0, %add3A_115, %dma_start3A_179] : memref<2x10112x128xf32, #tpu.memory_space<hbm>> -> memref<1x120x128xf32, #tpu.memory_space<hbm>>
      %dma_start3A_181 = tpu.memref_squeeze %dma_start3A_180 : memref<1x120x128xf32, #tpu.memory_space<hbm>> -> memref<120x128xf32, #tpu.memory_space<hbm>>
      %dma_start3A_182 = arith.constant 0 : i32
      %dma_start3A_183 = tpu.memref_slice %arg7[%arg0, %add3A_115, %dma_start3A_182] : memref<2x10112x128xf32, #tpu.memory_space<hbm>> -> memref<1x120x128xf32, #tpu.memory_space<hbm>>
      %dma_start3A_184 = tpu.memref_squeeze %dma_start3A_183 : memref<1x120x128xf32, #tpu.memory_space<hbm>> -> memref<120x128xf32, #tpu.memory_space<hbm>>
      %dma_start3A_185 = arith.constant 0 : i32
      %dma_start3A_186 = arith.constant 0 : i32
      %dma_start3A_187 = tpu.memref_slice %arg12[%run_scoped3A_116, %dma_start3A_185, %dma_start3A_186] : memref<2x128x128xf32, #tpu.memory_space<vmem>> -> memref<1x120x128xf32, #tpu.memory_space<vmem>>
      %dma_start3A_188 = tpu.memref_squeeze %dma_start3A_187 : memref<1x120x128xf32, #tpu.memory_space<vmem>> -> memref<120x128xf32, #tpu.memory_space<vmem>>
      tpu.enqueue_dma source(%dma_start3A_188 : memref<120x128xf32, #tpu.memory_space<vmem>>) target(%dma_start3A_184 : memref<120x128xf32, #tpu.memory_space<hbm>>) target_semaphore(%run_scoped3A_174 : memref<!tpu.dma_semaphore, #tpu.memory_space<semaphore_mem>>)
      %dma_wait3A_189 = arith.constant 0 : i32
      %dma_wait3A_190 = arith.constant 0 : i32
      %dma_wait3A_191 = tpu.memref_slice %arg12[%run_scoped3A_116, %dma_wait3A_189, %dma_wait3A_190] : memref<2x128x128xf32, #tpu.memory_space<vmem>> -> memref<1x120x128xf32, #tpu.memory_space<vmem>>
      %dma_wait3A_192 = tpu.memref_squeeze %dma_wait3A_191 : memref<1x120x128xf32, #tpu.memory_space<vmem>> -> memref<120x128xf32, #tpu.memory_space<vmem>>
      %dma_wait3A_193 = arith.constant 0 : i32
      %dma_wait3A_194 = tpu.memref_slice %arg7[%arg0, %add3A_115, %dma_wait3A_193] : memref<2x10112x128xf32, #tpu.memory_space<hbm>> -> memref<1x120x128xf32, #tpu.memory_space<hbm>>
      %dma_wait3A_195 = tpu.memref_squeeze %dma_wait3A_194 : memref<1x120x128xf32, #tpu.memory_space<hbm>> -> memref<120x128xf32, #tpu.memory_space<hbm>>
      %dma_wait3A_196 = arith.constant 0 : i32
      %dma_wait3A_197 = tpu.memref_slice %arg7[%arg0, %add3A_115, %dma_wait3A_196] : memref<2x10112x128xf32, #tpu.memory_space<hbm>> -> memref<1x120x128xf32, #tpu.memory_space<hbm>>
      %dma_wait3A_198 = tpu.memref_squeeze %dma_wait3A_197 : memref<1x120x128xf32, #tpu.memory_space<hbm>> -> memref<120x128xf32, #tpu.memory_space<hbm>>
      %dma_wait3A_199 = arith.constant 0 : i32
      %dma_wait3A_200 = arith.constant 0 : i32
      %dma_wait3A_201 = tpu.memref_slice %arg12[%run_scoped3A_116, %dma_wait3A_199, %dma_wait3A_200] : memref<2x128x128xf32, #tpu.memory_space<vmem>> -> memref<1x120x128xf32, #tpu.memory_space<vmem>>
      %dma_wait3A_202 = tpu.memref_squeeze %dma_wait3A_201 : memref<1x120x128xf32, #tpu.memory_space<vmem>> -> memref<120x128xf32, #tpu.memory_space<vmem>>
      tpu.wait_dma2 semaphore(%run_scoped3A_174 : memref<!tpu.dma_semaphore, #tpu.memory_space<semaphore_mem>>) src(%dma_wait3A_202 : memref<120x128xf32, #tpu.memory_space<vmem>>) dst(%dma_wait3A_198 : memref<120x128xf32, #tpu.memory_space<hbm>>)
      tpu.yield
    }) : () -> ()
    %barrier3A_117 = arith.constant 0 : index
    tpu.barrier barrier_id(%barrier3A_117)
    %run_scoped3A_118 = arith.constant 0 : i32
    "tpu.region"() ({
      %run_scoped3A_174 = tpu.sem_alloc : memref<!tpu.dma_semaphore, #tpu.memory_space<semaphore_mem>>
      %dma_start3A_175 = arith.constant 0 : i32
      %dma_start3A_176 = arith.constant 0 : i32
      %dma_start3A_177 = tpu.memref_slice %arg12[%run_scoped3A_118, %dma_start3A_175, %dma_start3A_176] : memref<2x128x128xf32, #tpu.memory_space<vmem>> -> memref<1x128x128xf32, #tpu.memory_space<vmem>>
      %dma_start3A_178 = tpu.memref_squeeze %dma_start3A_177 : memref<1x128x128xf32, #tpu.memory_space<vmem>> -> memref<128x128xf32, #tpu.memory_space<vmem>>
      %dma_start3A_179 = arith.constant 0 : i32
      %dma_start3A_180 = arith.constant 0 : i32
      %dma_start3A_181 = tpu.memref_slice %arg12[%run_scoped3A_118, %dma_start3A_179, %dma_start3A_180] : memref<2x128x128xf32, #tpu.memory_space<vmem>> -> memref<1x128x128xf32, #tpu.memory_space<vmem>>
      %dma_start3A_182 = tpu.memref_squeeze %dma_start3A_181 : memref<1x128x128xf32, #tpu.memory_space<vmem>> -> memref<128x128xf32, #tpu.memory_space<vmem>>
      tpu.enqueue_dma source(%arg5 : memref<128x128xf32, #tpu.memory_space<hbm>>) target(%dma_start3A_182 : memref<128x128xf32, #tpu.memory_space<vmem>>) target_semaphore(%run_scoped3A_174 : memref<!tpu.dma_semaphore, #tpu.memory_space<semaphore_mem>>)
      %dma_wait3A_183 = arith.constant 0 : i32
      %dma_wait3A_184 = arith.constant 0 : i32
      %dma_wait3A_185 = tpu.memref_slice %arg12[%run_scoped3A_118, %dma_wait3A_183, %dma_wait3A_184] : memref<2x128x128xf32, #tpu.memory_space<vmem>> -> memref<1x128x128xf32, #tpu.memory_space<vmem>>
      %dma_wait3A_186 = tpu.memref_squeeze %dma_wait3A_185 : memref<1x128x128xf32, #tpu.memory_space<vmem>> -> memref<128x128xf32, #tpu.memory_space<vmem>>
      %dma_wait3A_187 = arith.constant 0 : i32
      %dma_wait3A_188 = arith.constant 0 : i32
      %dma_wait3A_189 = tpu.memref_slice %arg12[%run_scoped3A_118, %dma_wait3A_187, %dma_wait3A_188] : memref<2x128x128xf32, #tpu.memory_space<vmem>> -> memref<1x128x128xf32, #tpu.memory_space<vmem>>
      %dma_wait3A_190 = tpu.memref_squeeze %dma_wait3A_189 : memref<1x128x128xf32, #tpu.memory_space<vmem>> -> memref<128x128xf32, #tpu.memory_space<vmem>>
      tpu.wait_dma2 semaphore(%run_scoped3A_174 : memref<!tpu.dma_semaphore, #tpu.memory_space<semaphore_mem>>) src(%arg5 : memref<128x128xf32, #tpu.memory_space<hbm>>) dst(%dma_wait3A_190 : memref<128x128xf32, #tpu.memory_space<vmem>>)
      tpu.yield
    }) : () -> ()
    %add3A_119 = arith.constant 0 : i32
    %add3A_120 = arith.addi %mul3A_0, %add3A_119 : i32
    %run_scoped3A_121 = arith.constant 0 : i32
    "tpu.region"() ({
      %run_scoped3A_174 = tpu.sem_alloc : memref<!tpu.dma_semaphore, #tpu.memory_space<semaphore_mem>>
      %dma_start3A_175 = arith.constant 0 : i32
      %dma_start3A_176 = arith.constant 0 : i32
      %dma_start3A_177 = tpu.memref_slice %arg12[%run_scoped3A_121, %dma_start3A_175, %dma_start3A_176] : memref<2x128x128xf32, #tpu.memory_space<vmem>> -> memref<1x128x128xf32, #tpu.memory_space<vmem>>
      %dma_start3A_178 = tpu.memref_squeeze %dma_start3A_177 : memref<1x128x128xf32, #tpu.memory_space<vmem>> -> memref<128x128xf32, #tpu.memory_space<vmem>>
      %dma_start3A_179 = arith.constant 0 : i32
      %dma_start3A_180 = tpu.memref_slice %arg9[%add3A_120, %dma_start3A_179] : memref<10112x128xf32, #tpu.memory_space<vmem_shared>> -> memref<128x128xf32, #tpu.memory_space<vmem_shared>>
      %dma_start3A_181 = arith.constant 0 : i32
      %dma_start3A_182 = tpu.memref_slice %arg9[%add3A_120, %dma_start3A_181] : memref<10112x128xf32, #tpu.memory_space<vmem_shared>> -> memref<128x128xf32, #tpu.memory_space<vmem_shared>>
      %dma_start3A_183 = arith.constant 0 : i32
      %dma_start3A_184 = arith.constant 0 : i32
      %dma_start3A_185 = tpu.memref_slice %arg12[%run_scoped3A_121, %dma_start3A_183, %dma_start3A_184] : memref<2x128x128xf32, #tpu.memory_space<vmem>> -> memref<1x128x128xf32, #tpu.memory_space<vmem>>
      %dma_start3A_186 = tpu.memref_squeeze %dma_start3A_185 : memref<1x128x128xf32, #tpu.memory_space<vmem>> -> memref<128x128xf32, #tpu.memory_space<vmem>>
      tpu.enqueue_dma source(%dma_start3A_186 : memref<128x128xf32, #tpu.memory_space<vmem>>) target(%dma_start3A_182 : memref<128x128xf32, #tpu.memory_space<vmem_shared>>) target_semaphore(%run_scoped3A_174 : memref<!tpu.dma_semaphore, #tpu.memory_space<semaphore_mem>>)
      %dma_wait3A_187 = arith.constant 0 : i32
      %dma_wait3A_188 = arith.constant 0 : i32
      %dma_wait3A_189 = tpu.memref_slice %arg12[%run_scoped3A_121, %dma_wait3A_187, %dma_wait3A_188] : memref<2x128x128xf32, #tpu.memory_space<vmem>> -> memref<1x128x128xf32, #tpu.memory_space<vmem>>
      %dma_wait3A_190 = tpu.memref_squeeze %dma_wait3A_189 : memref<1x128x128xf32, #tpu.memory_space<vmem>> -> memref<128x128xf32, #tpu.memory_space<vmem>>
      %dma_wait3A_191 = arith.constant 0 : i32
      %dma_wait3A_192 = tpu.memref_slice %arg9[%add3A_120, %dma_wait3A_191] : memref<10112x128xf32, #tpu.memory_space<vmem_shared>> -> memref<128x128xf32, #tpu.memory_space<vmem_shared>>
      %dma_wait3A_193 = arith.constant 0 : i32
      %dma_wait3A_194 = tpu.memref_slice %arg9[%add3A_120, %dma_wait3A_193] : memref<10112x128xf32, #tpu.memory_space<vmem_shared>> -> memref<128x128xf32, #tpu.memory_space<vmem_shared>>
      %dma_wait3A_195 = arith.constant 0 : i32
      %dma_wait3A_196 = arith.constant 0 : i32
      %dma_wait3A_197 = tpu.memref_slice %arg12[%run_scoped3A_121, %dma_wait3A_195, %dma_wait3A_196] : memref<2x128x128xf32, #tpu.memory_space<vmem>> -> memref<1x128x128xf32, #tpu.memory_space<vmem>>
      %dma_wait3A_198 = tpu.memref_squeeze %dma_wait3A_197 : memref<1x128x128xf32, #tpu.memory_space<vmem>> -> memref<128x128xf32, #tpu.memory_space<vmem>>
      tpu.wait_dma2 semaphore(%run_scoped3A_174 : memref<!tpu.dma_semaphore, #tpu.memory_space<semaphore_mem>>) src(%dma_wait3A_198 : memref<128x128xf32, #tpu.memory_space<vmem>>) dst(%dma_wait3A_194 : memref<128x128xf32, #tpu.memory_space<vmem_shared>>)
      tpu.yield
    }) : () -> ()
    %add3A_122 = arith.constant 128 : i32
    %add3A_123 = arith.addi %mul3A_0, %add3A_122 : i32
    %run_scoped3A_124 = arith.constant 0 : i32
    "tpu.region"() ({
      %run_scoped3A_174 = tpu.sem_alloc : memref<!tpu.dma_semaphore, #tpu.memory_space<semaphore_mem>>
      %dma_start3A_175 = arith.constant 0 : i32
      %dma_start3A_176 = arith.constant 0 : i32
      %dma_start3A_177 = tpu.memref_slice %arg12[%run_scoped3A_124, %dma_start3A_175, %dma_start3A_176] : memref<2x128x128xf32, #tpu.memory_space<vmem>> -> memref<1x128x128xf32, #tpu.memory_space<vmem>>
      %dma_start3A_178 = tpu.memref_squeeze %dma_start3A_177 : memref<1x128x128xf32, #tpu.memory_space<vmem>> -> memref<128x128xf32, #tpu.memory_space<vmem>>
      %dma_start3A_179 = arith.constant 0 : i32
      %dma_start3A_180 = tpu.memref_slice %arg9[%add3A_123, %dma_start3A_179] : memref<10112x128xf32, #tpu.memory_space<vmem_shared>> -> memref<128x128xf32, #tpu.memory_space<vmem_shared>>
      %dma_start3A_181 = arith.constant 0 : i32
      %dma_start3A_182 = tpu.memref_slice %arg9[%add3A_123, %dma_start3A_181] : memref<10112x128xf32, #tpu.memory_space<vmem_shared>> -> memref<128x128xf32, #tpu.memory_space<vmem_shared>>
      %dma_start3A_183 = arith.constant 0 : i32
      %dma_start3A_184 = arith.constant 0 : i32
      %dma_start3A_185 = tpu.memref_slice %arg12[%run_scoped3A_124, %dma_start3A_183, %dma_start3A_184] : memref<2x128x128xf32, #tpu.memory_space<vmem>> -> memref<1x128x128xf32, #tpu.memory_space<vmem>>
      %dma_start3A_186 = tpu.memref_squeeze %dma_start3A_185 : memref<1x128x128xf32, #tpu.memory_space<vmem>> -> memref<128x128xf32, #tpu.memory_space<vmem>>
      tpu.enqueue_dma source(%dma_start3A_186 : memref<128x128xf32, #tpu.memory_space<vmem>>) target(%dma_start3A_182 : memref<128x128xf32, #tpu.memory_space<vmem_shared>>) target_semaphore(%run_scoped3A_174 : memref<!tpu.dma_semaphore, #tpu.memory_space<semaphore_mem>>)
      %dma_wait3A_187 = arith.constant 0 : i32
      %dma_wait3A_188 = arith.constant 0 : i32
      %dma_wait3A_189 = tpu.memref_slice %arg12[%run_scoped3A_124, %dma_wait3A_187, %dma_wait3A_188] : memref<2x128x128xf32, #tpu.memory_space<vmem>> -> memref<1x128x128xf32, #tpu.memory_space<vmem>>
      %dma_wait3A_190 = tpu.memref_squeeze %dma_wait3A_189 : memref<1x128x128xf32, #tpu.memory_space<vmem>> -> memref<128x128xf32, #tpu.memory_space<vmem>>
      %dma_wait3A_191 = arith.constant 0 : i32
      %dma_wait3A_192 = tpu.memref_slice %arg9[%add3A_123, %dma_wait3A_191] : memref<10112x128xf32, #tpu.memory_space<vmem_shared>> -> memref<128x128xf32, #tpu.memory_space<vmem_shared>>
      %dma_wait3A_193 = arith.constant 0 : i32
      %dma_wait3A_194 = tpu.memref_slice %arg9[%add3A_123, %dma_wait3A_193] : memref<10112x128xf32, #tpu.memory_space<vmem_shared>> -> memref<128x128xf32, #tpu.memory_space<vmem_shared>>
      %dma_wait3A_195 = arith.constant 0 : i32
      %dma_wait3A_196 = arith.constant 0 : i32
      %dma_wait3A_197 = tpu.memref_slice %arg12[%run_scoped3A_124, %dma_wait3A_195, %dma_wait3A_196] : memref<2x128x128xf32, #tpu.memory_space<vmem>> -> memref<1x128x128xf32, #tpu.memory_space<vmem>>
      %dma_wait3A_198 = tpu.memref_squeeze %dma_wait3A_197 : memref<1x128x128xf32, #tpu.memory_space<vmem>> -> memref<128x128xf32, #tpu.memory_space<vmem>>
      tpu.wait_dma2 semaphore(%run_scoped3A_174 : memref<!tpu.dma_semaphore, #tpu.memory_space<semaphore_mem>>) src(%dma_wait3A_198 : memref<128x128xf32, #tpu.memory_space<vmem>>) dst(%dma_wait3A_194 : memref<128x128xf32, #tpu.memory_space<vmem_shared>>)
      tpu.yield
    }) : () -> ()
    %add3A_125 = arith.constant 256 : i32
    %add3A_126 = arith.addi %mul3A_0, %add3A_125 : i32
    %run_scoped3A_127 = arith.constant 0 : i32
    "tpu.region"() ({
      %run_scoped3A_174 = tpu.sem_alloc : memref<!tpu.dma_semaphore, #tpu.memory_space<semaphore_mem>>
      %dma_start3A_175 = arith.constant 0 : i32
      %dma_start3A_176 = arith.constant 0 : i32
      %dma_start3A_177 = tpu.memref_slice %arg12[%run_scoped3A_127, %dma_start3A_175, %dma_start3A_176] : memref<2x128x128xf32, #tpu.memory_space<vmem>> -> memref<1x128x128xf32, #tpu.memory_space<vmem>>
      %dma_start3A_178 = tpu.memref_squeeze %dma_start3A_177 : memref<1x128x128xf32, #tpu.memory_space<vmem>> -> memref<128x128xf32, #tpu.memory_space<vmem>>
      %dma_start3A_179 = arith.constant 0 : i32
      %dma_start3A_180 = tpu.memref_slice %arg9[%add3A_126, %dma_start3A_179] : memref<10112x128xf32, #tpu.memory_space<vmem_shared>> -> memref<128x128xf32, #tpu.memory_space<vmem_shared>>
      %dma_start3A_181 = arith.constant 0 : i32
      %dma_start3A_182 = tpu.memref_slice %arg9[%add3A_126, %dma_start3A_181] : memref<10112x128xf32, #tpu.memory_space<vmem_shared>> -> memref<128x128xf32, #tpu.memory_space<vmem_shared>>
      %dma_start3A_183 = arith.constant 0 : i32
      %dma_start3A_184 = arith.constant 0 : i32
      %dma_start3A_185 = tpu.memref_slice %arg12[%run_scoped3A_127, %dma_start3A_183, %dma_start3A_184] : memref<2x128x128xf32, #tpu.memory_space<vmem>> -> memref<1x128x128xf32, #tpu.memory_space<vmem>>
      %dma_start3A_186 = tpu.memref_squeeze %dma_start3A_185 : memref<1x128x128xf32, #tpu.memory_space<vmem>> -> memref<128x128xf32, #tpu.memory_space<vmem>>
      tpu.enqueue_dma source(%dma_start3A_186 : memref<128x128xf32, #tpu.memory_space<vmem>>) target(%dma_start3A_182 : memref<128x128xf32, #tpu.memory_space<vmem_shared>>) target_semaphore(%run_scoped3A_174 : memref<!tpu.dma_semaphore, #tpu.memory_space<semaphore_mem>>)
      %dma_wait3A_187 = arith.constant 0 : i32
      %dma_wait3A_188 = arith.constant 0 : i32
      %dma_wait3A_189 = tpu.memref_slice %arg12[%run_scoped3A_127, %dma_wait3A_187, %dma_wait3A_188] : memref<2x128x128xf32, #tpu.memory_space<vmem>> -> memref<1x128x128xf32, #tpu.memory_space<vmem>>
      %dma_wait3A_190 = tpu.memref_squeeze %dma_wait3A_189 : memref<1x128x128xf32, #tpu.memory_space<vmem>> -> memref<128x128xf32, #tpu.memory_space<vmem>>
      %dma_wait3A_191 = arith.constant 0 : i32
      %dma_wait3A_192 = tpu.memref_slice %arg9[%add3A_126, %dma_wait3A_191] : memref<10112x128xf32, #tpu.memory_space<vmem_shared>> -> memref<128x128xf32, #tpu.memory_space<vmem_shared>>
      %dma_wait3A_193 = arith.constant 0 : i32
      %dma_wait3A_194 = tpu.memref_slice %arg9[%add3A_126, %dma_wait3A_193] : memref<10112x128xf32, #tpu.memory_space<vmem_shared>> -> memref<128x128xf32, #tpu.memory_space<vmem_shared>>
      %dma_wait3A_195 = arith.constant 0 : i32
      %dma_wait3A_196 = arith.constant 0 : i32
      %dma_wait3A_197 = tpu.memref_slice %arg12[%run_scoped3A_127, %dma_wait3A_195, %dma_wait3A_196] : memref<2x128x128xf32, #tpu.memory_space<vmem>> -> memref<1x128x128xf32, #tpu.memory_space<vmem>>
      %dma_wait3A_198 = tpu.memref_squeeze %dma_wait3A_197 : memref<1x128x128xf32, #tpu.memory_space<vmem>> -> memref<128x128xf32, #tpu.memory_space<vmem>>
      tpu.wait_dma2 semaphore(%run_scoped3A_174 : memref<!tpu.dma_semaphore, #tpu.memory_space<semaphore_mem>>) src(%dma_wait3A_198 : memref<128x128xf32, #tpu.memory_space<vmem>>) dst(%dma_wait3A_194 : memref<128x128xf32, #tpu.memory_space<vmem_shared>>)
      tpu.yield
    }) : () -> ()
    %add3A_128 = arith.constant 384 : i32
    %add3A_129 = arith.addi %mul3A_0, %add3A_128 : i32
    %run_scoped3A_130 = arith.constant 0 : i32
    "tpu.region"() ({
      %run_scoped3A_174 = tpu.sem_alloc : memref<!tpu.dma_semaphore, #tpu.memory_space<semaphore_mem>>
      %dma_start3A_175 = arith.constant 0 : i32
      %dma_start3A_176 = arith.constant 0 : i32
      %dma_start3A_177 = tpu.memref_slice %arg12[%run_scoped3A_130, %dma_start3A_175, %dma_start3A_176] : memref<2x128x128xf32, #tpu.memory_space<vmem>> -> memref<1x128x128xf32, #tpu.memory_space<vmem>>
      %dma_start3A_178 = tpu.memref_squeeze %dma_start3A_177 : memref<1x128x128xf32, #tpu.memory_space<vmem>> -> memref<128x128xf32, #tpu.memory_space<vmem>>
      %dma_start3A_179 = arith.constant 0 : i32
      %dma_start3A_180 = tpu.memref_slice %arg9[%add3A_129, %dma_start3A_179] : memref<10112x128xf32, #tpu.memory_space<vmem_shared>> -> memref<128x128xf32, #tpu.memory_space<vmem_shared>>
      %dma_start3A_181 = arith.constant 0 : i32
      %dma_start3A_182 = tpu.memref_slice %arg9[%add3A_129, %dma_start3A_181] : memref<10112x128xf32, #tpu.memory_space<vmem_shared>> -> memref<128x128xf32, #tpu.memory_space<vmem_shared>>
      %dma_start3A_183 = arith.constant 0 : i32
      %dma_start3A_184 = arith.constant 0 : i32
      %dma_start3A_185 = tpu.memref_slice %arg12[%run_scoped3A_130, %dma_start3A_183, %dma_start3A_184] : memref<2x128x128xf32, #tpu.memory_space<vmem>> -> memref<1x128x128xf32, #tpu.memory_space<vmem>>
      %dma_start3A_186 = tpu.memref_squeeze %dma_start3A_185 : memref<1x128x128xf32, #tpu.memory_space<vmem>> -> memref<128x128xf32, #tpu.memory_space<vmem>>
      tpu.enqueue_dma source(%dma_start3A_186 : memref<128x128xf32, #tpu.memory_space<vmem>>) target(%dma_start3A_182 : memref<128x128xf32, #tpu.memory_space<vmem_shared>>) target_semaphore(%run_scoped3A_174 : memref<!tpu.dma_semaphore, #tpu.memory_space<semaphore_mem>>)
      %dma_wait3A_187 = arith.constant 0 : i32
      %dma_wait3A_188 = arith.constant 0 : i32
      %dma_wait3A_189 = tpu.memref_slice %arg12[%run_scoped3A_130, %dma_wait3A_187, %dma_wait3A_188] : memref<2x128x128xf32, #tpu.memory_space<vmem>> -> memref<1x128x128xf32, #tpu.memory_space<vmem>>
      %dma_wait3A_190 = tpu.memref_squeeze %dma_wait3A_189 : memref<1x128x128xf32, #tpu.memory_space<vmem>> -> memref<128x128xf32, #tpu.memory_space<vmem>>
      %dma_wait3A_191 = arith.constant 0 : i32
      %dma_wait3A_192 = tpu.memref_slice %arg9[%add3A_129, %dma_wait3A_191] : memref<10112x128xf32, #tpu.memory_space<vmem_shared>> -> memref<128x128xf32, #tpu.memory_space<vmem_shared>>
      %dma_wait3A_193 = arith.constant 0 : i32
      %dma_wait3A_194 = tpu.memref_slice %arg9[%add3A_129, %dma_wait3A_193] : memref<10112x128xf32, #tpu.memory_space<vmem_shared>> -> memref<128x128xf32, #tpu.memory_space<vmem_shared>>
      %dma_wait3A_195 = arith.constant 0 : i32
      %dma_wait3A_196 = arith.constant 0 : i32
      %dma_wait3A_197 = tpu.memref_slice %arg12[%run_scoped3A_130, %dma_wait3A_195, %dma_wait3A_196] : memref<2x128x128xf32, #tpu.memory_space<vmem>> -> memref<1x128x128xf32, #tpu.memory_space<vmem>>
      %dma_wait3A_198 = tpu.memref_squeeze %dma_wait3A_197 : memref<1x128x128xf32, #tpu.memory_space<vmem>> -> memref<128x128xf32, #tpu.memory_space<vmem>>
      tpu.wait_dma2 semaphore(%run_scoped3A_174 : memref<!tpu.dma_semaphore, #tpu.memory_space<semaphore_mem>>) src(%dma_wait3A_198 : memref<128x128xf32, #tpu.memory_space<vmem>>) dst(%dma_wait3A_194 : memref<128x128xf32, #tpu.memory_space<vmem_shared>>)
      tpu.yield
    }) : () -> ()
    %add3A_131 = arith.constant 512 : i32
    %add3A_132 = arith.addi %mul3A_0, %add3A_131 : i32
    %run_scoped3A_133 = arith.constant 0 : i32
    "tpu.region"() ({
      %run_scoped3A_174 = tpu.sem_alloc : memref<!tpu.dma_semaphore, #tpu.memory_space<semaphore_mem>>
      %dma_start3A_175 = arith.constant 0 : i32
      %dma_start3A_176 = arith.constant 0 : i32
      %dma_start3A_177 = tpu.memref_slice %arg12[%run_scoped3A_133, %dma_start3A_175, %dma_start3A_176] : memref<2x128x128xf32, #tpu.memory_space<vmem>> -> memref<1x120x128xf32, #tpu.memory_space<vmem>>
      %dma_start3A_178 = tpu.memref_squeeze %dma_start3A_177 : memref<1x120x128xf32, #tpu.memory_space<vmem>> -> memref<120x128xf32, #tpu.memory_space<vmem>>
      %dma_start3A_179 = arith.constant 0 : i32
      %dma_start3A_180 = tpu.memref_slice %arg9[%add3A_132, %dma_start3A_179] : memref<10112x128xf32, #tpu.memory_space<vmem_shared>> -> memref<120x128xf32, #tpu.memory_space<vmem_shared>>
      %dma_start3A_181 = arith.constant 0 : i32
      %dma_start3A_182 = tpu.memref_slice %arg9[%add3A_132, %dma_start3A_181] : memref<10112x128xf32, #tpu.memory_space<vmem_shared>> -> memref<120x128xf32, #tpu.memory_space<vmem_shared>>
      %dma_start3A_183 = arith.constant 0 : i32
      %dma_start3A_184 = arith.constant 0 : i32
      %dma_start3A_185 = tpu.memref_slice %arg12[%run_scoped3A_133, %dma_start3A_183, %dma_start3A_184] : memref<2x128x128xf32, #tpu.memory_space<vmem>> -> memref<1x120x128xf32, #tpu.memory_space<vmem>>
      %dma_start3A_186 = tpu.memref_squeeze %dma_start3A_185 : memref<1x120x128xf32, #tpu.memory_space<vmem>> -> memref<120x128xf32, #tpu.memory_space<vmem>>
      tpu.enqueue_dma source(%dma_start3A_186 : memref<120x128xf32, #tpu.memory_space<vmem>>) target(%dma_start3A_182 : memref<120x128xf32, #tpu.memory_space<vmem_shared>>) target_semaphore(%run_scoped3A_174 : memref<!tpu.dma_semaphore, #tpu.memory_space<semaphore_mem>>)
      %dma_wait3A_187 = arith.constant 0 : i32
      %dma_wait3A_188 = arith.constant 0 : i32
      %dma_wait3A_189 = tpu.memref_slice %arg12[%run_scoped3A_133, %dma_wait3A_187, %dma_wait3A_188] : memref<2x128x128xf32, #tpu.memory_space<vmem>> -> memref<1x120x128xf32, #tpu.memory_space<vmem>>
      %dma_wait3A_190 = tpu.memref_squeeze %dma_wait3A_189 : memref<1x120x128xf32, #tpu.memory_space<vmem>> -> memref<120x128xf32, #tpu.memory_space<vmem>>
      %dma_wait3A_191 = arith.constant 0 : i32
      %dma_wait3A_192 = tpu.memref_slice %arg9[%add3A_132, %dma_wait3A_191] : memref<10112x128xf32, #tpu.memory_space<vmem_shared>> -> memref<120x128xf32, #tpu.memory_space<vmem_shared>>
      %dma_wait3A_193 = arith.constant 0 : i32
      %dma_wait3A_194 = tpu.memref_slice %arg9[%add3A_132, %dma_wait3A_193] : memref<10112x128xf32, #tpu.memory_space<vmem_shared>> -> memref<120x128xf32, #tpu.memory_space<vmem_shared>>
      %dma_wait3A_195 = arith.constant 0 : i32
      %dma_wait3A_196 = arith.constant 0 : i32
      %dma_wait3A_197 = tpu.memref_slice %arg12[%run_scoped3A_133, %dma_wait3A_195, %dma_wait3A_196] : memref<2x128x128xf32, #tpu.memory_space<vmem>> -> memref<1x120x128xf32, #tpu.memory_space<vmem>>
      %dma_wait3A_198 = tpu.memref_squeeze %dma_wait3A_197 : memref<1x120x128xf32, #tpu.memory_space<vmem>> -> memref<120x128xf32, #tpu.memory_space<vmem>>
      tpu.wait_dma2 semaphore(%run_scoped3A_174 : memref<!tpu.dma_semaphore, #tpu.memory_space<semaphore_mem>>) src(%dma_wait3A_198 : memref<120x128xf32, #tpu.memory_space<vmem>>) dst(%dma_wait3A_194 : memref<120x128xf32, #tpu.memory_space<vmem_shared>>)
      tpu.yield
    }) : () -> ()
    %barrier3A_134 = arith.constant 0 : index
    tpu.barrier barrier_id(%barrier3A_134)
    %run_scoped3A_135 = arith.constant 0 : i32
    "tpu.region"() ({
      %run_scoped3A_174 = tpu.sem_alloc : memref<!tpu.dma_semaphore, #tpu.memory_space<semaphore_mem>>
      %dma_start3A_175 = arith.constant 0 : i32
      %dma_start3A_176 = arith.constant 0 : i32
      %dma_start3A_177 = tpu.memref_slice %arg12[%run_scoped3A_135, %dma_start3A_175, %dma_start3A_176] : memref<2x128x128xf32, #tpu.memory_space<vmem>> -> memref<1x128x128xf32, #tpu.memory_space<vmem>>
      %dma_start3A_178 = tpu.memref_squeeze %dma_start3A_177 : memref<1x128x128xf32, #tpu.memory_space<vmem>> -> memref<128x128xf32, #tpu.memory_space<vmem>>
      %dma_start3A_179 = arith.constant 0 : i32
      %dma_start3A_180 = arith.constant 0 : i32
      %dma_start3A_181 = tpu.memref_slice %arg12[%run_scoped3A_135, %dma_start3A_179, %dma_start3A_180] : memref<2x128x128xf32, #tpu.memory_space<vmem>> -> memref<1x128x128xf32, #tpu.memory_space<vmem>>
      %dma_start3A_182 = tpu.memref_squeeze %dma_start3A_181 : memref<1x128x128xf32, #tpu.memory_space<vmem>> -> memref<128x128xf32, #tpu.memory_space<vmem>>
      tpu.enqueue_dma source(%arg6 : memref<128x128xf32, #tpu.memory_space<hbm>>) target(%dma_start3A_182 : memref<128x128xf32, #tpu.memory_space<vmem>>) target_semaphore(%run_scoped3A_174 : memref<!tpu.dma_semaphore, #tpu.memory_space<semaphore_mem>>)
      %dma_wait3A_183 = arith.constant 0 : i32
      %dma_wait3A_184 = arith.constant 0 : i32
      %dma_wait3A_185 = tpu.memref_slice %arg12[%run_scoped3A_135, %dma_wait3A_183, %dma_wait3A_184] : memref<2x128x128xf32, #tpu.memory_space<vmem>> -> memref<1x128x128xf32, #tpu.memory_space<vmem>>
      %dma_wait3A_186 = tpu.memref_squeeze %dma_wait3A_185 : memref<1x128x128xf32, #tpu.memory_space<vmem>> -> memref<128x128xf32, #tpu.memory_space<vmem>>
      %dma_wait3A_187 = arith.constant 0 : i32
      %dma_wait3A_188 = arith.constant 0 : i32
      %dma_wait3A_189 = tpu.memref_slice %arg12[%run_scoped3A_135, %dma_wait3A_187, %dma_wait3A_188] : memref<2x128x128xf32, #tpu.memory_space<vmem>> -> memref<1x128x128xf32, #tpu.memory_space<vmem>>
      %dma_wait3A_190 = tpu.memref_squeeze %dma_wait3A_189 : memref<1x128x128xf32, #tpu.memory_space<vmem>> -> memref<128x128xf32, #tpu.memory_space<vmem>>
      tpu.wait_dma2 semaphore(%run_scoped3A_174 : memref<!tpu.dma_semaphore, #tpu.memory_space<semaphore_mem>>) src(%arg6 : memref<128x128xf32, #tpu.memory_space<hbm>>) dst(%dma_wait3A_190 : memref<128x128xf32, #tpu.memory_space<vmem>>)
      tpu.yield
    }) : () -> ()
    %scan3A_136 = arith.constant 0 : i32
    %scan3A_137 = arith.constant 0 : i32
    %scan3A_138 = arith.constant 5 : i32
    %scan3A_139 = arith.addi %scan3A_137, %scan3A_138 : i32
    %scan3A_140 = arith.constant 1 : i32
    %scan3A_141 = scf.for %scan3A_174 = %scan3A_137 to %scan3A_139 step %scan3A_140 iter_args(%scan3A_175 = %scan3A_136) -> (i32)  : i32 {
      %mul3A_176 = arith.constant 5 : i32
      %mul3A_177 = arith.muli %arg0, %mul3A_176 : i32
      %add3A_178 = arith.addi %mul3A_177, %scan3A_174 : i32
      %mul3A_179 = arith.constant 8 : i32
      %mul3A_180 = arith.muli %add3A_178, %mul3A_179 : i32
      %run_scoped3A_181 = arith.constant 0 : i32
      "tpu.region"() ({
        %run_scoped3A_197 = tpu.sem_alloc : memref<!tpu.dma_semaphore, #tpu.memory_space<semaphore_mem>>
        %dma_start3A_198 = arith.constant 0 : i32
        %dma_start3A_199 = arith.constant 0 : i32
        %dma_start3A_200 = tpu.memref_slice %arg11[%run_scoped3A_181, %dma_start3A_198, %dma_start3A_199] : memref<2x8x128xi32, #tpu.memory_space<vmem>> -> memref<1x8x128xi32, #tpu.memory_space<vmem>>
        %dma_start3A_201 = tpu.memref_squeeze %dma_start3A_200 : memref<1x8x128xi32, #tpu.memory_space<vmem>> -> memref<8x128xi32, #tpu.memory_space<vmem>>
        %dma_start3A_202 = arith.constant 0 : i32
        %dma_start3A_203 = tpu.memref_slice %arg4[%arg1, %mul3A_180, %dma_start3A_202] : memref<16x80x128xi32, #tpu.memory_space<hbm>> -> memref<1x8x128xi32, #tpu.memory_space<hbm>>
        %dma_start3A_204 = tpu.memref_squeeze %dma_start3A_203 : memref<1x8x128xi32, #tpu.memory_space<hbm>> -> memref<8x128xi32, #tpu.memory_space<hbm>>
        %dma_start3A_205 = arith.constant 0 : i32
        %dma_start3A_206 = arith.constant 0 : i32
        %dma_start3A_207 = tpu.memref_slice %arg11[%run_scoped3A_181, %dma_start3A_205, %dma_start3A_206] : memref<2x8x128xi32, #tpu.memory_space<vmem>> -> memref<1x8x128xi32, #tpu.memory_space<vmem>>
        %dma_start3A_208 = tpu.memref_squeeze %dma_start3A_207 : memref<1x8x128xi32, #tpu.memory_space<vmem>> -> memref<8x128xi32, #tpu.memory_space<vmem>>
        %dma_start3A_209 = arith.constant 0 : i32
        %dma_start3A_210 = tpu.memref_slice %arg4[%arg1, %mul3A_180, %dma_start3A_209] : memref<16x80x128xi32, #tpu.memory_space<hbm>> -> memref<1x8x128xi32, #tpu.memory_space<hbm>>
        %dma_start3A_211 = tpu.memref_squeeze %dma_start3A_210 : memref<1x8x128xi32, #tpu.memory_space<hbm>> -> memref<8x128xi32, #tpu.memory_space<hbm>>
        tpu.enqueue_dma source(%dma_start3A_211 : memref<8x128xi32, #tpu.memory_space<hbm>>) target(%dma_start3A_208 : memref<8x128xi32, #tpu.memory_space<vmem>>) target_semaphore(%run_scoped3A_197 : memref<!tpu.dma_semaphore, #tpu.memory_space<semaphore_mem>>)
        %dma_wait3A_212 = arith.constant 0 : i32
        %dma_wait3A_213 = arith.constant 0 : i32
        %dma_wait3A_214 = tpu.memref_slice %arg11[%run_scoped3A_181, %dma_wait3A_212, %dma_wait3A_213] : memref<2x8x128xi32, #tpu.memory_space<vmem>> -> memref<1x8x128xi32, #tpu.memory_space<vmem>>
        %dma_wait3A_215 = tpu.memref_squeeze %dma_wait3A_214 : memref<1x8x128xi32, #tpu.memory_space<vmem>> -> memref<8x128xi32, #tpu.memory_space<vmem>>
        %dma_wait3A_216 = arith.constant 0 : i32
        %dma_wait3A_217 = tpu.memref_slice %arg4[%arg1, %mul3A_180, %dma_wait3A_216] : memref<16x80x128xi32, #tpu.memory_space<hbm>> -> memref<1x8x128xi32, #tpu.memory_space<hbm>>
        %dma_wait3A_218 = tpu.memref_squeeze %dma_wait3A_217 : memref<1x8x128xi32, #tpu.memory_space<hbm>> -> memref<8x128xi32, #tpu.memory_space<hbm>>
        %dma_wait3A_219 = arith.constant 0 : i32
        %dma_wait3A_220 = arith.constant 0 : i32
        %dma_wait3A_221 = tpu.memref_slice %arg11[%run_scoped3A_181, %dma_wait3A_219, %dma_wait3A_220] : memref<2x8x128xi32, #tpu.memory_space<vmem>> -> memref<1x8x128xi32, #tpu.memory_space<vmem>>
        %dma_wait3A_222 = tpu.memref_squeeze %dma_wait3A_221 : memref<1x8x128xi32, #tpu.memory_space<vmem>> -> memref<8x128xi32, #tpu.memory_space<vmem>>
        %dma_wait3A_223 = arith.constant 0 : i32
        %dma_wait3A_224 = tpu.memref_slice %arg4[%arg1, %mul3A_180, %dma_wait3A_223] : memref<16x80x128xi32, #tpu.memory_space<hbm>> -> memref<1x8x128xi32, #tpu.memory_space<hbm>>
        %dma_wait3A_225 = tpu.memref_squeeze %dma_wait3A_224 : memref<1x8x128xi32, #tpu.memory_space<hbm>> -> memref<8x128xi32, #tpu.memory_space<hbm>>
        tpu.wait_dma2 semaphore(%run_scoped3A_197 : memref<!tpu.dma_semaphore, #tpu.memory_space<semaphore_mem>>) src(%dma_wait3A_225 : memref<8x128xi32, #tpu.memory_space<hbm>>) dst(%dma_wait3A_222 : memref<8x128xi32, #tpu.memory_space<vmem>>)
        tpu.yield
      }) : () -> ()
      %scan3A_182 = arith.constant 0 : i32
      %scan3A_183 = arith.constant 0 : i32
      %scan3A_184 = arith.constant 8 : i32
      %scan3A_185 = arith.addi %scan3A_183, %scan3A_184 : i32
      %scan3A_186 = arith.constant 1 : i32
      %scan3A_187 = scf.for %scan3A_197 = %scan3A_183 to %scan3A_185 step %scan3A_186 iter_args(%scan3A_198 = %scan3A_182) -> (i32)  : i32 {
        %dma_start3A_199 = arith.constant 0 : i32
        %dma_start3A_200 = arith.constant 0 : i32
        %dma_start3A_201 = arith.constant 0 : i32
        %dma_start3A_202 = arith.constant 0 : i32
        %dma_start3A_203 = tpu.memref_slice %arg12[%dma_start3A_199, %dma_start3A_201, %dma_start3A_202] : memref<2x128x128xf32, #tpu.memory_space<vmem>> -> memref<1x128x128xf32, #tpu.memory_space<vmem>>
        %dma_start3A_204 = tpu.memref_squeeze %dma_start3A_203 : memref<1x128x128xf32, #tpu.memory_space<vmem>> -> memref<128x128xf32, #tpu.memory_space<vmem>>
        %dma_start3A_205 = arith.constant 0 : i32
        %dma_start3A_206 = tpu.memref_slice %arg11[%dma_start3A_200, %scan3A_197, %dma_start3A_205] : memref<2x8x128xi32, #tpu.memory_space<vmem>> -> memref<1x1x128xi32, #tpu.memory_space<vmem>>
        %dma_start3A_207 = tpu.memref_squeeze %dma_start3A_206 : memref<1x1x128xi32, #tpu.memory_space<vmem>> -> memref<128xi32, #tpu.memory_space<vmem>>
        %dma_start3A_208 = arith.constant 0 : i32
        %dma_start3A_209 = arith.constant 0 : i32
        %dma_start3A_210 = tpu.memref_slice %arg9[%dma_start3A_208, %dma_start3A_209] : memref<10112x128xf32, #tpu.memory_space<vmem_shared>> -> memref<10112x128xf32, #tpu.memory_space<vmem_shared>>
        tpu.enqueue_indirect_dma source(%dma_start3A_204 : memref<128x128xf32, #tpu.memory_space<vmem>>) target(%dma_start3A_210 : memref<10112x128xf32, #tpu.memory_space<vmem_shared>>) offsets(%dma_start3A_207 : memref<128xi32, #tpu.memory_space<vmem>>) semaphore(%arg14 : memref<!tpu.dma_semaphore, #tpu.memory_space<semaphore_mem>>) {add = true}
        %scan3A_211 = arith.constant 0 : i32
        scf.yield %scan3A_211 : i32
      }
      %scan3A_188 = arith.constant 8 : i32
      %scan3A_189 = arith.constant 0 : i32
      %scan3A_190 = arith.constant 0 : i32
      %scan3A_191 = arith.constant 8 : i32
      %scan3A_192 = arith.addi %scan3A_190, %scan3A_191 : i32
      %scan3A_193 = arith.constant 1 : i32
      %scan3A_194 = scf.for %scan3A_197 = %scan3A_190 to %scan3A_192 step %scan3A_193 iter_args(%scan3A_198 = %scan3A_189) -> (i32)  : i32 {
        %dma_wait3A_199 = arith.constant 0 : i32
        %dma_wait3A_200 = arith.constant 0 : i32
        %dma_wait3A_201 = arith.constant 0 : i32
        %dma_wait3A_202 = arith.constant 0 : i32
        %dma_wait3A_203 = tpu.memref_slice %arg12[%dma_wait3A_199, %dma_wait3A_201, %dma_wait3A_202] : memref<2x128x128xf32, #tpu.memory_space<vmem>> -> memref<1x128x128xf32, #tpu.memory_space<vmem>>
        %dma_wait3A_204 = tpu.memref_squeeze %dma_wait3A_203 : memref<1x128x128xf32, #tpu.memory_space<vmem>> -> memref<128x128xf32, #tpu.memory_space<vmem>>
        %dma_wait3A_205 = arith.constant 0 : i32
        %dma_wait3A_206 = tpu.memref_slice %arg11[%dma_wait3A_200, %scan3A_197, %dma_wait3A_205] : memref<2x8x128xi32, #tpu.memory_space<vmem>> -> memref<1x1x128xi32, #tpu.memory_space<vmem>>
        %dma_wait3A_207 = tpu.memref_squeeze %dma_wait3A_206 : memref<1x1x128xi32, #tpu.memory_space<vmem>> -> memref<128xi32, #tpu.memory_space<vmem>>
        %dma_wait3A_208 = arith.constant 0 : i32
        %dma_wait3A_209 = arith.constant 0 : i32
        %dma_wait3A_210 = tpu.memref_slice %arg9[%dma_wait3A_208, %dma_wait3A_209] : memref<10112x128xf32, #tpu.memory_space<vmem_shared>> -> memref<10112x128xf32, #tpu.memory_space<vmem_shared>>
        tpu.wait_indirect_dma semaphore(%arg14 : memref<!tpu.dma_semaphore, #tpu.memory_space<semaphore_mem>>) src(%dma_wait3A_204 : memref<128x128xf32, #tpu.memory_space<vmem>>) dst(%dma_wait3A_210 : memref<10112x128xf32, #tpu.memory_space<vmem_shared>>)
        %scan3A_211 = arith.constant 0 : i32
        scf.yield %scan3A_211 : i32
      }
      %scan3A_195 = arith.constant 8 : i32
      %scan3A_196 = arith.constant 0 : i32
      scf.yield %scan3A_196 : i32
    }
    %scan3A_142 = arith.constant 5 : i32
    %barrier3A_143 = arith.constant 0 : index
    tpu.barrier barrier_id(%barrier3A_143)
    %add3A_144 = arith.constant 0 : i32
    %add3A_145 = arith.addi %mul3A_0, %add3A_144 : i32
    %run_scoped3A_146 = arith.constant 0 : i32
    "tpu.region"() ({
      %run_scoped3A_174 = tpu.sem_alloc : memref<!tpu.dma_semaphore, #tpu.memory_space<semaphore_mem>>
      %dma_start3A_175 = arith.constant 0 : i32
      %dma_start3A_176 = arith.constant 0 : i32
      %dma_start3A_177 = tpu.memref_slice %arg12[%run_scoped3A_146, %dma_start3A_175, %dma_start3A_176] : memref<2x128x128xf32, #tpu.memory_space<vmem>> -> memref<1x128x128xf32, #tpu.memory_space<vmem>>
      %dma_start3A_178 = tpu.memref_squeeze %dma_start3A_177 : memref<1x128x128xf32, #tpu.memory_space<vmem>> -> memref<128x128xf32, #tpu.memory_space<vmem>>
      %dma_start3A_179 = arith.constant 0 : i32
      %dma_start3A_180 = tpu.memref_slice %arg9[%add3A_145, %dma_start3A_179] : memref<10112x128xf32, #tpu.memory_space<vmem_shared>> -> memref<128x128xf32, #tpu.memory_space<vmem_shared>>
      %dma_start3A_181 = arith.constant 0 : i32
      %dma_start3A_182 = arith.constant 0 : i32
      %dma_start3A_183 = tpu.memref_slice %arg12[%run_scoped3A_146, %dma_start3A_181, %dma_start3A_182] : memref<2x128x128xf32, #tpu.memory_space<vmem>> -> memref<1x128x128xf32, #tpu.memory_space<vmem>>
      %dma_start3A_184 = tpu.memref_squeeze %dma_start3A_183 : memref<1x128x128xf32, #tpu.memory_space<vmem>> -> memref<128x128xf32, #tpu.memory_space<vmem>>
      %dma_start3A_185 = arith.constant 0 : i32
      %dma_start3A_186 = tpu.memref_slice %arg9[%add3A_145, %dma_start3A_185] : memref<10112x128xf32, #tpu.memory_space<vmem_shared>> -> memref<128x128xf32, #tpu.memory_space<vmem_shared>>
      tpu.enqueue_dma source(%dma_start3A_186 : memref<128x128xf32, #tpu.memory_space<vmem_shared>>) target(%dma_start3A_184 : memref<128x128xf32, #tpu.memory_space<vmem>>) target_semaphore(%run_scoped3A_174 : memref<!tpu.dma_semaphore, #tpu.memory_space<semaphore_mem>>)
      %dma_wait3A_187 = arith.constant 0 : i32
      %dma_wait3A_188 = arith.constant 0 : i32
      %dma_wait3A_189 = tpu.memref_slice %arg12[%run_scoped3A_146, %dma_wait3A_187, %dma_wait3A_188] : memref<2x128x128xf32, #tpu.memory_space<vmem>> -> memref<1x128x128xf32, #tpu.memory_space<vmem>>
      %dma_wait3A_190 = tpu.memref_squeeze %dma_wait3A_189 : memref<1x128x128xf32, #tpu.memory_space<vmem>> -> memref<128x128xf32, #tpu.memory_space<vmem>>
      %dma_wait3A_191 = arith.constant 0 : i32
      %dma_wait3A_192 = tpu.memref_slice %arg9[%add3A_145, %dma_wait3A_191] : memref<10112x128xf32, #tpu.memory_space<vmem_shared>> -> memref<128x128xf32, #tpu.memory_space<vmem_shared>>
      %dma_wait3A_193 = arith.constant 0 : i32
      %dma_wait3A_194 = arith.constant 0 : i32
      %dma_wait3A_195 = tpu.memref_slice %arg12[%run_scoped3A_146, %dma_wait3A_193, %dma_wait3A_194] : memref<2x128x128xf32, #tpu.memory_space<vmem>> -> memref<1x128x128xf32, #tpu.memory_space<vmem>>
      %dma_wait3A_196 = tpu.memref_squeeze %dma_wait3A_195 : memref<1x128x128xf32, #tpu.memory_space<vmem>> -> memref<128x128xf32, #tpu.memory_space<vmem>>
      %dma_wait3A_197 = arith.constant 0 : i32
      %dma_wait3A_198 = tpu.memref_slice %arg9[%add3A_145, %dma_wait3A_197] : memref<10112x128xf32, #tpu.memory_space<vmem_shared>> -> memref<128x128xf32, #tpu.memory_space<vmem_shared>>
      tpu.wait_dma2 semaphore(%run_scoped3A_174 : memref<!tpu.dma_semaphore, #tpu.memory_space<semaphore_mem>>) src(%dma_wait3A_198 : memref<128x128xf32, #tpu.memory_space<vmem_shared>>) dst(%dma_wait3A_196 : memref<128x128xf32, #tpu.memory_space<vmem>>)
      tpu.yield
    }) : () -> ()
    %add3A_147 = arith.constant 0 : i32
    %add3A_148 = arith.addi %mul3A_0, %add3A_147 : i32
    %run_scoped3A_149 = arith.constant 0 : i32
    "tpu.region"() ({
      %run_scoped3A_174 = tpu.sem_alloc : memref<!tpu.dma_semaphore, #tpu.memory_space<semaphore_mem>>
      %dma_start3A_175 = arith.constant 0 : i32
      %dma_start3A_176 = arith.constant 0 : i32
      %dma_start3A_177 = tpu.memref_slice %arg12[%run_scoped3A_149, %dma_start3A_175, %dma_start3A_176] : memref<2x128x128xf32, #tpu.memory_space<vmem>> -> memref<1x128x128xf32, #tpu.memory_space<vmem>>
      %dma_start3A_178 = tpu.memref_squeeze %dma_start3A_177 : memref<1x128x128xf32, #tpu.memory_space<vmem>> -> memref<128x128xf32, #tpu.memory_space<vmem>>
      %dma_start3A_179 = arith.constant 0 : i32
      %dma_start3A_180 = tpu.memref_slice %arg8[%arg0, %add3A_148, %dma_start3A_179] : memref<2x10112x128xf32, #tpu.memory_space<hbm>> -> memref<1x128x128xf32, #tpu.memory_space<hbm>>
      %dma_start3A_181 = tpu.memref_squeeze %dma_start3A_180 : memref<1x128x128xf32, #tpu.memory_space<hbm>> -> memref<128x128xf32, #tpu.memory_space<hbm>>
      %dma_start3A_182 = arith.constant 0 : i32
      %dma_start3A_183 = tpu.memref_slice %arg8[%arg0, %add3A_148, %dma_start3A_182] : memref<2x10112x128xf32, #tpu.memory_space<hbm>> -> memref<1x128x128xf32, #tpu.memory_space<hbm>>
      %dma_start3A_184 = tpu.memref_squeeze %dma_start3A_183 : memref<1x128x128xf32, #tpu.memory_space<hbm>> -> memref<128x128xf32, #tpu.memory_space<hbm>>
      %dma_start3A_185 = arith.constant 0 : i32
      %dma_start3A_186 = arith.constant 0 : i32
      %dma_start3A_187 = tpu.memref_slice %arg12[%run_scoped3A_149, %dma_start3A_185, %dma_start3A_186] : memref<2x128x128xf32, #tpu.memory_space<vmem>> -> memref<1x128x128xf32, #tpu.memory_space<vmem>>
      %dma_start3A_188 = tpu.memref_squeeze %dma_start3A_187 : memref<1x128x128xf32, #tpu.memory_space<vmem>> -> memref<128x128xf32, #tpu.memory_space<vmem>>
      tpu.enqueue_dma source(%dma_start3A_188 : memref<128x128xf32, #tpu.memory_space<vmem>>) target(%dma_start3A_184 : memref<128x128xf32, #tpu.memory_space<hbm>>) target_semaphore(%run_scoped3A_174 : memref<!tpu.dma_semaphore, #tpu.memory_space<semaphore_mem>>)
      %dma_wait3A_189 = arith.constant 0 : i32
      %dma_wait3A_190 = arith.constant 0 : i32
      %dma_wait3A_191 = tpu.memref_slice %arg12[%run_scoped3A_149, %dma_wait3A_189, %dma_wait3A_190] : memref<2x128x128xf32, #tpu.memory_space<vmem>> -> memref<1x128x128xf32, #tpu.memory_space<vmem>>
      %dma_wait3A_192 = tpu.memref_squeeze %dma_wait3A_191 : memref<1x128x128xf32, #tpu.memory_space<vmem>> -> memref<128x128xf32, #tpu.memory_space<vmem>>
      %dma_wait3A_193 = arith.constant 0 : i32
      %dma_wait3A_194 = tpu.memref_slice %arg8[%arg0, %add3A_148, %dma_wait3A_193] : memref<2x10112x128xf32, #tpu.memory_space<hbm>> -> memref<1x128x128xf32, #tpu.memory_space<hbm>>
      %dma_wait3A_195 = tpu.memref_squeeze %dma_wait3A_194 : memref<1x128x128xf32, #tpu.memory_space<hbm>> -> memref<128x128xf32, #tpu.memory_space<hbm>>
      %dma_wait3A_196 = arith.constant 0 : i32
      %dma_wait3A_197 = tpu.memref_slice %arg8[%arg0, %add3A_148, %dma_wait3A_196] : memref<2x10112x128xf32, #tpu.memory_space<hbm>> -> memref<1x128x128xf32, #tpu.memory_space<hbm>>
      %dma_wait3A_198 = tpu.memref_squeeze %dma_wait3A_197 : memref<1x128x128xf32, #tpu.memory_space<hbm>> -> memref<128x128xf32, #tpu.memory_space<hbm>>
      %dma_wait3A_199 = arith.constant 0 : i32
      %dma_wait3A_200 = arith.constant 0 : i32
      %dma_wait3A_201 = tpu.memref_slice %arg12[%run_scoped3A_149, %dma_wait3A_199, %dma_wait3A_200] : memref<2x128x128xf32, #tpu.memory_space<vmem>> -> memref<1x128x128xf32, #tpu.memory_space<vmem>>
      %dma_wait3A_202 = tpu.memref_squeeze %dma_wait3A_201 : memref<1x128x128xf32, #tpu.memory_space<vmem>> -> memref<128x128xf32, #tpu.memory_space<vmem>>
      tpu.wait_dma2 semaphore(%run_scoped3A_174 : memref<!tpu.dma_semaphore, #tpu.memory_space<semaphore_mem>>) src(%dma_wait3A_202 : memref<128x128xf32, #tpu.memory_space<vmem>>) dst(%dma_wait3A_198 : memref<128x128xf32, #tpu.memory_space<hbm>>)
      tpu.yield
    }) : () -> ()
    %add3A_150 = arith.constant 128 : i32
    %add3A_151 = arith.addi %mul3A_0, %add3A_150 : i32
    %run_scoped3A_152 = arith.constant 0 : i32
    "tpu.region"() ({
      %run_scoped3A_174 = tpu.sem_alloc : memref<!tpu.dma_semaphore, #tpu.memory_space<semaphore_mem>>
      %dma_start3A_175 = arith.constant 0 : i32
      %dma_start3A_176 = arith.constant 0 : i32
      %dma_start3A_177 = tpu.memref_slice %arg12[%run_scoped3A_152, %dma_start3A_175, %dma_start3A_176] : memref<2x128x128xf32, #tpu.memory_space<vmem>> -> memref<1x128x128xf32, #tpu.memory_space<vmem>>
      %dma_start3A_178 = tpu.memref_squeeze %dma_start3A_177 : memref<1x128x128xf32, #tpu.memory_space<vmem>> -> memref<128x128xf32, #tpu.memory_space<vmem>>
      %dma_start3A_179 = arith.constant 0 : i32
      %dma_start3A_180 = tpu.memref_slice %arg9[%add3A_151, %dma_start3A_179] : memref<10112x128xf32, #tpu.memory_space<vmem_shared>> -> memref<128x128xf32, #tpu.memory_space<vmem_shared>>
      %dma_start3A_181 = arith.constant 0 : i32
      %dma_start3A_182 = arith.constant 0 : i32
      %dma_start3A_183 = tpu.memref_slice %arg12[%run_scoped3A_152, %dma_start3A_181, %dma_start3A_182] : memref<2x128x128xf32, #tpu.memory_space<vmem>> -> memref<1x128x128xf32, #tpu.memory_space<vmem>>
      %dma_start3A_184 = tpu.memref_squeeze %dma_start3A_183 : memref<1x128x128xf32, #tpu.memory_space<vmem>> -> memref<128x128xf32, #tpu.memory_space<vmem>>
      %dma_start3A_185 = arith.constant 0 : i32
      %dma_start3A_186 = tpu.memref_slice %arg9[%add3A_151, %dma_start3A_185] : memref<10112x128xf32, #tpu.memory_space<vmem_shared>> -> memref<128x128xf32, #tpu.memory_space<vmem_shared>>
      tpu.enqueue_dma source(%dma_start3A_186 : memref<128x128xf32, #tpu.memory_space<vmem_shared>>) target(%dma_start3A_184 : memref<128x128xf32, #tpu.memory_space<vmem>>) target_semaphore(%run_scoped3A_174 : memref<!tpu.dma_semaphore, #tpu.memory_space<semaphore_mem>>)
      %dma_wait3A_187 = arith.constant 0 : i32
      %dma_wait3A_188 = arith.constant 0 : i32
      %dma_wait3A_189 = tpu.memref_slice %arg12[%run_scoped3A_152, %dma_wait3A_187, %dma_wait3A_188] : memref<2x128x128xf32, #tpu.memory_space<vmem>> -> memref<1x128x128xf32, #tpu.memory_space<vmem>>
      %dma_wait3A_190 = tpu.memref_squeeze %dma_wait3A_189 : memref<1x128x128xf32, #tpu.memory_space<vmem>> -> memref<128x128xf32, #tpu.memory_space<vmem>>
      %dma_wait3A_191 = arith.constant 0 : i32
      %dma_wait3A_192 = tpu.memref_slice %arg9[%add3A_151, %dma_wait3A_191] : memref<10112x128xf32, #tpu.memory_space<vmem_shared>> -> memref<128x128xf32, #tpu.memory_space<vmem_shared>>
      %dma_wait3A_193 = arith.constant 0 : i32
      %dma_wait3A_194 = arith.constant 0 : i32
      %dma_wait3A_195 = tpu.memref_slice %arg12[%run_scoped3A_152, %dma_wait3A_193, %dma_wait3A_194] : memref<2x128x128xf32, #tpu.memory_space<vmem>> -> memref<1x128x128xf32, #tpu.memory_space<vmem>>
      %dma_wait3A_196 = tpu.memref_squeeze %dma_wait3A_195 : memref<1x128x128xf32, #tpu.memory_space<vmem>> -> memref<128x128xf32, #tpu.memory_space<vmem>>
      %dma_wait3A_197 = arith.constant 0 : i32
      %dma_wait3A_198 = tpu.memref_slice %arg9[%add3A_151, %dma_wait3A_197] : memref<10112x128xf32, #tpu.memory_space<vmem_shared>> -> memref<128x128xf32, #tpu.memory_space<vmem_shared>>
      tpu.wait_dma2 semaphore(%run_scoped3A_174 : memref<!tpu.dma_semaphore, #tpu.memory_space<semaphore_mem>>) src(%dma_wait3A_198 : memref<128x128xf32, #tpu.memory_space<vmem_shared>>) dst(%dma_wait3A_196 : memref<128x128xf32, #tpu.memory_space<vmem>>)
      tpu.yield
    }) : () -> ()
    %add3A_153 = arith.constant 128 : i32
    %add3A_154 = arith.addi %mul3A_0, %add3A_153 : i32
    %run_scoped3A_155 = arith.constant 0 : i32
    "tpu.region"() ({
      %run_scoped3A_174 = tpu.sem_alloc : memref<!tpu.dma_semaphore, #tpu.memory_space<semaphore_mem>>
      %dma_start3A_175 = arith.constant 0 : i32
      %dma_start3A_176 = arith.constant 0 : i32
      %dma_start3A_177 = tpu.memref_slice %arg12[%run_scoped3A_155, %dma_start3A_175, %dma_start3A_176] : memref<2x128x128xf32, #tpu.memory_space<vmem>> -> memref<1x128x128xf32, #tpu.memory_space<vmem>>
      %dma_start3A_178 = tpu.memref_squeeze %dma_start3A_177 : memref<1x128x128xf32, #tpu.memory_space<vmem>> -> memref<128x128xf32, #tpu.memory_space<vmem>>
      %dma_start3A_179 = arith.constant 0 : i32
      %dma_start3A_180 = tpu.memref_slice %arg8[%arg0, %add3A_154, %dma_start3A_179] : memref<2x10112x128xf32, #tpu.memory_space<hbm>> -> memref<1x128x128xf32, #tpu.memory_space<hbm>>
      %dma_start3A_181 = tpu.memref_squeeze %dma_start3A_180 : memref<1x128x128xf32, #tpu.memory_space<hbm>> -> memref<128x128xf32, #tpu.memory_space<hbm>>
      %dma_start3A_182 = arith.constant 0 : i32
      %dma_start3A_183 = tpu.memref_slice %arg8[%arg0, %add3A_154, %dma_start3A_182] : memref<2x10112x128xf32, #tpu.memory_space<hbm>> -> memref<1x128x128xf32, #tpu.memory_space<hbm>>
      %dma_start3A_184 = tpu.memref_squeeze %dma_start3A_183 : memref<1x128x128xf32, #tpu.memory_space<hbm>> -> memref<128x128xf32, #tpu.memory_space<hbm>>
      %dma_start3A_185 = arith.constant 0 : i32
      %dma_start3A_186 = arith.constant 0 : i32
      %dma_start3A_187 = tpu.memref_slice %arg12[%run_scoped3A_155, %dma_start3A_185, %dma_start3A_186] : memref<2x128x128xf32, #tpu.memory_space<vmem>> -> memref<1x128x128xf32, #tpu.memory_space<vmem>>
      %dma_start3A_188 = tpu.memref_squeeze %dma_start3A_187 : memref<1x128x128xf32, #tpu.memory_space<vmem>> -> memref<128x128xf32, #tpu.memory_space<vmem>>
      tpu.enqueue_dma source(%dma_start3A_188 : memref<128x128xf32, #tpu.memory_space<vmem>>) target(%dma_start3A_184 : memref<128x128xf32, #tpu.memory_space<hbm>>) target_semaphore(%run_scoped3A_174 : memref<!tpu.dma_semaphore, #tpu.memory_space<semaphore_mem>>)
      %dma_wait3A_189 = arith.constant 0 : i32
      %dma_wait3A_190 = arith.constant 0 : i32
      %dma_wait3A_191 = tpu.memref_slice %arg12[%run_scoped3A_155, %dma_wait3A_189, %dma_wait3A_190] : memref<2x128x128xf32, #tpu.memory_space<vmem>> -> memref<1x128x128xf32, #tpu.memory_space<vmem>>
      %dma_wait3A_192 = tpu.memref_squeeze %dma_wait3A_191 : memref<1x128x128xf32, #tpu.memory_space<vmem>> -> memref<128x128xf32, #tpu.memory_space<vmem>>
      %dma_wait3A_193 = arith.constant 0 : i32
      %dma_wait3A_194 = tpu.memref_slice %arg8[%arg0, %add3A_154, %dma_wait3A_193] : memref<2x10112x128xf32, #tpu.memory_space<hbm>> -> memref<1x128x128xf32, #tpu.memory_space<hbm>>
      %dma_wait3A_195 = tpu.memref_squeeze %dma_wait3A_194 : memref<1x128x128xf32, #tpu.memory_space<hbm>> -> memref<128x128xf32, #tpu.memory_space<hbm>>
      %dma_wait3A_196 = arith.constant 0 : i32
      %dma_wait3A_197 = tpu.memref_slice %arg8[%arg0, %add3A_154, %dma_wait3A_196] : memref<2x10112x128xf32, #tpu.memory_space<hbm>> -> memref<1x128x128xf32, #tpu.memory_space<hbm>>
      %dma_wait3A_198 = tpu.memref_squeeze %dma_wait3A_197 : memref<1x128x128xf32, #tpu.memory_space<hbm>> -> memref<128x128xf32, #tpu.memory_space<hbm>>
      %dma_wait3A_199 = arith.constant 0 : i32
      %dma_wait3A_200 = arith.constant 0 : i32
      %dma_wait3A_201 = tpu.memref_slice %arg12[%run_scoped3A_155, %dma_wait3A_199, %dma_wait3A_200] : memref<2x128x128xf32, #tpu.memory_space<vmem>> -> memref<1x128x128xf32, #tpu.memory_space<vmem>>
      %dma_wait3A_202 = tpu.memref_squeeze %dma_wait3A_201 : memref<1x128x128xf32, #tpu.memory_space<vmem>> -> memref<128x128xf32, #tpu.memory_space<vmem>>
      tpu.wait_dma2 semaphore(%run_scoped3A_174 : memref<!tpu.dma_semaphore, #tpu.memory_space<semaphore_mem>>) src(%dma_wait3A_202 : memref<128x128xf32, #tpu.memory_space<vmem>>) dst(%dma_wait3A_198 : memref<128x128xf32, #tpu.memory_space<hbm>>)
      tpu.yield
    }) : () -> ()
    %add3A_156 = arith.constant 256 : i32
    %add3A_157 = arith.addi %mul3A_0, %add3A_156 : i32
    %run_scoped3A_158 = arith.constant 0 : i32
    "tpu.region"() ({
      %run_scoped3A_174 = tpu.sem_alloc : memref<!tpu.dma_semaphore, #tpu.memory_space<semaphore_mem>>
      %dma_start3A_175 = arith.constant 0 : i32
      %dma_start3A_176 = arith.constant 0 : i32
      %dma_start3A_177 = tpu.memref_slice %arg12[%run_scoped3A_158, %dma_start3A_175, %dma_start3A_176] : memref<2x128x128xf32, #tpu.memory_space<vmem>> -> memref<1x128x128xf32, #tpu.memory_space<vmem>>
      %dma_start3A_178 = tpu.memref_squeeze %dma_start3A_177 : memref<1x128x128xf32, #tpu.memory_space<vmem>> -> memref<128x128xf32, #tpu.memory_space<vmem>>
      %dma_start3A_179 = arith.constant 0 : i32
      %dma_start3A_180 = tpu.memref_slice %arg9[%add3A_157, %dma_start3A_179] : memref<10112x128xf32, #tpu.memory_space<vmem_shared>> -> memref<128x128xf32, #tpu.memory_space<vmem_shared>>
      %dma_start3A_181 = arith.constant 0 : i32
      %dma_start3A_182 = arith.constant 0 : i32
      %dma_start3A_183 = tpu.memref_slice %arg12[%run_scoped3A_158, %dma_start3A_181, %dma_start3A_182] : memref<2x128x128xf32, #tpu.memory_space<vmem>> -> memref<1x128x128xf32, #tpu.memory_space<vmem>>
      %dma_start3A_184 = tpu.memref_squeeze %dma_start3A_183 : memref<1x128x128xf32, #tpu.memory_space<vmem>> -> memref<128x128xf32, #tpu.memory_space<vmem>>
      %dma_start3A_185 = arith.constant 0 : i32
      %dma_start3A_186 = tpu.memref_slice %arg9[%add3A_157, %dma_start3A_185] : memref<10112x128xf32, #tpu.memory_space<vmem_shared>> -> memref<128x128xf32, #tpu.memory_space<vmem_shared>>
      tpu.enqueue_dma source(%dma_start3A_186 : memref<128x128xf32, #tpu.memory_space<vmem_shared>>) target(%dma_start3A_184 : memref<128x128xf32, #tpu.memory_space<vmem>>) target_semaphore(%run_scoped3A_174 : memref<!tpu.dma_semaphore, #tpu.memory_space<semaphore_mem>>)
      %dma_wait3A_187 = arith.constant 0 : i32
      %dma_wait3A_188 = arith.constant 0 : i32
      %dma_wait3A_189 = tpu.memref_slice %arg12[%run_scoped3A_158, %dma_wait3A_187, %dma_wait3A_188] : memref<2x128x128xf32, #tpu.memory_space<vmem>> -> memref<1x128x128xf32, #tpu.memory_space<vmem>>
      %dma_wait3A_190 = tpu.memref_squeeze %dma_wait3A_189 : memref<1x128x128xf32, #tpu.memory_space<vmem>> -> memref<128x128xf32, #tpu.memory_space<vmem>>
      %dma_wait3A_191 = arith.constant 0 : i32
      %dma_wait3A_192 = tpu.memref_slice %arg9[%add3A_157, %dma_wait3A_191] : memref<10112x128xf32, #tpu.memory_space<vmem_shared>> -> memref<128x128xf32, #tpu.memory_space<vmem_shared>>
      %dma_wait3A_193 = arith.constant 0 : i32
      %dma_wait3A_194 = arith.constant 0 : i32
      %dma_wait3A_195 = tpu.memref_slice %arg12[%run_scoped3A_158, %dma_wait3A_193, %dma_wait3A_194] : memref<2x128x128xf32, #tpu.memory_space<vmem>> -> memref<1x128x128xf32, #tpu.memory_space<vmem>>
      %dma_wait3A_196 = tpu.memref_squeeze %dma_wait3A_195 : memref<1x128x128xf32, #tpu.memory_space<vmem>> -> memref<128x128xf32, #tpu.memory_space<vmem>>
      %dma_wait3A_197 = arith.constant 0 : i32
      %dma_wait3A_198 = tpu.memref_slice %arg9[%add3A_157, %dma_wait3A_197] : memref<10112x128xf32, #tpu.memory_space<vmem_shared>> -> memref<128x128xf32, #tpu.memory_space<vmem_shared>>
      tpu.wait_dma2 semaphore(%run_scoped3A_174 : memref<!tpu.dma_semaphore, #tpu.memory_space<semaphore_mem>>) src(%dma_wait3A_198 : memref<128x128xf32, #tpu.memory_space<vmem_shared>>) dst(%dma_wait3A_196 : memref<128x128xf32, #tpu.memory_space<vmem>>)
      tpu.yield
    }) : () -> ()
    %add3A_159 = arith.constant 256 : i32
    %add3A_160 = arith.addi %mul3A_0, %add3A_159 : i32
    %run_scoped3A_161 = arith.constant 0 : i32
    "tpu.region"() ({
      %run_scoped3A_174 = tpu.sem_alloc : memref<!tpu.dma_semaphore, #tpu.memory_space<semaphore_mem>>
      %dma_start3A_175 = arith.constant 0 : i32
      %dma_start3A_176 = arith.constant 0 : i32
      %dma_start3A_177 = tpu.memref_slice %arg12[%run_scoped3A_161, %dma_start3A_175, %dma_start3A_176] : memref<2x128x128xf32, #tpu.memory_space<vmem>> -> memref<1x128x128xf32, #tpu.memory_space<vmem>>
      %dma_start3A_178 = tpu.memref_squeeze %dma_start3A_177 : memref<1x128x128xf32, #tpu.memory_space<vmem>> -> memref<128x128xf32, #tpu.memory_space<vmem>>
      %dma_start3A_179 = arith.constant 0 : i32
      %dma_start3A_180 = tpu.memref_slice %arg8[%arg0, %add3A_160, %dma_start3A_179] : memref<2x10112x128xf32, #tpu.memory_space<hbm>> -> memref<1x128x128xf32, #tpu.memory_space<hbm>>
      %dma_start3A_181 = tpu.memref_squeeze %dma_start3A_180 : memref<1x128x128xf32, #tpu.memory_space<hbm>> -> memref<128x128xf32, #tpu.memory_space<hbm>>
      %dma_start3A_182 = arith.constant 0 : i32
      %dma_start3A_183 = tpu.memref_slice %arg8[%arg0, %add3A_160, %dma_start3A_182] : memref<2x10112x128xf32, #tpu.memory_space<hbm>> -> memref<1x128x128xf32, #tpu.memory_space<hbm>>
      %dma_start3A_184 = tpu.memref_squeeze %dma_start3A_183 : memref<1x128x128xf32, #tpu.memory_space<hbm>> -> memref<128x128xf32, #tpu.memory_space<hbm>>
      %dma_start3A_185 = arith.constant 0 : i32
      %dma_start3A_186 = arith.constant 0 : i32
      %dma_start3A_187 = tpu.memref_slice %arg12[%run_scoped3A_161, %dma_start3A_185, %dma_start3A_186] : memref<2x128x128xf32, #tpu.memory_space<vmem>> -> memref<1x128x128xf32, #tpu.memory_space<vmem>>
      %dma_start3A_188 = tpu.memref_squeeze %dma_start3A_187 : memref<1x128x128xf32, #tpu.memory_space<vmem>> -> memref<128x128xf32, #tpu.memory_space<vmem>>
      tpu.enqueue_dma source(%dma_start3A_188 : memref<128x128xf32, #tpu.memory_space<vmem>>) target(%dma_start3A_184 : memref<128x128xf32, #tpu.memory_space<hbm>>) target_semaphore(%run_scoped3A_174 : memref<!tpu.dma_semaphore, #tpu.memory_space<semaphore_mem>>)
      %dma_wait3A_189 = arith.constant 0 : i32
      %dma_wait3A_190 = arith.constant 0 : i32
      %dma_wait3A_191 = tpu.memref_slice %arg12[%run_scoped3A_161, %dma_wait3A_189, %dma_wait3A_190] : memref<2x128x128xf32, #tpu.memory_space<vmem>> -> memref<1x128x128xf32, #tpu.memory_space<vmem>>
      %dma_wait3A_192 = tpu.memref_squeeze %dma_wait3A_191 : memref<1x128x128xf32, #tpu.memory_space<vmem>> -> memref<128x128xf32, #tpu.memory_space<vmem>>
      %dma_wait3A_193 = arith.constant 0 : i32
      %dma_wait3A_194 = tpu.memref_slice %arg8[%arg0, %add3A_160, %dma_wait3A_193] : memref<2x10112x128xf32, #tpu.memory_space<hbm>> -> memref<1x128x128xf32, #tpu.memory_space<hbm>>
      %dma_wait3A_195 = tpu.memref_squeeze %dma_wait3A_194 : memref<1x128x128xf32, #tpu.memory_space<hbm>> -> memref<128x128xf32, #tpu.memory_space<hbm>>
      %dma_wait3A_196 = arith.constant 0 : i32
      %dma_wait3A_197 = tpu.memref_slice %arg8[%arg0, %add3A_160, %dma_wait3A_196] : memref<2x10112x128xf32, #tpu.memory_space<hbm>> -> memref<1x128x128xf32, #tpu.memory_space<hbm>>
      %dma_wait3A_198 = tpu.memref_squeeze %dma_wait3A_197 : memref<1x128x128xf32, #tpu.memory_space<hbm>> -> memref<128x128xf32, #tpu.memory_space<hbm>>
      %dma_wait3A_199 = arith.constant 0 : i32
      %dma_wait3A_200 = arith.constant 0 : i32
      %dma_wait3A_201 = tpu.memref_slice %arg12[%run_scoped3A_161, %dma_wait3A_199, %dma_wait3A_200] : memref<2x128x128xf32, #tpu.memory_space<vmem>> -> memref<1x128x128xf32, #tpu.memory_space<vmem>>
      %dma_wait3A_202 = tpu.memref_squeeze %dma_wait3A_201 : memref<1x128x128xf32, #tpu.memory_space<vmem>> -> memref<128x128xf32, #tpu.memory_space<vmem>>
      tpu.wait_dma2 semaphore(%run_scoped3A_174 : memref<!tpu.dma_semaphore, #tpu.memory_space<semaphore_mem>>) src(%dma_wait3A_202 : memref<128x128xf32, #tpu.memory_space<vmem>>) dst(%dma_wait3A_198 : memref<128x128xf32, #tpu.memory_space<hbm>>)
      tpu.yield
    }) : () -> ()
    %add3A_162 = arith.constant 384 : i32
    %add3A_163 = arith.addi %mul3A_0, %add3A_162 : i32
    %run_scoped3A_164 = arith.constant 0 : i32
    "tpu.region"() ({
      %run_scoped3A_174 = tpu.sem_alloc : memref<!tpu.dma_semaphore, #tpu.memory_space<semaphore_mem>>
      %dma_start3A_175 = arith.constant 0 : i32
      %dma_start3A_176 = arith.constant 0 : i32
      %dma_start3A_177 = tpu.memref_slice %arg12[%run_scoped3A_164, %dma_start3A_175, %dma_start3A_176] : memref<2x128x128xf32, #tpu.memory_space<vmem>> -> memref<1x128x128xf32, #tpu.memory_space<vmem>>
      %dma_start3A_178 = tpu.memref_squeeze %dma_start3A_177 : memref<1x128x128xf32, #tpu.memory_space<vmem>> -> memref<128x128xf32, #tpu.memory_space<vmem>>
      %dma_start3A_179 = arith.constant 0 : i32
      %dma_start3A_180 = tpu.memref_slice %arg9[%add3A_163, %dma_start3A_179] : memref<10112x128xf32, #tpu.memory_space<vmem_shared>> -> memref<128x128xf32, #tpu.memory_space<vmem_shared>>
      %dma_start3A_181 = arith.constant 0 : i32
      %dma_start3A_182 = arith.constant 0 : i32
      %dma_start3A_183 = tpu.memref_slice %arg12[%run_scoped3A_164, %dma_start3A_181, %dma_start3A_182] : memref<2x128x128xf32, #tpu.memory_space<vmem>> -> memref<1x128x128xf32, #tpu.memory_space<vmem>>
      %dma_start3A_184 = tpu.memref_squeeze %dma_start3A_183 : memref<1x128x128xf32, #tpu.memory_space<vmem>> -> memref<128x128xf32, #tpu.memory_space<vmem>>
      %dma_start3A_185 = arith.constant 0 : i32
      %dma_start3A_186 = tpu.memref_slice %arg9[%add3A_163, %dma_start3A_185] : memref<10112x128xf32, #tpu.memory_space<vmem_shared>> -> memref<128x128xf32, #tpu.memory_space<vmem_shared>>
      tpu.enqueue_dma source(%dma_start3A_186 : memref<128x128xf32, #tpu.memory_space<vmem_shared>>) target(%dma_start3A_184 : memref<128x128xf32, #tpu.memory_space<vmem>>) target_semaphore(%run_scoped3A_174 : memref<!tpu.dma_semaphore, #tpu.memory_space<semaphore_mem>>)
      %dma_wait3A_187 = arith.constant 0 : i32
      %dma_wait3A_188 = arith.constant 0 : i32
      %dma_wait3A_189 = tpu.memref_slice %arg12[%run_scoped3A_164, %dma_wait3A_187, %dma_wait3A_188] : memref<2x128x128xf32, #tpu.memory_space<vmem>> -> memref<1x128x128xf32, #tpu.memory_space<vmem>>
      %dma_wait3A_190 = tpu.memref_squeeze %dma_wait3A_189 : memref<1x128x128xf32, #tpu.memory_space<vmem>> -> memref<128x128xf32, #tpu.memory_space<vmem>>
      %dma_wait3A_191 = arith.constant 0 : i32
      %dma_wait3A_192 = tpu.memref_slice %arg9[%add3A_163, %dma_wait3A_191] : memref<10112x128xf32, #tpu.memory_space<vmem_shared>> -> memref<128x128xf32, #tpu.memory_space<vmem_shared>>
      %dma_wait3A_193 = arith.constant 0 : i32
      %dma_wait3A_194 = arith.constant 0 : i32
      %dma_wait3A_195 = tpu.memref_slice %arg12[%run_scoped3A_164, %dma_wait3A_193, %dma_wait3A_194] : memref<2x128x128xf32, #tpu.memory_space<vmem>> -> memref<1x128x128xf32, #tpu.memory_space<vmem>>
      %dma_wait3A_196 = tpu.memref_squeeze %dma_wait3A_195 : memref<1x128x128xf32, #tpu.memory_space<vmem>> -> memref<128x128xf32, #tpu.memory_space<vmem>>
      %dma_wait3A_197 = arith.constant 0 : i32
      %dma_wait3A_198 = tpu.memref_slice %arg9[%add3A_163, %dma_wait3A_197] : memref<10112x128xf32, #tpu.memory_space<vmem_shared>> -> memref<128x128xf32, #tpu.memory_space<vmem_shared>>
      tpu.wait_dma2 semaphore(%run_scoped3A_174 : memref<!tpu.dma_semaphore, #tpu.memory_space<semaphore_mem>>) src(%dma_wait3A_198 : memref<128x128xf32, #tpu.memory_space<vmem_shared>>) dst(%dma_wait3A_196 : memref<128x128xf32, #tpu.memory_space<vmem>>)
      tpu.yield
    }) : () -> ()
    %add3A_165 = arith.constant 384 : i32
    %add3A_166 = arith.addi %mul3A_0, %add3A_165 : i32
    %run_scoped3A_167 = arith.constant 0 : i32
    "tpu.region"() ({
      %run_scoped3A_174 = tpu.sem_alloc : memref<!tpu.dma_semaphore, #tpu.memory_space<semaphore_mem>>
      %dma_start3A_175 = arith.constant 0 : i32
      %dma_start3A_176 = arith.constant 0 : i32
      %dma_start3A_177 = tpu.memref_slice %arg12[%run_scoped3A_167, %dma_start3A_175, %dma_start3A_176] : memref<2x128x128xf32, #tpu.memory_space<vmem>> -> memref<1x128x128xf32, #tpu.memory_space<vmem>>
      %dma_start3A_178 = tpu.memref_squeeze %dma_start3A_177 : memref<1x128x128xf32, #tpu.memory_space<vmem>> -> memref<128x128xf32, #tpu.memory_space<vmem>>
      %dma_start3A_179 = arith.constant 0 : i32
      %dma_start3A_180 = tpu.memref_slice %arg8[%arg0, %add3A_166, %dma_start3A_179] : memref<2x10112x128xf32, #tpu.memory_space<hbm>> -> memref<1x128x128xf32, #tpu.memory_space<hbm>>
      %dma_start3A_181 = tpu.memref_squeeze %dma_start3A_180 : memref<1x128x128xf32, #tpu.memory_space<hbm>> -> memref<128x128xf32, #tpu.memory_space<hbm>>
      %dma_start3A_182 = arith.constant 0 : i32
      %dma_start3A_183 = tpu.memref_slice %arg8[%arg0, %add3A_166, %dma_start3A_182] : memref<2x10112x128xf32, #tpu.memory_space<hbm>> -> memref<1x128x128xf32, #tpu.memory_space<hbm>>
      %dma_start3A_184 = tpu.memref_squeeze %dma_start3A_183 : memref<1x128x128xf32, #tpu.memory_space<hbm>> -> memref<128x128xf32, #tpu.memory_space<hbm>>
      %dma_start3A_185 = arith.constant 0 : i32
      %dma_start3A_186 = arith.constant 0 : i32
      %dma_start3A_187 = tpu.memref_slice %arg12[%run_scoped3A_167, %dma_start3A_185, %dma_start3A_186] : memref<2x128x128xf32, #tpu.memory_space<vmem>> -> memref<1x128x128xf32, #tpu.memory_space<vmem>>
      %dma_start3A_188 = tpu.memref_squeeze %dma_start3A_187 : memref<1x128x128xf32, #tpu.memory_space<vmem>> -> memref<128x128xf32, #tpu.memory_space<vmem>>
      tpu.enqueue_dma source(%dma_start3A_188 : memref<128x128xf32, #tpu.memory_space<vmem>>) target(%dma_start3A_184 : memref<128x128xf32, #tpu.memory_space<hbm>>) target_semaphore(%run_scoped3A_174 : memref<!tpu.dma_semaphore, #tpu.memory_space<semaphore_mem>>)
      %dma_wait3A_189 = arith.constant 0 : i32
      %dma_wait3A_190 = arith.constant 0 : i32
      %dma_wait3A_191 = tpu.memref_slice %arg12[%run_scoped3A_167, %dma_wait3A_189, %dma_wait3A_190] : memref<2x128x128xf32, #tpu.memory_space<vmem>> -> memref<1x128x128xf32, #tpu.memory_space<vmem>>
      %dma_wait3A_192 = tpu.memref_squeeze %dma_wait3A_191 : memref<1x128x128xf32, #tpu.memory_space<vmem>> -> memref<128x128xf32, #tpu.memory_space<vmem>>
      %dma_wait3A_193 = arith.constant 0 : i32
      %dma_wait3A_194 = tpu.memref_slice %arg8[%arg0, %add3A_166, %dma_wait3A_193] : memref<2x10112x128xf32, #tpu.memory_space<hbm>> -> memref<1x128x128xf32, #tpu.memory_space<hbm>>
      %dma_wait3A_195 = tpu.memref_squeeze %dma_wait3A_194 : memref<1x128x128xf32, #tpu.memory_space<hbm>> -> memref<128x128xf32, #tpu.memory_space<hbm>>
      %dma_wait3A_196 = arith.constant 0 : i32
      %dma_wait3A_197 = tpu.memref_slice %arg8[%arg0, %add3A_166, %dma_wait3A_196] : memref<2x10112x128xf32, #tpu.memory_space<hbm>> -> memref<1x128x128xf32, #tpu.memory_space<hbm>>
      %dma_wait3A_198 = tpu.memref_squeeze %dma_wait3A_197 : memref<1x128x128xf32, #tpu.memory_space<hbm>> -> memref<128x128xf32, #tpu.memory_space<hbm>>
      %dma_wait3A_199 = arith.constant 0 : i32
      %dma_wait3A_200 = arith.constant 0 : i32
      %dma_wait3A_201 = tpu.memref_slice %arg12[%run_scoped3A_167, %dma_wait3A_199, %dma_wait3A_200] : memref<2x128x128xf32, #tpu.memory_space<vmem>> -> memref<1x128x128xf32, #tpu.memory_space<vmem>>
      %dma_wait3A_202 = tpu.memref_squeeze %dma_wait3A_201 : memref<1x128x128xf32, #tpu.memory_space<vmem>> -> memref<128x128xf32, #tpu.memory_space<vmem>>
      tpu.wait_dma2 semaphore(%run_scoped3A_174 : memref<!tpu.dma_semaphore, #tpu.memory_space<semaphore_mem>>) src(%dma_wait3A_202 : memref<128x128xf32, #tpu.memory_space<vmem>>) dst(%dma_wait3A_198 : memref<128x128xf32, #tpu.memory_space<hbm>>)
      tpu.yield
    }) : () -> ()
    %add3A_168 = arith.constant 512 : i32
    %add3A_169 = arith.addi %mul3A_0, %add3A_168 : i32
    %run_scoped3A_170 = arith.constant 0 : i32
    "tpu.region"() ({
      %run_scoped3A_174 = tpu.sem_alloc : memref<!tpu.dma_semaphore, #tpu.memory_space<semaphore_mem>>
      %dma_start3A_175 = arith.constant 0 : i32
      %dma_start3A_176 = arith.constant 0 : i32
      %dma_start3A_177 = tpu.memref_slice %arg12[%run_scoped3A_170, %dma_start3A_175, %dma_start3A_176] : memref<2x128x128xf32, #tpu.memory_space<vmem>> -> memref<1x120x128xf32, #tpu.memory_space<vmem>>
      %dma_start3A_178 = tpu.memref_squeeze %dma_start3A_177 : memref<1x120x128xf32, #tpu.memory_space<vmem>> -> memref<120x128xf32, #tpu.memory_space<vmem>>
      %dma_start3A_179 = arith.constant 0 : i32
      %dma_start3A_180 = tpu.memref_slice %arg9[%add3A_169, %dma_start3A_179] : memref<10112x128xf32, #tpu.memory_space<vmem_shared>> -> memref<120x128xf32, #tpu.memory_space<vmem_shared>>
      %dma_start3A_181 = arith.constant 0 : i32
      %dma_start3A_182 = arith.constant 0 : i32
      %dma_start3A_183 = tpu.memref_slice %arg12[%run_scoped3A_170, %dma_start3A_181, %dma_start3A_182] : memref<2x128x128xf32, #tpu.memory_space<vmem>> -> memref<1x120x128xf32, #tpu.memory_space<vmem>>
      %dma_start3A_184 = tpu.memref_squeeze %dma_start3A_183 : memref<1x120x128xf32, #tpu.memory_space<vmem>> -> memref<120x128xf32, #tpu.memory_space<vmem>>
      %dma_start3A_185 = arith.constant 0 : i32
      %dma_start3A_186 = tpu.memref_slice %arg9[%add3A_169, %dma_start3A_185] : memref<10112x128xf32, #tpu.memory_space<vmem_shared>> -> memref<120x128xf32, #tpu.memory_space<vmem_shared>>
      tpu.enqueue_dma source(%dma_start3A_186 : memref<120x128xf32, #tpu.memory_space<vmem_shared>>) target(%dma_start3A_184 : memref<120x128xf32, #tpu.memory_space<vmem>>) target_semaphore(%run_scoped3A_174 : memref<!tpu.dma_semaphore, #tpu.memory_space<semaphore_mem>>)
      %dma_wait3A_187 = arith.constant 0 : i32
      %dma_wait3A_188 = arith.constant 0 : i32
      %dma_wait3A_189 = tpu.memref_slice %arg12[%run_scoped3A_170, %dma_wait3A_187, %dma_wait3A_188] : memref<2x128x128xf32, #tpu.memory_space<vmem>> -> memref<1x120x128xf32, #tpu.memory_space<vmem>>
      %dma_wait3A_190 = tpu.memref_squeeze %dma_wait3A_189 : memref<1x120x128xf32, #tpu.memory_space<vmem>> -> memref<120x128xf32, #tpu.memory_space<vmem>>
      %dma_wait3A_191 = arith.constant 0 : i32
      %dma_wait3A_192 = tpu.memref_slice %arg9[%add3A_169, %dma_wait3A_191] : memref<10112x128xf32, #tpu.memory_space<vmem_shared>> -> memref<120x128xf32, #tpu.memory_space<vmem_shared>>
      %dma_wait3A_193 = arith.constant 0 : i32
      %dma_wait3A_194 = arith.constant 0 : i32
      %dma_wait3A_195 = tpu.memref_slice %arg12[%run_scoped3A_170, %dma_wait3A_193, %dma_wait3A_194] : memref<2x128x128xf32, #tpu.memory_space<vmem>> -> memref<1x120x128xf32, #tpu.memory_space<vmem>>
      %dma_wait3A_196 = tpu.memref_squeeze %dma_wait3A_195 : memref<1x120x128xf32, #tpu.memory_space<vmem>> -> memref<120x128xf32, #tpu.memory_space<vmem>>
      %dma_wait3A_197 = arith.constant 0 : i32
      %dma_wait3A_198 = tpu.memref_slice %arg9[%add3A_169, %dma_wait3A_197] : memref<10112x128xf32, #tpu.memory_space<vmem_shared>> -> memref<120x128xf32, #tpu.memory_space<vmem_shared>>
      tpu.wait_dma2 semaphore(%run_scoped3A_174 : memref<!tpu.dma_semaphore, #tpu.memory_space<semaphore_mem>>) src(%dma_wait3A_198 : memref<120x128xf32, #tpu.memory_space<vmem_shared>>) dst(%dma_wait3A_196 : memref<120x128xf32, #tpu.memory_space<vmem>>)
      tpu.yield
    }) : () -> ()
    %add3A_171 = arith.constant 512 : i32
    %add3A_172 = arith.addi %mul3A_0, %add3A_171 : i32
    %run_scoped3A_173 = arith.constant 0 : i32
    "tpu.region"() ({
      %run_scoped3A_174 = tpu.sem_alloc : memref<!tpu.dma_semaphore, #tpu.memory_space<semaphore_mem>>
      %dma_start3A_175 = arith.constant 0 : i32
      %dma_start3A_176 = arith.constant 0 : i32
      %dma_start3A_177 = tpu.memref_slice %arg12[%run_scoped3A_173, %dma_start3A_175, %dma_start3A_176] : memref<2x128x128xf32, #tpu.memory_space<vmem>> -> memref<1x120x128xf32, #tpu.memory_space<vmem>>
      %dma_start3A_178 = tpu.memref_squeeze %dma_start3A_177 : memref<1x120x128xf32, #tpu.memory_space<vmem>> -> memref<120x128xf32, #tpu.memory_space<vmem>>
      %dma_start3A_179 = arith.constant 0 : i32
      %dma_start3A_180 = tpu.memref_slice %arg8[%arg0, %add3A_172, %dma_start3A_179] : memref<2x10112x128xf32, #tpu.memory_space<hbm>> -> memref<1x120x128xf32, #tpu.memory_space<hbm>>
      %dma_start3A_181 = tpu.memref_squeeze %dma_start3A_180 : memref<1x120x128xf32, #tpu.memory_space<hbm>> -> memref<120x128xf32, #tpu.memory_space<hbm>>
      %dma_start3A_182 = arith.constant 0 : i32
      %dma_start3A_183 = tpu.memref_slice %arg8[%arg0, %add3A_172, %dma_start3A_182] : memref<2x10112x128xf32, #tpu.memory_space<hbm>> -> memref<1x120x128xf32, #tpu.memory_space<hbm>>
      %dma_start3A_184 = tpu.memref_squeeze %dma_start3A_183 : memref<1x120x128xf32, #tpu.memory_space<hbm>> -> memref<120x128xf32, #tpu.memory_space<hbm>>
      %dma_start3A_185 = arith.constant 0 : i32
      %dma_start3A_186 = arith.constant 0 : i32
      %dma_start3A_187 = tpu.memref_slice %arg12[%run_scoped3A_173, %dma_start3A_185, %dma_start3A_186] : memref<2x128x128xf32, #tpu.memory_space<vmem>> -> memref<1x120x128xf32, #tpu.memory_space<vmem>>
      %dma_start3A_188 = tpu.memref_squeeze %dma_start3A_187 : memref<1x120x128xf32, #tpu.memory_space<vmem>> -> memref<120x128xf32, #tpu.memory_space<vmem>>
      tpu.enqueue_dma source(%dma_start3A_188 : memref<120x128xf32, #tpu.memory_space<vmem>>) target(%dma_start3A_184 : memref<120x128xf32, #tpu.memory_space<hbm>>) target_semaphore(%run_scoped3A_174 : memref<!tpu.dma_semaphore, #tpu.memory_space<semaphore_mem>>)
      %dma_wait3A_189 = arith.constant 0 : i32
      %dma_wait3A_190 = arith.constant 0 : i32
      %dma_wait3A_191 = tpu.memref_slice %arg12[%run_scoped3A_173, %dma_wait3A_189, %dma_wait3A_190] : memref<2x128x128xf32, #tpu.memory_space<vmem>> -> memref<1x120x128xf32, #tpu.memory_space<vmem>>
      %dma_wait3A_192 = tpu.memref_squeeze %dma_wait3A_191 : memref<1x120x128xf32, #tpu.memory_space<vmem>> -> memref<120x128xf32, #tpu.memory_space<vmem>>
      %dma_wait3A_193 = arith.constant 0 : i32
      %dma_wait3A_194 = tpu.memref_slice %arg8[%arg0, %add3A_172, %dma_wait3A_193] : memref<2x10112x128xf32, #tpu.memory_space<hbm>> -> memref<1x120x128xf32, #tpu.memory_space<hbm>>
      %dma_wait3A_195 = tpu.memref_squeeze %dma_wait3A_194 : memref<1x120x128xf32, #tpu.memory_space<hbm>> -> memref<120x128xf32, #tpu.memory_space<hbm>>
      %dma_wait3A_196 = arith.constant 0 : i32
      %dma_wait3A_197 = tpu.memref_slice %arg8[%arg0, %add3A_172, %dma_wait3A_196] : memref<2x10112x128xf32, #tpu.memory_space<hbm>> -> memref<1x120x128xf32, #tpu.memory_space<hbm>>
      %dma_wait3A_198 = tpu.memref_squeeze %dma_wait3A_197 : memref<1x120x128xf32, #tpu.memory_space<hbm>> -> memref<120x128xf32, #tpu.memory_space<hbm>>
      %dma_wait3A_199 = arith.constant 0 : i32
      %dma_wait3A_200 = arith.constant 0 : i32
      %dma_wait3A_201 = tpu.memref_slice %arg12[%run_scoped3A_173, %dma_wait3A_199, %dma_wait3A_200] : memref<2x128x128xf32, #tpu.memory_space<vmem>> -> memref<1x120x128xf32, #tpu.memory_space<vmem>>
      %dma_wait3A_202 = tpu.memref_squeeze %dma_wait3A_201 : memref<1x120x128xf32, #tpu.memory_space<vmem>> -> memref<120x128xf32, #tpu.memory_space<vmem>>
      tpu.wait_dma2 semaphore(%run_scoped3A_174 : memref<!tpu.dma_semaphore, #tpu.memory_space<semaphore_mem>>) src(%dma_wait3A_202 : memref<120x128xf32, #tpu.memory_space<vmem>>) dst(%dma_wait3A_198 : memref<120x128xf32, #tpu.memory_space<hbm>>)
      tpu.yield
    }) : () -> ()
    return
  }
}

module attributes {stable_mosaic.version = 14 : i64} {
  func.func @_tc_body(%arg0: i32, %arg1: memref<1000x128xf32, #tpu.memory_space<vmem>>, %arg2: memref<1000x128xf32, #tpu.memory_space<vmem>>, %arg3: memref<1000x1xf32, #tpu.memory_space<vmem>>, %arg4: memref<1000x1xf32, #tpu.memory_space<vmem>>, %arg5: memref<1000x256xf32, #tpu.memory_space<vmem>>, %arg6: memref<128x256xf32, #tpu.memory_space<vmem>>, %arg7: memref<128x256xf32, #tpu.memory_space<vmem>>, %arg8: memref<256x256xf32, #tpu.memory_space<vmem>>, %arg9: memref<1000x256xf32, #tpu.memory_space<vmem>>) attributes {dimension_semantics = [#tpu.dimension_semantics<arbitrary>], iteration_bounds = array<i64: 10>, scalar_prefetch = 0 : i64, scratch_operands = 0 : i64, tpu.core_type = #tpu.core_type<tc>, window_params = [{transform_indices = @transform_0, window_bounds = array<i64: 1000, 128>}, {transform_indices = @transform_1, window_bounds = array<i64: 1000, 128>}, {transform_indices = @transform_2, window_bounds = array<i64: 1000, 1>}, {transform_indices = @transform_3, window_bounds = array<i64: 1000, 1>}, {transform_indices = @transform_4, window_bounds = array<i64: 1000, 256>}, {pipeline_mode = #tpu.pipeline_mode<synchronous>, transform_indices = @transform_5, window_bounds = array<i64: 128, 256>}, {pipeline_mode = #tpu.pipeline_mode<synchronous>, transform_indices = @transform_6, window_bounds = array<i64: 128, 256>}, {pipeline_mode = #tpu.pipeline_mode<synchronous>, transform_indices = @transform_7, window_bounds = array<i64: 256, 256>}, {transform_indices = @transform_8, window_bounds = array<i64: 1000, 256>}]} {
    %get3A = arith.constant 0 : index
    %get3A_0 = arith.constant 0 : index
    %get3A_1 = vector.load %arg3[%get3A, %get3A_0] : memref<1000x1xf32, #tpu.memory_space<vmem>>, vector<1000x1xf32>
    %get3A_2 = arith.constant 0 : index
    %get3A_3 = arith.constant 0 : index
    %get3A_4 = vector.load %arg4[%get3A_2, %get3A_3] : memref<1000x1xf32, #tpu.memory_space<vmem>>, vector<1000x1xf32>
    %add3A = arith.addf %get3A_1, %get3A_4 : vector<1000x1xf32>
    %max3A = arith.constant 1.000000e+00 : f32
    %max3A_5 = vector.broadcast %max3A : f32 to vector<1000x1xf32>
    %max3A_6 = arith.maximumf %add3A, %max3A_5 : vector<1000x1xf32>
    %div3A = arith.constant 1.000000e+00 : f32
    %div3A_7 = vector.broadcast %div3A : f32 to vector<1000x1xf32>
    %div3A_8 = arith.divf %div3A_7, %max3A_6 : vector<1000x1xf32>
    %get3A_9 = arith.constant 0 : index
    %get3A_10 = arith.constant 0 : index
    %get3A_11 = vector.load %arg1[%get3A_9, %get3A_10] : memref<1000x128xf32, #tpu.memory_space<vmem>>, vector<1000x128xf32>
    %mul3A = vector.broadcast %div3A_8 : vector<1000x1xf32> to vector<1000x128xf32>
    %mul3A_12 = arith.mulf %get3A_11, %mul3A : vector<1000x128xf32>
    %get3A_13 = arith.constant 0 : index
    %get3A_14 = arith.constant 0 : index
    %get3A_15 = vector.load %arg6[%get3A_13, %get3A_14] : memref<128x256xf32, #tpu.memory_space<vmem>>, vector<128x256xf32>
    %dot_general3A = arith.constant dense<0.000000e+00> : vector<1000x256xf32>
    %dot_general3A_16 = tpu.matmul %mul3A_12, %get3A_15, %dot_general3A {dimension_numbers = #tpu.dot_dimension_numbers<[1], [0], [0], [1], [0, 0, 1, 1], [], []>, transpose_lhs_hint = false} : vector<1000x128xf32>, vector<128x256xf32>, vector<1000x256xf32> -> vector<1000x256xf32>
    %get3A_17 = arith.constant 0 : index
    %get3A_18 = arith.constant 0 : index
    %get3A_19 = vector.load %arg2[%get3A_17, %get3A_18] : memref<1000x128xf32, #tpu.memory_space<vmem>>, vector<1000x128xf32>
    %mul3A_20 = vector.broadcast %div3A_8 : vector<1000x1xf32> to vector<1000x128xf32>
    %mul3A_21 = arith.mulf %get3A_19, %mul3A_20 : vector<1000x128xf32>
    %get3A_22 = arith.constant 0 : index
    %get3A_23 = arith.constant 0 : index
    %get3A_24 = vector.load %arg7[%get3A_22, %get3A_23] : memref<128x256xf32, #tpu.memory_space<vmem>>, vector<128x256xf32>
    %dot_general3A_25 = arith.constant dense<0.000000e+00> : vector<1000x256xf32>
    %dot_general3A_26 = tpu.matmul %mul3A_21, %get3A_24, %dot_general3A_25 {dimension_numbers = #tpu.dot_dimension_numbers<[1], [0], [0], [1], [0, 0, 1, 1], [], []>, transpose_lhs_hint = false} : vector<1000x128xf32>, vector<128x256xf32>, vector<1000x256xf32> -> vector<1000x256xf32>
    %add3A_27 = arith.addf %dot_general3A_16, %dot_general3A_26 : vector<1000x256xf32>
    %get3A_28 = arith.constant 0 : index
    %get3A_29 = arith.constant 0 : index
    %get3A_30 = vector.load %arg5[%get3A_28, %get3A_29] : memref<1000x256xf32, #tpu.memory_space<vmem>>, vector<1000x256xf32>
    %get3A_31 = arith.constant 0 : index
    %get3A_32 = arith.constant 0 : index
    %get3A_33 = vector.load %arg8[%get3A_31, %get3A_32] : memref<256x256xf32, #tpu.memory_space<vmem>>, vector<256x256xf32>
    %dot_general3A_34 = arith.constant dense<0.000000e+00> : vector<1000x256xf32>
    %dot_general3A_35 = tpu.matmul %get3A_30, %get3A_33, %dot_general3A_34 {dimension_numbers = #tpu.dot_dimension_numbers<[1], [0], [0], [1], [0, 0, 1, 1], [], []>, transpose_lhs_hint = false} : vector<1000x256xf32>, vector<256x256xf32>, vector<1000x256xf32> -> vector<1000x256xf32>
    %add3A_36 = arith.addf %add3A_27, %dot_general3A_35 : vector<1000x256xf32>
    %swap3A = arith.constant 0 : index
    %swap3A_37 = arith.constant 0 : index
    %swap3A_38 = vector.load %arg9[%swap3A, %swap3A_37] : memref<1000x256xf32, #tpu.memory_space<vmem>>, vector<1000x256xf32>
    tpu.vector_store %arg9[%swap3A, %swap3A_37], %add3A_36 {strides = array<i32>} : memref<1000x256xf32, #tpu.memory_space<vmem>>, vector<1000x256xf32>,
    return
  }
  func.func @transform_0(%arg0: i32) -> (i32, i32) {
    %c0_i32 = arith.constant 0 : i32
    %c0_i32_0 = arith.constant 0 : i32
    return %arg0, %c0_i32 : i32, i32
  }
  func.func @transform_1(%arg0: i32) -> (i32, i32) {
    %c0_i32 = arith.constant 0 : i32
    %c0_i32_0 = arith.constant 0 : i32
    return %arg0, %c0_i32 : i32, i32
  }
  func.func @transform_2(%arg0: i32) -> (i32, i32) {
    %c0_i32 = arith.constant 0 : i32
    %c0_i32_0 = arith.constant 0 : i32
    return %arg0, %c0_i32 : i32, i32
  }
  func.func @transform_3(%arg0: i32) -> (i32, i32) {
    %c0_i32 = arith.constant 0 : i32
    %c0_i32_0 = arith.constant 0 : i32
    return %arg0, %c0_i32 : i32, i32
  }
  func.func @transform_4(%arg0: i32) -> (i32, i32) {
    %c0_i32 = arith.constant 0 : i32
    %c0_i32_0 = arith.constant 0 : i32
    return %arg0, %c0_i32 : i32, i32
  }
  func.func @transform_5(%arg0: i32) -> (i32, i32) {
    %c0_i32 = arith.constant 0 : i32
    %c0_i32_0 = arith.constant 0 : i32
    %c0_i32_1 = arith.constant 0 : i32
    return %c0_i32, %c0_i32_0 : i32, i32
  }
  func.func @transform_6(%arg0: i32) -> (i32, i32) {
    %c0_i32 = arith.constant 0 : i32
    %c0_i32_0 = arith.constant 0 : i32
    %c0_i32_1 = arith.constant 0 : i32
    return %c0_i32, %c0_i32_0 : i32, i32
  }
  func.func @transform_7(%arg0: i32) -> (i32, i32) {
    %c0_i32 = arith.constant 0 : i32
    %c0_i32_0 = arith.constant 0 : i32
    %c0_i32_1 = arith.constant 0 : i32
    return %c0_i32, %c0_i32_0 : i32, i32
  }
  func.func @transform_8(%arg0: i32) -> (i32, i32) {
    %c0_i32 = arith.constant 0 : i32
    %c0_i32_0 = arith.constant 0 : i32
    return %arg0, %c0_i32 : i32, i32
  }
}

</mosaic_0001>

<sc_bundles>
// kernel: kernel.4.cloned.1.call-start
scs
__scs_entry_jumppad:
0x0: {  	(pc) =	sbr.rel $0x88, $3  }
0x1: {  	(tag) =	ssettag $0x0;
	lr =	simm.s32 $0x1  }
0x2: {  	[smem:$0x3F9D] =	sst lr;
	_ =	strace $0xD0000000  }
0x3: {  	_ = 	snop  }
0x4: {  	_ = 	snop  }
0x5: {  	_ = 	snop  }
0x6: {  	_ = 	snop  }
0x7: {  	_ = 	snop  }
__scs_overlays_trampoline_lowered:
0x8: {  	[smem:$0x3FAC] =	sst s0  }
0x9: {  	[smem:$0x3FAD] =	sst s1  }
0xa: {  	[smem:$0x3FAE] =	sst s2  }
0xb: {  	[smem:$0x3FAF] =	sst s3  }
0xc: {  	[smem:$0x3FB0] =	sst s4  }
0xd: {  	[smem:$0x3FB1] =	sst s5  }
0xe: {  	[smem:$0x3FB2] =	sst s6  }
0xf: {  	[smem:$0x3FB3] =	sst s7  }
0x10: {  	[smem:$0x3FB4] =	sst s8  }
0x11: {  	[smem:$0x3FB5] =	sst s9;
	s0 =	simm.s32 @!p0 $0x0  }
0x12: {  	s1 =	sld [smem:$0x3F9B];
	s0 =	simm.s32 @p0 $0x1  }
0x13: {  	[smem:$0x3FB6] =	sst s0;
	s0 =	simm.s32 @!p1 $0x0  }
0x14: {  	s2 =	sld [smem:$0x3F9A];
	s0 =	simm.s32 @p1 $0x1  }
0x15: {  	[smem:$0x3FB7] =	sst s0;
	s0 =	simm.s32 @!p2 $0x0  }
0x16: {  	s3 =	sld [smem:$0x3FDB];
	s0 =	simm.s32 @p2 $0x1  }
0x17: {  	s4 =	simm.s32 $0x1BF5;
	[smem:$0x3FB9] =	sst s0  }
0x18: {  	s0 =	sld [smem:$0x3F9C];
	_ =	swait.ge [sflag:s4], $0x0  }
0x19: {  	s7 =	sld [smem:$0x3F9D]  }
0x1a: {  	s8 =	sadd.s32 $0xFFFFE003, lr  }
0x1b: {  	s9 =	sadd.s32 $0xFFFFFEF7, lr;
	s5 =	simm.s32 $0xFFFFFFFF;
	p2 =	slt.u32 s8, $0xFFFFF086  }
0x1c: {  	p1 =	slt.u32 s9, $0xF7A;
	s5 =	simm.s32 @!p2 $0x0  }
0x1d: {  	s5 =	simm.s32 @p1 $0x1;
	p0 =	seq.s32 s7, s2  }
0x1e: {  	s7 =	smul.u32 @!p0 $0xF7A, s2;
	p2 =	seq.s32 @!p0 s5, $0x0  }
0x1f: {  	s9 =	smul.u32 $0xF7A, s1;
	s8 =	simm.s32 @!p0 $0x1BF5;
	p2 =	por !p2, p0  }
0x20: {  	[sflag:s8] =	ssyncset.s32 @!p0 $0xFFFFF086;
	s6 =	sadd.s32 @!p0 s3, s7;
	s7 =	simm.s32 @!p0 $0x108  }
0x21: {  	s3 =	sadd.s32 s3, s9;
	s6 =	sadd.s32 @!p0 $0x88, s6;
	s7 =	simm.s32 @p2 $0x1082  }
0x22: {  	[simem:s7], [sflag:s8] =	dma.local @!p0 [hbm:s6], $0xF7A  }
0x23: {  	s9 =	sor.u32 $0xD0000000, s2;
	s6 =	simm.s32 $0x108;
	_ =	swait.ge @!p0 [sflag:s8], $0x0  }
0x24: {  	s3 =	sadd.s32 $0x88, s3;
	s6 =	simm.s32 @!p1 $0x1082;
	[sflag:s4] =	ssyncset.s32 $0xFFFFF086  }
0x25: {  	[simem:s6], [sflag:s4] =	dma.local [hbm:s3], $0xF7A  }
0x26: {  	[smem:$0x3F9D] =	sst s1;
	(tag) =	ssettag s2;
	_ =	strace s9  }
0x27: {  	s1 =	sld [smem:$0x3FAD]  }
0x28: {  	s2 =	sld [smem:$0x3FAE]  }
0x29: {  	s4 =	sld [smem:$0x3FB0]  }
0x2a: {  	p0 =	seq.s32 s5, $0x0;
	s5 =	sld [smem:$0x3FB1]  }
0x2b: {  	s6 =	sld [smem:$0x3FB2]  }
0x2c: {  	s7 =	sld [smem:$0x3FB3]  }
0x2d: {  	s3 =	simm.s32 $0x108;
	s8 =	sld [smem:$0x3FB4]  }
0x2e: {  	s3 =	simm.s32 @!p0 $0x1082;
	s9 =	sld [smem:$0x3FB5]  }
0x2f: {  	lr =	sadd.s32 s0, s3;
	s0 =	sld [smem:$0x3FAC]  }
0x30: {  	s3 =	sld [smem:$0x3FAF]  }
0x31: {  	[smem:$0x3FB8] =	sst s10  }
0x32: {  	s10 =	sld [smem:$0x3FB6];
	_ =	sdelay $0x3  }
0x33: {  	p0 =	seq.s32 s10, $0x1;
	s10 =	sld [smem:$0x3FB8];
	_ =	sdelay $0x3  }
0x34: {  	[smem:$0x3FB8] =	sst s10  }
0x35: {  	s10 =	sld [smem:$0x3FB7];
	_ =	sdelay $0x3  }
0x36: {  	p1 =	seq.s32 s10, $0x1;
	s10 =	sld [smem:$0x3FB8];
	_ =	sdelay $0x3  }
0x37: {  	[smem:$0x3FB8] =	sst s10  }
0x38: {  	s10 =	sld [smem:$0x3FB9]  }
0x39: {  	_ = 	snop;
	(pc) =	sbr.ind lr, $3  }
0x3a: {  	_ = 	snop  }
0x3b: {  	_ = 	snop  }
0x3c: {  	p2 =	seq.s32 s10, $0x1;
	s10 =	sld [smem:$0x3FB8]  }
0x3d: {  	_ =	shalt  }
0x3e: {  	_ =	shalt  }
0x3f: {  	_ =	shalt  }
0x40: {  	_ =	shalt  }
0x41: {  	_ =	shalt  }
0x42: {  	_ =	shalt  }
0x43: {  	_ =	shalt  }
0x44: {  	_ =	shalt  }
0x45: {  	_ =	shalt  }
0x46: {  	_ =	shalt  }
0x47: {  	_ =	shalt  }
0x48: {  	_ =	shalt  }
0x49: {  	_ =	shalt  }
0x4a: {  	_ =	shalt  }
0x4b: {  	_ =	shalt  }
0x4c: {  	_ =	shalt  }
0x4d: {  	_ =	shalt  }
0x4e: {  	_ =	shalt  }
0x4f: {  	_ =	shalt  }
0x50: {  	_ =	shalt  }
0x51: {  	_ =	shalt  }
0x52: {  	_ =	shalt  }
0x53: {  	_ =	shalt  }
0x54: {  	_ =	shalt  }
0x55: {  	_ =	shalt  }
0x56: {  	_ =	shalt  }
0x57: {  	_ =	shalt  }
0x58: {  	_ =	shalt  }
0x59: {  	_ =	shalt  }
0x5a: {  	_ =	shalt  }
0x5b: {  	_ =	shalt  }
0x5c: {  	_ =	shalt  }
0x5d: {  	_ =	shalt  }
0x5e: {  	_ =	shalt  }
0x5f: {  	_ =	shalt  }
0x60: {  	_ =	shalt  }
0x61: {  	_ =	shalt  }
0x62: {  	_ =	shalt  }
0x63: {  	_ =	shalt  }
0x64: {  	_ =	shalt  }
0x65: {  	_ =	shalt  }
0x66: {  	_ =	shalt  }
0x67: {  	_ =	shalt  }
0x68: {  	_ =	shalt  }
0x69: {  	_ =	shalt  }
0x6a: {  	_ =	shalt  }
0x6b: {  	_ =	shalt  }
0x6c: {  	_ =	shalt  }
0x6d: {  	_ =	shalt  }
0x6e: {  	_ =	shalt  }
0x6f: {  	_ =	shalt  }
0x70: {  	_ =	shalt  }
0x71: {  	_ =	shalt  }
0x72: {  	_ =	shalt  }
0x73: {  	_ =	shalt  }
0x74: {  	_ =	shalt  }
0x75: {  	_ =	shalt  }
0x76: {  	_ =	shalt  }
0x77: {  	_ =	shalt  }
0x78: {  	_ =	shalt  }
0x79: {  	_ =	shalt  }
0x7a: {  	_ =	shalt  }
0x7b: {  	_ =	shalt  }
0x7c: {  	_ =	shalt  }
0x7d: {  	_ =	shalt  }
0x7e: {  	_ =	shalt  }
0x7f: {  	_ =	shalt  }
0x80: {  	_ =	shalt  }
0x81: {  	_ =	shalt  }
0x82: {  	_ =	shalt  }
0x83: {  	_ =	shalt  }
0x84: {  	_ =	shalt  }
0x85: {  	_ =	shalt  }
0x86: {  	_ =	shalt  }
0x87: {  	_ =	shalt  }
.Lfunc_end0:
.L_simem_size_0:
called_computation_lowered:
.L_overlay_start_0:
0x88: {  	s2 =	sld [smem:$0x3FD9]  }
0x89: {  	s3 =	sld [smem:$0x3FFE];
	_ =	sdelay $0x1  }
0x8a: {  	s1 =	srdreg.scid  }
0x8b: {  	s0 =	sand.u32 $0x1, s1  }
0x8c: {  	s17 =	sshll.u32 s0, $0xA;
	s2 =	sadd.s32 s3, s2  }
0x8d: {  	s2 =	sadd.s32 s2, s17  }
0x8e: {  	[smem:$0x3FC4] =	sst s2  }
0x8f: {  	_ = 	snop  }
0x90: {  	s2 =	sld [smem:$0x3FD0];
	(tm) =	ssettm $0x1  }
0x91: {  	s18 =	sld [smem:$0x3FFB];
	_ =	sdelay $0x3  }
0x92: {  	_ =	strace s18  }
0x93: {  	s3 =	sld [smem:$0x3FFC];
	_ =	sdelay $0x3  }
0x94: {  	_ =	strace s3  }
0x95: {  	s3 =	sld [smem:$0x3FFD];
	_ =	sdelay $0x3  }
0x96: {  	_ =	strace s3  }
0x97: {  	_ =	strace $0x8FFFFFFF  }
0x98: {  	s19 =	sld [smem:$0x3FDB];
	_ =	sdelay $0x1  }
0x99: {  	s4 =	simm.s32 $_scs_section_size  }
0x9a: {  	s5 =	simm.s32 $_size__tile_overlayer_lowered;
	s6 =	simm.s32 $_tile_overlayer_lowered  }
0x9b: {  	s22 =	simm.s32 $0x1BFF;
	s21 =	sshll.u32 s6, $0x1;
	s3 =	sadd.s32 s4, s19  }
0x9c: {  	s7 =	simm.s32 $0x0;
	s20 =	sshll.u32 s5, $0x1;
	s5 =	sadd.s32 s21, s3  }
0x9d: {  	[timem:s7], [sflag:s22] =	dma.local [hbm:s5], s20  }
0x9e: {  	_ =	swait.ge [sflag:s22], s20  }
0x9f: {  	s4 =	ssub.s32 $0x0, s20;
	[sflag:s22] =	ssyncset.done $0x0  }
0xa0: {  	[sflag:s22] =	ssyncadd.s32 s4;
	_ =	sdelay $0x1  }
0xa1: {  	s23 =	simm.s32 $0x1B8B  }
0xa2: {  	_ =	swait.ge [sflag:s23], $0x1  }
0xa3: {  	[sflag:s23] =	ssyncset.done $0x0  }
0xa4: {  	s25 =	simm.s32 $0x1B8E;
	s24 =	sld [smem:$0x3FFE];
	[sflag:s23] =	ssyncadd.s32 $0xFFFFFFFF  }
0xa5: {  	s26 =	simm.s32 $execute0_lowered;
	[smem:$0x3FD2] =	sst s25  }
0xa6: {  	s5 =	sshll.u32 s26, $0x1;
	_ =	strace $0x80000046;
	[dreg:$0x1] =	wrdreg $0xFFFFFFFF  }
0xa7: {  	s28 =	simm.s32 $_size_execute0_lowered;
	s3 =	sadd.s32 s3, s5;
	[dreg:$0x0] =	wrdreg $0x0  }
0xa8: {  	s5 =	sshll.u32 s28, $0x1;
	[dreg:$0x2] =	wrdreg s3  }
0xa9: {  	[dreg:$0x3] =	wrdreg s5  }
0xaa: {  	[dreg:$0x4] =	wrdreg $0xC0  }
0xab: {  	_ =	task [dreg:s7], $0x5FFFF  }
0xac: {  	[dreg:$0x1] =	wrdreg $0xFFFFFFFF  }
0xad: {  	[dreg:$0x0] =	wrdreg $0x60  }
0xae: {  	[dreg:$0x2] =	wrdreg s24  }
0xaf: {  	[dreg:$0x3] =	wrdreg s2  }
0xb0: {  	[dreg:$0x4] =	wrdreg $0x0  }
0xb1: {  	[dreg:$0x5] =	wrdreg $0x9  }
0xb2: {  	_ =	task.clear_ibuf [dreg:s7], $0x6FFFF;
	_ =	strace $0x90000046  }
0xb3: {  	s29 =	simm.s32 $0x9;
	_ =	strace $0x80000048  }
0xb4: {  	_ =	swait.ge [sflag:s29], $0x1  }
0xb5: {  	[sflag:s29] =	ssyncadd.s32 $0xFFFFFFFF  }
0xb6: {  	_ =	strace $0x90000048  }
0xb7: {  	_ =	sfence  }
0xb8: {  	s30 =	sld [smem:$0x0];
	_ =	sdelay $0x2  }
0xb9: {  	s31 =	sshll.u32 s1, $0xD;
	s1 =	sshrl.u32 s1, $0x2  }
0xba: {  	s3 =	sand.u32 $0x4000, s31;
	s1 =	sadd.s32 s1, s30  }
0xbb: {  	s0 =	sor.u32 s3, s0;
	s1 =	sshll.u32 s1, $0x11  }
0xbc: {  	s0 =	sor.u32 s1, s0  }
0xbd: {  	s0 =	sadd.s32 $0x8F2B, s0  }
0xbe: {  	[sflag:s0] =	ssyncadd.remote.s32 $0x1  }
0xbf: {  	_ =	sfence.sel $0xFFFF  }
0xc0: {  	[dreg:$0x0] =	wrdreg $0xFFFFFFFF;
	(pc) =	sbr.abs _section_cstart, $3  }
0xc1: {  	[dreg:$0x1] =	wrdreg $0xFFFFFFFF  }
0xc2: {  	_ =	task.clear_ibuf [dreg:s7], $0x2FFFF;
	_ =	strace $0x9FFFFFFF  }
0xc3: {  	(tm) =	ssettm $0x7FFFFFFF  }
tec
execute0_lowered:
.L_overlay_start_1:
0x0: {  	(tag) =	ssettag $0x1  }
0x1: {  	s0 =	rddreg [dreg:$0x0]  }
0x2: {  	s1 =	rddreg [dreg:$0x1]  }
0x3: {  	s2 =	rddreg [dreg:$0x2]  }
0x4: {  	s3 =	simm.s32 $0x0;
	s4 =	srdreg.scid;
	s20 =	stileid.u32  }
0x5: {  	s29 =	simm.s32 $0x14700;
	s31 =	simm.s32 $0x14780;
	[smem:$0x7FF] =	sst s3  }
0x6: {  	s5 =	sadd.s32 $0x5E00, s0;
	s4 =	sand.u32 $0x1, s4;
	s6 =	sadd.s32 $0xE00, s0  }
0x7: {  	s8 =	smul.u32 $0x13C00, s20;
	s9 =	sadd.s32 $0xA4200, s0;
	s12 =	sadd.s32 $0x55200, s0  }
0x8: {  	_ =	strace $0x80000047;
	s7 =	ssub.s32 $0x2, s4;
	s11 =	smul.u32 $0x13C000, s4  }
0x9: {  	s10 =	sshrl.u32 s7, $0x1;
	s13 =	sadd.s32 $0x4000, s8;
	s14 =	sadd.s32 $0x8000, s8  }
0xa: {  	s16 =	sadd.s32 $0xC000, s8;
	s7 =	ssub.s32 s7, s10;
	s10 =	smul.u32 $0x4F000, s20  }
0xb: {  	s15 =	sadd.s32 s8, s11;
	s17 =	sadd.s32 s11, s13;
	s8 =	sadd.s32 $0x10000, s8  }
0xc: {  	s21 =	sadd.s32 s11, s14;
	s20 =	smul.u32 $0x2800, s20;
	s15 =	sshrl.u32 s15, $0x3  }
0xd: {  	s17 =	sshrl.u32 s17, $0x3;
	s7 =	smax.u32 s7, $0x1;
	s18 =	sadd.s32 s9, s15  }
0xe: {  	s19 =	sadd.s32 s9, s17;
	s23 =	sadd.s32 s12, s15;
	[dreg:$0x17] =	wrdreg s7  }
0xf: {  	s24 =	sadd.s32 s12, s17;
	s15 =	smul.u32 $0x1400, s4;
	[dreg:$0x4] =	wrdreg s18  }
0x10: {  	s7 =	simm.s32 $0x4;
	[dreg:$0x5] =	wrdreg s19;
	s19 =	sadd.s32 s11, s16  }
0x11: {  	s18 =	sshrl.u32 s21, $0x3;
	s11 =	sadd.s32 s11, s8;
	[dreg:$0x9] =	wrdreg s23  }
0x12: {  	[dreg:$0xa] =	wrdreg s24;
	s23 =	sadd.s32 s14, s2;
	s24 =	sadd.s32 s16, s2  }
0x13: {  	s16 =	sadd.s32 s8, s2;
	s14 =	simm.s32 $0x14480;
	s19 =	sshrl.u32 s19, $0x3  }
0x14: {  	s21 =	sadd.s32 s9, s18;
	s11 =	sshrl.u32 s11, $0x3;
	[dreg:$0x12] =	wrdreg s23  }
0x15: {  	s25 =	sadd.s32 s12, s18;
	s18 =	sshrl.u32 s20, $0x3;
	[dreg:$0x13] =	wrdreg s24  }
0x16: {  	[dreg:$0x6] =	wrdreg s21;
	s22 =	sadd.s32 s9, s19;
	s9 =	sadd.s32 s9, s11  }
0x17: {  	[dreg:$0xb] =	wrdreg s25;
	s26 =	sadd.s32 s12, s19;
	s28 =	sadd.s32 s12, s11  }
0x18: {  	s19 =	sadd.s32 $0x54A00, s0;
	s11 =	sshrl.u32 s10, $0x2;
	[dreg:$0x7] =	wrdreg s22  }
0x19: {  	s12 =	smul.u32 $0x28000, s4;
	s0 =	sadd.s32 $0x54200, s0;
	[dreg:$0x8] =	wrdreg s9  }
0x1a: {  	s10 =	smov.u32 s16;
	s8 =	sadd.s32 s6, s18;
	[dreg:$0xc] =	wrdreg s26  }
0x1b: {  	s16 =	simm.s32 $0x14580;
	s18 =	simm.s32 $0x14600;
	[dreg:$0xd] =	wrdreg s28  }
0x1c: {  	[dreg:$0xf] =	wrdreg s0;
	s21 =	sadd.s32 s11, s2;
	s22 =	sadd.s32 s13, s2  }
0x1d: {  	s0 =	sadd.s32 s15, s20;
	[dreg:$0x16] =	wrdreg s8;
	s28 =	sadd.s32 $0x80, s8  }
0x1e: {  	s9 =	simm.s32 $0x14400;
	s11 =	simm.s32 $0x1;
	[dreg:$0xe] =	wrdreg s19  }
0x1f: {  	s13 =	simm.s32 $0x2;
	s15 =	simm.s32 $0x14500;
	[dreg:$0x14] =	wrdreg s10  }
0x20: {  	s8 =	simm.s32 $0x14680;
	s25 =	sadd.s32 s20, s12;
	[dreg:$0x19] =	wrdreg s28  }
0x21: {  	s0 =	sshrl.u32 s0, $0x3;
	[dreg:$0x10] =	wrdreg s21;
	s17 =	sshrl.u32 s25, $0x3  }
0x22: {  	s12 =	simm.s32 $0x80;
	[dreg:$0x11] =	wrdreg s22;
	s4 =	sadd.s32 s1, s17  }
0x23: {  	s30 =	sadd.s32 s0, s6;
	[dreg:$0x15] =	wrdreg s4;
	s26 =	sadd.s32 $0x80, s4  }
0x24: {  	s17 =	simm.s32 $0x0;
	s4 =	simm.s32 $0x14C00;
	[dreg:$0x18] =	wrdreg s26  }
.LBB2_1:
0x25: {  	[dreg:$0x1a] =	wrdreg s17  }
0x26: {  	[tilespmem:s4], [sflag:$0x4] =	stream.linear.gather [hbm4b:s19+s3], $0x4000, $0x38;
	[tilespmem:$0x1CC00] =	vst v63  }
0x27: {  	_ =	swait.ge [sflag:s7], $0x4000  }
0x28: {  	[sflag:s7] =	ssyncset.done $0x0  }
0x29: {  	[sflag:s7] =	ssyncadd.s32 $0xFFFFC000  }
0x2a: {  	[spmem:s21] =	stream.linear.scatter [tilespmem:s4], [sflag:$0x4], $0x4000, $0x38;
	[tilespmem:$0x1CC00] =	vst v63  }
0x2b: {  	_ =	swait.ge [sflag:s7], $0x4000  }
0x2c: {  	[sflag:s7] =	ssyncset.done $0x0  }
0x2d: {  	[sflag:s7] =	ssyncadd.s32 $0xFFFFC000  }
0x2e: {  	[spmem:s22] =	stream.linear.scatter [tilespmem:s4], [sflag:$0x4], $0x4000, $0x38;
	[tilespmem:$0x1CC00] =	vst v63  }
0x2f: {  	_ =	swait.ge [sflag:s7], $0x4000  }
0x30: {  	[sflag:s7] =	ssyncset.done $0x0  }
0x31: {  	[sflag:s7] =	ssyncadd.s32 $0xFFFFC000  }
0x32: {  	[spmem:s23] =	stream.linear.scatter [tilespmem:s4], [sflag:$0x4], $0x4000, $0x38;
	[tilespmem:$0x1CC00] =	vst v63  }
0x33: {  	_ =	swait.ge [sflag:s7], $0x4000  }
0x34: {  	[sflag:s7] =	ssyncset.done $0x0  }
0x35: {  	[sflag:s7] =	ssyncadd.s32 $0xFFFFC000  }
0x36: {  	[spmem:s24] =	stream.linear.scatter [tilespmem:s4], [sflag:$0x4], $0x4000, $0x38;
	[tilespmem:$0x1CC00] =	vst v63  }
0x37: {  	_ =	swait.ge [sflag:s7], $0x4000  }
0x38: {  	[sflag:s7] =	ssyncset.done $0x0  }
0x39: {  	[sflag:s7] =	ssyncadd.s32 $0xFFFFC000  }
0x3a: {  	[spmem:s10] =	stream.linear.scatter [tilespmem:s4], [sflag:$0x4], $0x3C00, $0x38;
	[tilespmem:$0x1CC00] =	vst v63  }
0x3b: {  	_ =	swait.ge [sflag:s7], $0x3C00  }
0x3c: {  	[sflag:s7] =	ssyncset.done $0x0  }
0x3d: {  	[sflag:s7] =	ssyncadd.s32 $0xFFFFC400  }
0x3e: {  	[bflag:$0x0] =	sbarrier.arrive $0xFFFF  }
0x3f: {  	s26 =	simm.s32 $0x13C00;
	s0 =	rddreg [dreg:$0x15]  }
0x40: {  	[tilespmem:s26], [sflag:$0x4] =	stream.linear.gather [hbm4b:s0+s3], $0x400, $0x38;
	[tilespmem:$0x1CC00] =	vst v63  }
0x41: {  	_ =	swait.ge [sflag:s7], $0x400  }
0x42: {  	[sflag:s7] =	ssyncset.done $0x0  }
0x43: {  	s17 =	rddreg [dreg:$0x16];
	[sflag:s7] =	ssyncadd.s32 $0xFFFFFC00  }
0x44: {  	[tilespmem:s9], [sflag:$0x4] =	stream.linear.gather [hbm4b:s17+s3], $0x400, $0x38;
	[tilespmem:$0x1CC00] =	vst v63  }
0x45: {  	_ =	swait.ge [sflag:s7], $0x400  }
0x46: {  	[sflag:s7] =	ssyncset.done $0x0  }
0x47: {  	s17 =	simm.s32 $0x20;
	[sflag:s7] =	ssyncadd.s32 $0xFFFFFC00  }
0x48: {  	[tilespmem:s4], [sflag:$0x1] =	stream.indirect.gather [hbm4b:s5+s17], $0x80, s26, s17, $0xb8;
	[tilespmem:$0x1CC00] =	vst v63  }
0x49: {  	s19 =	simm.s32 $0x13C20;
	s21 =	simm.s32 $0x15C00  }
0x4a: {  	[tilespmem:s21], [sflag:$0x1] =	stream.indirect.gather [hbm4b:s5+s17], $0x80, s19, s17, $0xb8;
	[tilespmem:$0x1CC00] =	vst v63  }
0x4b: {  	s22 =	simm.s32 $0x13C40;
	s23 =	simm.s32 $0x16C00  }
0x4c: {  	[tilespmem:s23], [sflag:$0x1] =	stream.indirect.gather [hbm4b:s5+s17], $0x80, s22, s17, $0xb8;
	[tilespmem:$0x1CC00] =	vst v63  }
0x4d: {  	s24 =	simm.s32 $0x13C60;
	s26 =	simm.s32 $0x17C00  }
0x4e: {  	[tilespmem:s26], [sflag:$0x1] =	stream.indirect.gather [hbm4b:s5+s17], $0x80, s24, s17, $0xb8;
	[tilespmem:$0x1CC00] =	vst v63  }
0x4f: {  	s19 =	rddreg [dreg:$0x18];
	s21 =	simm.s32 $0x14000  }
0x50: {  	[tilespmem:s21], [sflag:$0x3] =	stream.linear.gather [hbm4b:s19+s3], $0x400, $0x38;
	[tilespmem:$0x1CC00] =	vst v63  }
0x51: {  	s22 =	rddreg [dreg:$0x19];
	s23 =	simm.s32 $0x14800  }
0x52: {  	[tilespmem:s23], [sflag:$0x3] =	stream.linear.gather [hbm4b:s22+s3], $0x400, $0x38;
	[tilespmem:$0x1CC00] =	vst v63  }
0x53: {  	_ =	swait.ge [sflag:s11], $0x4000  }
0x54: {  	[sflag:s11] =	ssyncset.done $0x0  }
0x55: {  	[sflag:s11] =	ssyncadd.s32 $0xFFFFC000  }
0x56: {  	[spmem:s2] =	stream.indirect.scatter.add.f32 [tilespmem:s4], [sflag:$0x2], $0x80, s9, s12, $0xb8;
	[tilespmem:$0x1CC00] =	vst v63  }
0x57: {  	s24 =	simm.s32 $0x13C80;
	s26 =	simm.s32 $0x18C00  }
0x58: {  	[tilespmem:s26], [sflag:$0x1] =	stream.indirect.gather [hbm4b:s5+s17], $0x80, s24, s17, $0xb8;
	[tilespmem:$0x1CC00] =	vst v63  }
0x59: {  	s19 =	simm.s32 $0x13CA0;
	s21 =	simm.s32 $0x19C00  }
0x5a: {  	[tilespmem:s21], [sflag:$0x1] =	stream.indirect.gather [hbm4b:s5+s17], $0x80, s19, s17, $0xb8;
	[tilespmem:$0x1CC00] =	vst v63  }
0x5b: {  	s22 =	simm.s32 $0x13CC0;
	s23 =	simm.s32 $0x1AC00  }
0x5c: {  	[tilespmem:s23], [sflag:$0x1] =	stream.indirect.gather [hbm4b:s5+s17], $0x80, s22, s17, $0xb8;
	[tilespmem:$0x1CC00] =	vst v63  }
0x5d: {  	s24 =	simm.s32 $0x13CE0;
	s26 =	simm.s32 $0x1BC00  }
0x5e: {  	[tilespmem:s26], [sflag:$0x1] =	stream.indirect.gather [hbm4b:s5+s17], $0x80, s24, s17, $0xb8;
	[tilespmem:$0x1CC00] =	vst v63  }
0x5f: {  	s28 =	simm.s32 $0x2;
	s26 =	simm.s32 $0x100  }
.LBB2_2:
0x60: {  	s17 =	sadd.s32 $0xFFFFFFFF, s28  }
0x61: {  	s19 =	sand.u32 $0x7, s17;
	p0 =	sgt.u32 s17, $0x47  }
0x62: {  	p1 =	sne.s32 @!p0 s19, $0x0  }
0x63: {  	s21 =	sshrl.u32 s17, $0x3;
	p0 =	por p1, p0  }
0x64: {  	s22 =	sshll.u32 @!p0 s21, $0xA  }
0x65: {  	s22 =	sadd.s32 @!p0 $0x400, s22  }
0x66: {  	s21 =	sand.u32 $0x1, s21;
	s23 =	sadd.s32 @!p0 s25, s22  }
0x67: {  	s24 =	sshll.u32 @!p0 s21, $0xA;
	s23 =	sshrl.u32 @!p0 s23, $0x3  }
0x68: {  	s0 =	simm.s32 @!p0 $0x0;
	s10 =	ssub.s32 @!p0 $0x14000, s24;
	s23 =	sadd.s32 @!p0 s1, s23  }
0x69: {  	[tilespmem:s10], [sflag:$0x3] =	stream.linear.gather @!p0 [hbm4b:s23+s0], $0x400, $0x38;
	[tilespmem:$0x1CC00] =	vst v63  }
0x6a: {  	s10 =	sadd.s32 @!p0 s20, s22  }
0x6b: {  	s10 =	sshrl.u32 @!p0 s10, $0x3  }
0x6c: {  	s22 =	ssub.s32 @!p0 $0x14800, s24;
	s10 =	sadd.s32 @!p0 s6, s10  }
0x6d: {  	[tilespmem:s22], [sflag:$0x3] =	stream.linear.gather @!p0 [hbm4b:s10+s0], $0x400, $0x38;
	[tilespmem:$0x1CC00] =	vst v63  }
0x6e: {  	_ =	swait.ge [sflag:s13], $0x4000  }
0x6f: {  	[sflag:s13] =	ssyncset.done $0x0  }
0x70: {  	s21 =	sshll.u32 s21, $0xA;
	s0 =	sand.u32 $0x1, s17;
	[sflag:s13] =	ssyncadd.s32 $0xFFFFC000  }
0x71: {  	s22 =	sshll.u32 s19, $0x7;
	p0 =	seq.s32 s28, $0x50;
	_ =	swait.ge [sflag:s11], $0x4000  }
0x72: {  	s23 =	sshll.u32 s0, $0xE;
	s10 =	sor.u32 s22, s21;
	[sflag:s11] =	ssyncset.done $0x0  }
0x73: {  	s24 =	sadd.s32 $0x14C00, s23;
	s10 =	sadd.s32 $0x14400, s10;
	[sflag:s11] =	ssyncadd.s32 $0xFFFFC000  }
0x74: {  	[spmem:s2] =	stream.indirect.scatter.add.f32 [tilespmem:s24], [sflag:$0x2], $0x80, s10, s12, $0xb8;
	[tilespmem:$0x1CC00] =	vst v63  }
0x75: {  	s10 =	sand.u32 @!p0 $0x7, s28  }
0x76: {  	p1 =	sne.s32 @!p0 s10, $0x0  }
0x77: {  	p1 =	por p1, p0  }
0x78: {  	s10 =	simm.s32 @!p1 $0x3  }
0x79: {  	_ =	swait.ge @!p1 [sflag:s10], $0x400  }
0x7a: {  	[sflag:s10] =	ssyncset.done @!p1 $0x0  }
0x7b: {  	[sflag:s10] =	ssyncadd.s32 @!p1 $0xFFFFFC00  }
0x7c: {  	_ =	swait.ge @!p1 [sflag:s10], $0x400  }
0x7d: {  	s0 =	sshll.u32 @!p0 s0, $0xE;
	s21 =	simm.s32 @!p0 $0x20;
	[sflag:s10] =	ssyncset.done @!p1 $0x0  }
0x7e: {  	s28 =	sadd.s32 @!p0 $0x1, s28;
	[sflag:s10] =	ssyncadd.s32 @!p1 $0xFFFFFC00;
	s10 =	sand.u32 @!p0 $0x780, s26  }
0x7f: {  	s17 =	ssub.s32 @!p0 $0x18C00, s0;
	p1 =	sne.s32 @!p0 s28, $0x51;
	s19 =	sadd.s32 @!p0 $0x13C00, s10  }
0x80: {  	[tilespmem:s17], [sflag:$0x1] =	stream.indirect.gather @!p0 [hbm4b:s5+s21], $0x80, s19, s21, $0xb8;
	[tilespmem:$0x1CC00] =	vst v63  }
0x81: {  	p1 =	por p0, !p1;
	s17 =	ssub.s32 @!p0 $0x19C00, s0;
	s19 =	sadd.s32 @!p0 $0x13C20, s10  }
0x82: {  	[tilespmem:s17], [sflag:$0x1] =	stream.indirect.gather @!p0 [hbm4b:s5+s21], $0x80, s19, s21, $0xb8;
	[tilespmem:$0x1CC00] =	vst v63  }
.Ltmp0:
0x83: {  	_ = 	snop;
	(pc) =	sbr.rel @!p1 .LBB2_2-.Ltmp0, $4  }
0x84: {  	s17 =	ssub.s32 @!p0 $0x1AC00, s0;
	s19 =	sadd.s32 @!p0 $0x13C40, s10  }
0x85: {  	[tilespmem:s17], [sflag:$0x1] =	stream.indirect.gather @!p0 [hbm4b:s5+s21], $0x80, s19, s21, $0xb8;
	[tilespmem:$0x1CC00] =	vst v63  }
0x86: {  	s26 =	sadd.s32 @!p0 $0x80, s26;
	s0 =	ssub.s32 @!p0 $0x1BC00, s0;
	s10 =	sadd.s32 @!p0 $0x13C60, s10  }
0x87: {  	[tilespmem:s0], [sflag:$0x1] =	stream.indirect.gather @!p0 [hbm4b:s5+s21], $0x80, s10, s21, $0xb8;
	[tilespmem:$0x1CC00] =	vst v63  }
0x88: {  	_ =	swait.ge [sflag:s13], $0x4000  }
0x89: {  	[sflag:s13] =	ssyncset.done $0x0  }
0x8a: {  	[sflag:s13] =	ssyncadd.s32 $0xFFFFC000  }
0x8b: {  	[bflag:$0x0] =	sbarrier.arrive $0xFFFF  }
0x8c: {  	s21 =	rddreg [dreg:$0x10]  }
0x8d: {  	[tilespmem:s4], [sflag:$0x4] =	stream.linear.gather [spmem:s21], $0x4000, $0x38;
	[tilespmem:$0x1CC00] =	vst v63  }
0x8e: {  	_ =	swait.ge [sflag:s7], $0x4000  }
0x8f: {  	[sflag:s7] =	ssyncset.done $0x0  }
0x90: {  	s26 =	simm.s32 $0x0;
	s0 =	rddreg [dreg:$0x4];
	[sflag:s7] =	ssyncadd.s32 $0xFFFFC000  }
0x91: {  	[hbm4b:s0+s26] =	stream.linear.scatter [tilespmem:s4], [sflag:$0x4], $0x4000, $0x38;
	[tilespmem:$0x1CC00] =	vst v63  }
0x92: {  	_ =	swait.ge [sflag:s7], $0x4000  }
0x93: {  	[sflag:s7] =	ssyncset.done $0x0  }
0x94: {  	s22 =	rddreg [dreg:$0x11];
	[sflag:s7] =	ssyncadd.s32 $0xFFFFC000  }
0x95: {  	[tilespmem:s4], [sflag:$0x4] =	stream.linear.gather [spmem:s22], $0x4000, $0x38;
	[tilespmem:$0x1CC00] =	vst v63  }
0x96: {  	_ =	swait.ge [sflag:s7], $0x4000  }
0x97: {  	[sflag:s7] =	ssyncset.done $0x0  }
0x98: {  	s24 =	rddreg [dreg:$0x5];
	[sflag:s7] =	ssyncadd.s32 $0xFFFFC000  }
0x99: {  	[hbm4b:s24+s26] =	stream.linear.scatter [tilespmem:s4], [sflag:$0x4], $0x4000, $0x38;
	[tilespmem:$0x1CC00] =	vst v63  }
0x9a: {  	_ =	swait.ge [sflag:s7], $0x4000  }
0x9b: {  	[sflag:s7] =	ssyncset.done $0x0  }
0x9c: {  	s23 =	rddreg [dreg:$0x12];
	[sflag:s7] =	ssyncadd.s32 $0xFFFFC000  }
0x9d: {  	[tilespmem:s4], [sflag:$0x4] =	stream.linear.gather [spmem:s23], $0x4000, $0x38;
	[tilespmem:$0x1CC00] =	vst v63  }
0x9e: {  	_ =	swait.ge [sflag:s7], $0x4000  }
0x9f: {  	[sflag:s7] =	ssyncset.done $0x0  }
0xa0: {  	s10 =	rddreg [dreg:$0x6];
	[sflag:s7] =	ssyncadd.s32 $0xFFFFC000  }
0xa1: {  	[hbm4b:s10+s26] =	stream.linear.scatter [tilespmem:s4], [sflag:$0x4], $0x4000, $0x38;
	[tilespmem:$0x1CC00] =	vst v63  }
0xa2: {  	_ =	swait.ge [sflag:s7], $0x4000  }
0xa3: {  	[sflag:s7] =	ssyncset.done $0x0  }
0xa4: {  	s24 =	rddreg [dreg:$0x13];
	[sflag:s7] =	ssyncadd.s32 $0xFFFFC000  }
0xa5: {  	[tilespmem:s4], [sflag:$0x4] =	stream.linear.gather [spmem:s24], $0x4000, $0x38;
	[tilespmem:$0x1CC00] =	vst v63  }
0xa6: {  	_ =	swait.ge [sflag:s7], $0x4000  }
0xa7: {  	[sflag:s7] =	ssyncset.done $0x0  }
0xa8: {  	s17 =	rddreg [dreg:$0x7];
	[sflag:s7] =	ssyncadd.s32 $0xFFFFC000  }
0xa9: {  	[hbm4b:s17+s26] =	stream.linear.scatter [tilespmem:s4], [sflag:$0x4], $0x4000, $0x38;
	[tilespmem:$0x1CC00] =	vst v63  }
0xaa: {  	_ =	swait.ge [sflag:s7], $0x4000  }
0xab: {  	[sflag:s7] =	ssyncset.done $0x0  }
0xac: {  	s10 =	rddreg [dreg:$0x14];
	[sflag:s7] =	ssyncadd.s32 $0xFFFFC000  }
0xad: {  	[tilespmem:s4], [sflag:$0x4] =	stream.linear.gather [spmem:s10], $0x3C00, $0x38;
	[tilespmem:$0x1CC00] =	vst v63  }
0xae: {  	_ =	swait.ge [sflag:s7], $0x3C00  }
0xaf: {  	[sflag:s7] =	ssyncset.done $0x0  }
0xb0: {  	s19 =	rddreg [dreg:$0x8];
	[sflag:s7] =	ssyncadd.s32 $0xFFFFC400  }
0xb1: {  	[hbm4b:s19+s26] =	stream.linear.scatter [tilespmem:s4], [sflag:$0x4], $0x3C00, $0x38;
	[tilespmem:$0x1CC00] =	vst v63  }
0xb2: {  	_ =	swait.ge [sflag:s7], $0x3C00  }
0xb3: {  	[sflag:s7] =	ssyncset.done $0x0  }
0xb4: {  	[sflag:s7] =	ssyncadd.s32 $0xFFFFC400  }
0xb5: {  	[bflag:$0x0] =	sbarrier.arrive $0xFFFF  }
0xb6: {  	s19 =	rddreg [dreg:$0xe]  }
0xb7: {  	[tilespmem:s4], [sflag:$0x4] =	stream.linear.gather [hbm4b:s19+s26], $0x4000, $0x38;
	[tilespmem:$0x1CC00] =	vst v63  }
0xb8: {  	_ =	swait.ge [sflag:s7], $0x4000  }
0xb9: {  	[sflag:s7] =	ssyncset.done $0x0  }
0xba: {  	[sflag:s7] =	ssyncadd.s32 $0xFFFFC000  }
0xbb: {  	[spmem:s21] =	stream.linear.scatter [tilespmem:s4], [sflag:$0x4], $0x4000, $0x38;
	[tilespmem:$0x1CC00] =	vst v63  }
0xbc: {  	_ =	swait.ge [sflag:s7], $0x4000  }
0xbd: {  	[sflag:s7] =	ssyncset.done $0x0  }
0xbe: {  	[sflag:s7] =	ssyncadd.s32 $0xFFFFC000  }
0xbf: {  	[spmem:s22] =	stream.linear.scatter [tilespmem:s4], [sflag:$0x4], $0x4000, $0x38;
	[tilespmem:$0x1CC00] =	vst v63  }
0xc0: {  	_ =	swait.ge [sflag:s7], $0x4000  }
0xc1: {  	[sflag:s7] =	ssyncset.done $0x0  }
0xc2: {  	[sflag:s7] =	ssyncadd.s32 $0xFFFFC000  }
0xc3: {  	[spmem:s23] =	stream.linear.scatter [tilespmem:s4], [sflag:$0x4], $0x4000, $0x38;
	[tilespmem:$0x1CC00] =	vst v63  }
0xc4: {  	_ =	swait.ge [sflag:s7], $0x4000  }
0xc5: {  	[sflag:s7] =	ssyncset.done $0x0  }
0xc6: {  	[sflag:s7] =	ssyncadd.s32 $0xFFFFC000  }
0xc7: {  	[spmem:s24] =	stream.linear.scatter [tilespmem:s4], [sflag:$0x4], $0x4000, $0x38;
	[tilespmem:$0x1CC00] =	vst v63  }
0xc8: {  	_ =	swait.ge [sflag:s7], $0x4000  }
0xc9: {  	[sflag:s7] =	ssyncset.done $0x0  }
0xca: {  	[sflag:s7] =	ssyncadd.s32 $0xFFFFC000  }
0xcb: {  	[spmem:s10] =	stream.linear.scatter [tilespmem:s4], [sflag:$0x4], $0x3C00, $0x38;
	[tilespmem:$0x1CC00] =	vst v63  }
0xcc: {  	_ =	swait.ge [sflag:s7], $0x3C00  }
0xcd: {  	[sflag:s7] =	ssyncset.done $0x0  }
0xce: {  	[sflag:s7] =	ssyncadd.s32 $0xFFFFC400  }
0xcf: {  	[bflag:$0x0] =	sbarrier.arrive $0xFFFF  }
0xd0: {  	s17 =	rddreg [dreg:$0xf]  }
0xd1: {  	[tilespmem:s4], [sflag:$0x4] =	stream.linear.gather [hbm4b:s17+s26], $0x4000, $0x38;
	[tilespmem:$0x1CC00] =	vst v63  }
0xd2: {  	_ =	swait.ge [sflag:s7], $0x4000  }
0xd3: {  	[sflag:s7] =	ssyncset.done $0x0  }
0xd4: {  	s26 =	sadd.s32 $0x0, s30;
	[sflag:s7] =	ssyncadd.s32 $0xFFFFC000  }
0xd5: {  	[tilespmem:s9], [sflag:$0x4] =	stream.linear.gather [hbm4b:s26+s3], $0x400, $0x38;
	[tilespmem:$0x1CC00] =	vst v63  }
0xd6: {  	_ =	swait.ge [sflag:s7], $0x400  }
0xd7: {  	[sflag:s7] =	ssyncset.done $0x0  }
0xd8: {  	[sflag:s7] =	ssyncadd.s32 $0xFFFFFC00  }
0xd9: {  	[spmem:s2] =	stream.indirect.scatter.add.f32 [tilespmem:s4], [sflag:$0x2], $0x80, s9, s12, $0xb8;
	[tilespmem:$0x1CC00] =	vst v63  }
0xda: {  	_ = 	snop  }
0xdb: {  	[spmem:s2] =	stream.indirect.scatter.add.f32 [tilespmem:s4], [sflag:$0x2], $0x80, s14, s12, $0xb8;
	[tilespmem:$0x1CC00] =	vst v63  }
0xdc: {  	_ = 	snop  }
0xdd: {  	[spmem:s2] =	stream.indirect.scatter.add.f32 [tilespmem:s4], [sflag:$0x2], $0x80, s15, s12, $0xb8;
	[tilespmem:$0x1CC00] =	vst v63  }
0xde: {  	_ = 	snop  }
0xdf: {  	[spmem:s2] =	stream.indirect.scatter.add.f32 [tilespmem:s4], [sflag:$0x2], $0x80, s16, s12, $0xb8;
	[tilespmem:$0x1CC00] =	vst v63  }
0xe0: {  	_ = 	snop  }
0xe1: {  	[spmem:s2] =	stream.indirect.scatter.add.f32 [tilespmem:s4], [sflag:$0x2], $0x80, s18, s12, $0xb8;
	[tilespmem:$0x1CC00] =	vst v63  }
0xe2: {  	_ = 	snop  }
0xe3: {  	[spmem:s2] =	stream.indirect.scatter.add.f32 [tilespmem:s4], [sflag:$0x2], $0x80, s8, s12, $0xb8;
	[tilespmem:$0x1CC00] =	vst v63  }
0xe4: {  	_ = 	snop  }
0xe5: {  	[spmem:s2] =	stream.indirect.scatter.add.f32 [tilespmem:s4], [sflag:$0x2], $0x80, s29, s12, $0xb8;
	[tilespmem:$0x1CC00] =	vst v63  }
0xe6: {  	_ = 	snop  }
0xe7: {  	[spmem:s2] =	stream.indirect.scatter.add.f32 [tilespmem:s4], [sflag:$0x2], $0x80, s31, s12, $0xb8;
	[tilespmem:$0x1CC00] =	vst v63  }
0xe8: {  	_ =	swait.ge [sflag:s13], $0x4000  }
0xe9: {  	[sflag:s13] =	ssyncset.done $0x0  }
0xea: {  	[sflag:s13] =	ssyncadd.s32 $0xFFFFC000  }
0xeb: {  	_ =	swait.ge [sflag:s13], $0x4000  }
0xec: {  	[sflag:s13] =	ssyncset.done $0x0  }
0xed: {  	[sflag:s13] =	ssyncadd.s32 $0xFFFFC000  }
0xee: {  	_ =	swait.ge [sflag:s13], $0x4000  }
0xef: {  	[sflag:s13] =	ssyncset.done $0x0  }
0xf0: {  	[sflag:s13] =	ssyncadd.s32 $0xFFFFC000  }
0xf1: {  	_ =	swait.ge [sflag:s13], $0x4000  }
0xf2: {  	[sflag:s13] =	ssyncset.done $0x0  }
0xf3: {  	[sflag:s13] =	ssyncadd.s32 $0xFFFFC000  }
0xf4: {  	_ =	swait.ge [sflag:s13], $0x4000  }
0xf5: {  	[sflag:s13] =	ssyncset.done $0x0  }
0xf6: {  	[sflag:s13] =	ssyncadd.s32 $0xFFFFC000  }
0xf7: {  	_ =	swait.ge [sflag:s13], $0x4000  }
0xf8: {  	[sflag:s13] =	ssyncset.done $0x0  }
0xf9: {  	[sflag:s13] =	ssyncadd.s32 $0xFFFFC000  }
0xfa: {  	_ =	swait.ge [sflag:s13], $0x4000  }
0xfb: {  	[sflag:s13] =	ssyncset.done $0x0  }
0xfc: {  	[sflag:s13] =	ssyncadd.s32 $0xFFFFC000  }
0xfd: {  	_ =	swait.ge [sflag:s13], $0x4000  }
0xfe: {  	s28 =	simm.s32 $0x100;
	s26 =	simm.s32 $0x80;
	[sflag:s13] =	ssyncset.done $0x0  }
.LBB2_4:
0xff: {  	s0 =	sadd.s32 s26, s30  }
0x100: {  	[sflag:s13] =	ssyncadd.s32 $0xFFFFC000;
	s26 =	smov.u32 s28;
	s17 =	sadd.s32 $0x80, s28  }
0x101: {  	[tilespmem:s9], [sflag:$0x4] =	stream.linear.gather [hbm4b:s0+s3], $0x400, $0x38;
	[tilespmem:$0x1CC00] =	vst v63  }
0x102: {  	p0 =	sne.s32 s28, $0x200;
	_ =	swait.ge [sflag:s7], $0x400  }
0x103: {  	[sflag:s7] =	ssyncset.done $0x0  }
0x104: {  	[sflag:s7] =	ssyncadd.s32 $0xFFFFFC00  }
0x105: {  	[spmem:s2] =	stream.indirect.scatter.add.f32 [tilespmem:s4], [sflag:$0x2], $0x80, s9, s12, $0xb8;
	[tilespmem:$0x1CC00] =	vst v63  }
0x106: {  	_ = 	snop  }
0x107: {  	[spmem:s2] =	stream.indirect.scatter.add.f32 [tilespmem:s4], [sflag:$0x2], $0x80, s14, s12, $0xb8;
	[tilespmem:$0x1CC00] =	vst v63  }
0x108: {  	_ = 	snop  }
0x109: {  	[spmem:s2] =	stream.indirect.scatter.add.f32 [tilespmem:s4], [sflag:$0x2], $0x80, s15, s12, $0xb8;
	[tilespmem:$0x1CC00] =	vst v63  }
0x10a: {  	_ = 	snop  }
0x10b: {  	[spmem:s2] =	stream.indirect.scatter.add.f32 [tilespmem:s4], [sflag:$0x2], $0x80, s16, s12, $0xb8;
	[tilespmem:$0x1CC00] =	vst v63  }
0x10c: {  	_ = 	snop  }
0x10d: {  	[spmem:s2] =	stream.indirect.scatter.add.f32 [tilespmem:s4], [sflag:$0x2], $0x80, s18, s12, $0xb8;
	[tilespmem:$0x1CC00] =	vst v63  }
0x10e: {  	_ = 	snop  }
0x10f: {  	[spmem:s2] =	stream.indirect.scatter.add.f32 [tilespmem:s4], [sflag:$0x2], $0x80, s8, s12, $0xb8;
	[tilespmem:$0x1CC00] =	vst v63  }
0x110: {  	_ = 	snop  }
0x111: {  	[spmem:s2] =	stream.indirect.scatter.add.f32 [tilespmem:s4], [sflag:$0x2], $0x80, s29, s12, $0xb8;
	[tilespmem:$0x1CC00] =	vst v63  }
0x112: {  	_ = 	snop  }
0x113: {  	[spmem:s2] =	stream.indirect.scatter.add.f32 [tilespmem:s4], [sflag:$0x2], $0x80, s31, s12, $0xb8;
	[tilespmem:$0x1CC00] =	vst v63  }
0x114: {  	_ =	swait.ge [sflag:s13], $0x4000  }
0x115: {  	[sflag:s13] =	ssyncset.done $0x0  }
0x116: {  	[sflag:s13] =	ssyncadd.s32 $0xFFFFC000  }
0x117: {  	_ =	swait.ge [sflag:s13], $0x4000  }
0x118: {  	[sflag:s13] =	ssyncset.done $0x0  }
0x119: {  	[sflag:s13] =	ssyncadd.s32 $0xFFFFC000  }
0x11a: {  	_ =	swait.ge [sflag:s13], $0x4000  }
0x11b: {  	[sflag:s13] =	ssyncset.done $0x0  }
0x11c: {  	[sflag:s13] =	ssyncadd.s32 $0xFFFFC000  }
0x11d: {  	_ =	swait.ge [sflag:s13], $0x4000  }
0x11e: {  	[sflag:s13] =	ssyncset.done $0x0  }
0x11f: {  	[sflag:s13] =	ssyncadd.s32 $0xFFFFC000  }
0x120: {  	_ =	swait.ge [sflag:s13], $0x4000  }
0x121: {  	[sflag:s13] =	ssyncset.done $0x0  }
0x122: {  	[sflag:s13] =	ssyncadd.s32 $0xFFFFC000  }
0x123: {  	_ =	swait.ge [sflag:s13], $0x4000  }
0x124: {  	[sflag:s13] =	ssyncset.done $0x0  }
0x125: {  	[sflag:s13] =	ssyncadd.s32 $0xFFFFC000  }
.Ltmp1:
0x126: {  	_ =	swait.ge [sflag:s13], $0x4000;
	(pc) =	sbr.rel @p0 .LBB2_4-.Ltmp1, $4  }
0x127: {  	[sflag:s13] =	ssyncset.done $0x0  }
0x128: {  	[sflag:s13] =	ssyncadd.s32 $0xFFFFC000  }
0x129: {  	_ =	swait.ge [sflag:s13], $0x4000  }
0x12a: {  	s28 =	smov.u32 s17;
	[sflag:s13] =	ssyncset.done $0x0  }
0x12b: {  	s0 =	sadd.s32 s26, s30;
	[sflag:s13] =	ssyncadd.s32 $0xFFFFC000  }
0x12c: {  	[tilespmem:s9], [sflag:$0x4] =	stream.linear.gather [hbm4b:s0+s3], $0x400, $0x38;
	[tilespmem:$0x1CC00] =	vst v63  }
0x12d: {  	_ =	swait.ge [sflag:s7], $0x400  }
0x12e: {  	[sflag:s7] =	ssyncset.done $0x0  }
0x12f: {  	[sflag:s7] =	ssyncadd.s32 $0xFFFFFC00  }
0x130: {  	[spmem:s2] =	stream.indirect.scatter.add.f32 [tilespmem:s4], [sflag:$0x2], $0x80, s9, s12, $0xb8;
	[tilespmem:$0x1CC00] =	vst v63  }
0x131: {  	_ = 	snop  }
0x132: {  	[spmem:s2] =	stream.indirect.scatter.add.f32 [tilespmem:s4], [sflag:$0x2], $0x80, s14, s12, $0xb8;
	[tilespmem:$0x1CC00] =	vst v63  }
0x133: {  	_ = 	snop  }
0x134: {  	[spmem:s2] =	stream.indirect.scatter.add.f32 [tilespmem:s4], [sflag:$0x2], $0x80, s15, s12, $0xb8;
	[tilespmem:$0x1CC00] =	vst v63  }
0x135: {  	_ = 	snop  }
0x136: {  	[spmem:s2] =	stream.indirect.scatter.add.f32 [tilespmem:s4], [sflag:$0x2], $0x80, s16, s12, $0xb8;
	[tilespmem:$0x1CC00] =	vst v63  }
0x137: {  	_ = 	snop  }
0x138: {  	[spmem:s2] =	stream.indirect.scatter.add.f32 [tilespmem:s4], [sflag:$0x2], $0x80, s18, s12, $0xb8;
	[tilespmem:$0x1CC00] =	vst v63  }
0x139: {  	_ = 	snop  }
0x13a: {  	[spmem:s2] =	stream.indirect.scatter.add.f32 [tilespmem:s4], [sflag:$0x2], $0x80, s8, s12, $0xb8;
	[tilespmem:$0x1CC00] =	vst v63  }
0x13b: {  	_ = 	snop  }
0x13c: {  	[spmem:s2] =	stream.indirect.scatter.add.f32 [tilespmem:s4], [sflag:$0x2], $0x80, s29, s12, $0xb8;
	[tilespmem:$0x1CC00] =	vst v63  }
0x13d: {  	_ = 	snop  }
0x13e: {  	[spmem:s2] =	stream.indirect.scatter.add.f32 [tilespmem:s4], [sflag:$0x2], $0x80, s31, s12, $0xb8;
	[tilespmem:$0x1CC00] =	vst v63  }
0x13f: {  	_ =	swait.ge [sflag:s13], $0x4000  }
0x140: {  	[sflag:s13] =	ssyncset.done $0x0  }
0x141: {  	[sflag:s13] =	ssyncadd.s32 $0xFFFFC000  }
0x142: {  	_ =	swait.ge [sflag:s13], $0x4000  }
0x143: {  	[sflag:s13] =	ssyncset.done $0x0  }
0x144: {  	[sflag:s13] =	ssyncadd.s32 $0xFFFFC000  }
0x145: {  	_ =	swait.ge [sflag:s13], $0x4000  }
0x146: {  	[sflag:s13] =	ssyncset.done $0x0  }
0x147: {  	[sflag:s13] =	ssyncadd.s32 $0xFFFFC000  }
0x148: {  	_ =	swait.ge [sflag:s13], $0x4000  }
0x149: {  	[sflag:s13] =	ssyncset.done $0x0  }
0x14a: {  	[sflag:s13] =	ssyncadd.s32 $0xFFFFC000  }
0x14b: {  	_ =	swait.ge [sflag:s13], $0x4000  }
0x14c: {  	[sflag:s13] =	ssyncset.done $0x0  }
0x14d: {  	[sflag:s13] =	ssyncadd.s32 $0xFFFFC000  }
0x14e: {  	_ =	swait.ge [sflag:s13], $0x4000  }
0x14f: {  	[sflag:s13] =	ssyncset.done $0x0  }
0x150: {  	[sflag:s13] =	ssyncadd.s32 $0xFFFFC000  }
0x151: {  	_ =	swait.ge [sflag:s13], $0x4000  }
0x152: {  	[sflag:s13] =	ssyncset.done $0x0  }
0x153: {  	[sflag:s13] =	ssyncadd.s32 $0xFFFFC000  }
0x154: {  	_ =	swait.ge [sflag:s13], $0x4000  }
0x155: {  	[sflag:s13] =	ssyncset.done $0x0  }
0x156: {  	[sflag:s13] =	ssyncadd.s32 $0xFFFFC000  }
0x157: {  	[bflag:$0x0] =	sbarrier.arrive $0xFFFF  }
0x158: {  	[tilespmem:s4], [sflag:$0x4] =	stream.linear.gather [spmem:s21], $0x4000, $0x38;
	[tilespmem:$0x1CC00] =	vst v63  }
0x159: {  	_ =	swait.ge [sflag:s7], $0x4000  }
0x15a: {  	[sflag:s7] =	ssyncset.done $0x0  }
0x15b: {  	s17 =	rddreg [dreg:$0x9];
	[sflag:s7] =	ssyncadd.s32 $0xFFFFC000  }
0x15c: {  	[hbm4b:s17+s3] =	stream.linear.scatter [tilespmem:s4], [sflag:$0x4], $0x4000, $0x38;
	[tilespmem:$0x1CC00] =	vst v63  }
0x15d: {  	_ =	swait.ge [sflag:s7], $0x4000  }
0x15e: {  	[sflag:s7] =	ssyncset.done $0x0  }
0x15f: {  	[sflag:s7] =	ssyncadd.s32 $0xFFFFC000  }
0x160: {  	[tilespmem:s4], [sflag:$0x4] =	stream.linear.gather [spmem:s22], $0x4000, $0x38;
	[tilespmem:$0x1CC00] =	vst v63  }
0x161: {  	_ =	swait.ge [sflag:s7], $0x4000  }
0x162: {  	[sflag:s7] =	ssyncset.done $0x0  }
0x163: {  	s26 =	rddreg [dreg:$0xa];
	[sflag:s7] =	ssyncadd.s32 $0xFFFFC000  }
0x164: {  	[hbm4b:s26+s3] =	stream.linear.scatter [tilespmem:s4], [sflag:$0x4], $0x4000, $0x38;
	[tilespmem:$0x1CC00] =	vst v63  }
0x165: {  	_ =	swait.ge [sflag:s7], $0x4000  }
0x166: {  	[sflag:s7] =	ssyncset.done $0x0  }
0x167: {  	[sflag:s7] =	ssyncadd.s32 $0xFFFFC000  }
0x168: {  	[tilespmem:s4], [sflag:$0x4] =	stream.linear.gather [spmem:s23], $0x4000, $0x38;
	[tilespmem:$0x1CC00] =	vst v63  }
0x169: {  	_ =	swait.ge [sflag:s7], $0x4000  }
0x16a: {  	[sflag:s7] =	ssyncset.done $0x0  }
0x16b: {  	s28 =	rddreg [dreg:$0xb];
	[sflag:s7] =	ssyncadd.s32 $0xFFFFC000  }
0x16c: {  	[hbm4b:s28+s3] =	stream.linear.scatter [tilespmem:s4], [sflag:$0x4], $0x4000, $0x38;
	[tilespmem:$0x1CC00] =	vst v63  }
0x16d: {  	_ =	swait.ge [sflag:s7], $0x4000  }
0x16e: {  	[sflag:s7] =	ssyncset.done $0x0  }
0x16f: {  	[sflag:s7] =	ssyncadd.s32 $0xFFFFC000  }
0x170: {  	[tilespmem:s4], [sflag:$0x4] =	stream.linear.gather [spmem:s24], $0x4000, $0x38;
	[tilespmem:$0x1CC00] =	vst v63  }
0x171: {  	_ =	swait.ge [sflag:s7], $0x4000  }
0x172: {  	[sflag:s7] =	ssyncset.done $0x0  }
0x173: {  	s17 =	rddreg [dreg:$0xc];
	[sflag:s7] =	ssyncadd.s32 $0xFFFFC000  }
0x174: {  	[hbm4b:s17+s3] =	stream.linear.scatter [tilespmem:s4], [sflag:$0x4], $0x4000, $0x38;
	[tilespmem:$0x1CC00] =	vst v63  }
0x175: {  	_ =	swait.ge [sflag:s7], $0x4000  }
0x176: {  	[sflag:s7] =	ssyncset.done $0x0  }
0x177: {  	[sflag:s7] =	ssyncadd.s32 $0xFFFFC000  }
0x178: {  	[tilespmem:s4], [sflag:$0x4] =	stream.linear.gather [spmem:s10], $0x3C00, $0x38;
	[tilespmem:$0x1CC00] =	vst v63  }
0x179: {  	_ =	swait.ge [sflag:s7], $0x3C00  }
0x17a: {  	[sflag:s7] =	ssyncset.done $0x0  }
0x17b: {  	s26 =	rddreg [dreg:$0xd];
	[sflag:s7] =	ssyncadd.s32 $0xFFFFC400  }
0x17c: {  	[hbm4b:s26+s3] =	stream.linear.scatter [tilespmem:s4], [sflag:$0x4], $0x3C00, $0x38;
	[tilespmem:$0x1CC00] =	vst v63  }
0x17d: {  	_ =	swait.ge [sflag:s7], $0x3C00  }
0x17e: {  	s17 =	rddreg [dreg:$0x1a]  }
0x17f: {  	s28 =	rddreg [dreg:$0x17];
	s17 =	sadd.s32 $0x1, s17  }
0x180: {  	p0 =	sne.s32 s17, s28  }
.Ltmp2:
0x181: {  	_ = 	snop;
	(pc) =	sbr.rel @p0 .LBB2_1-.Ltmp2, $3  }
0x182: {  	_ =	sdelay $0x1  }
0x183: {  	[sflag:s7] =	ssyncset.done $0x0  }
0x184: {  	[sflag:s7] =	ssyncadd.s32 $0xFFFFC400  }
0x185: {  	_ =	sfence.sel $0x180000  }
0x186: {  	[bflag:$0x0] =	sbarrier.arrive $0xFFFF  }
0x187: {  	_ =	strace $0x90000047  }
0x188: {  	s0 =	stileid.u32;
	[bflag:$0x2] =	sbarrier.arrive $0xFFFF  }
0x189: {  	p0 =	sne.s32 s0, $0x0;
	s0 =	rddreg [dreg:$0x3]  }
0x18a: {  	s0 =	sadd.s32 @!p0 $0x100000, s0  }
0x18b: {  	[sflag:s0] =	ssyncadd.tile.s32 @!p0 $0x1;
	_ =	shalt  }
.Lfunc_end2:
_tile_overlayer_lowered:
.L_overlay_start_2:
0x18c: {  	(tag) =	ssettag $0x2  }
0x18d: {  	s0 =	rddreg [dreg:$0x0];
	s2 =	stileid.u32  }
0x18e: {  	s1 =	rddreg [dreg:$0x1];
	p0 =	sne.s32 s2, $0x0  }
0x18f: {  	s3 =	rddreg [dreg:$0x2];
	[bflag:$0x3] =	sbarrier.arrive $0xFFFF;
	s2 =	simm.s32 @!p0 $0x1C04  }
0x190: {  	[timem:s3], [sflag:s2] =	dma.local @!p0 [hbm:s0], s1  }
0x191: {  	s0 =	simm.s32 @!p0 $0x4  }
0x192: {  	_ =	swait.ge @!p0 [sflag:s0], s1  }
0x193: {  	s1 =	ssub.s32 @!p0 $0x0, s1;
	[sflag:s0] =	ssyncset.done @!p0 $0x0  }
0x194: {  	[sflag:s0] =	ssyncadd.s32 @!p0 s1  }
0x195: {  	[bflag:$0x3] =	sbarrier.arrive $0xFFFF  }
0x196: {  	_ =	shalt  }

</sc_bundles>
